<compile_context>
chip_gen: v7x
topology: tpu7x:2x2x1
jax: 0.10.2.dev20260603
libtpu: 0.0.44.dev20260713+nightly
codegen_flags: <defaults>
</compile_context>

<pallas_src>
import functools

import jax
import jax.numpy as jnp
from jax import lax
from jax.experimental import pallas as pl
from jax.experimental.pallas import tpu as pltpu
from jax.experimental.pallas import tpu_sc as plsc

T = 32768
B = 16
E = 128
D = 2
L = 16
NC = 2
NS = 16
NW = NC * NS
CHUNK = T // NW
EV = E // L
BE = B * E
SLICE = BE // NS
BND = 48


def _sc_body(px_hbm, py_hbm, coef_hbm, bounds_hbm, out_hbm,
             px_v, py_v, coef_v, bnd_v, acc_v, red_v, red2_v, shared):
    c = lax.axis_index("c")
    s = lax.axis_index("s")
    wid = c * NS + s
    base = wid * CHUNK

    pltpu.sync_copy(px_hbm.at[pl.ds(base, CHUNK)], px_v.at[pl.ds(0, CHUNK)])
    pltpu.sync_copy(py_hbm.at[pl.ds(base, CHUNK)], py_v.at[pl.ds(0, CHUNK)])
    pltpu.sync_copy(coef_hbm, coef_v)
    pltpu.sync_copy(bounds_hbm.at[wid], bnd_v)

    zero = jnp.zeros((L,), jnp.float32)
    for k in range(BE // L):
        acc_v[pl.ds(k * L, L)] = zero

    c0 = [coef_v[0, pl.ds(j * L, L)] for j in range(EV)]
    c1 = [coef_v[1, pl.ds(j * L, L)] for j in range(EV)]
    ns0 = [coef_v[2, pl.ds(j * L, L)] for j in range(EV)]
    ns1 = [coef_v[3, pl.ds(j * L, L)] for j in range(EV)]

    def _resp(pxv, pyv, j):
        d0 = pxv - c0[j]
        d1 = pyv - c1[j]
        return jnp.exp(d0 * d0 * ns0[j] + d1 * d1 * ns1[j])

    def seg_body(b, carry):
        lo = bnd_v[pl.ds(b, L)][0]
        hi = bnd_v[pl.ds(b + B, L)][0]
        boff = b * E

        def _single(t):
            vx = jnp.full((L,), px_v[pl.ds(t, L)][0], jnp.float32)
            vy = jnp.full((L,), py_v[pl.ds(t, L)][0], jnp.float32)
            for j in range(EV):
                plsc.addupdate(acc_v.at[pl.ds(boff + j * L, L)],
                               _resp(vx, vy, j))

        @pl.when(((lo & 1) == 1) & (lo < hi))
        def _():
            _single(lo)

        @pl.when(((hi & 1) == 1) & (hi - 1 >= lo))
        def _():
            _single(hi - 1)

        def body(p, accs):
            vldx = px_v[pl.ds(p * 2, L)]
            vldy = py_v[pl.ds(p * 2, L)]
            x0 = jnp.full((L,), vldx[0], jnp.float32)
            y0 = jnp.full((L,), vldy[0], jnp.float32)
            x1 = jnp.full((L,), vldx[1], jnp.float32)
            y1 = jnp.full((L,), vldy[1], jnp.float32)
            new = []
            for j in range(EV):
                new.append(accs[j] + _resp(x0, y0, j) + _resp(x1, y1, j))
            return tuple(new)

        accs = lax.fori_loop(
            lax.shift_right_logical(lo + 1, 1),
            lax.shift_right_logical(hi, 1),
            body,
            tuple(jnp.zeros((L,), jnp.float32) for _ in range(EV)))
        for j in range(EV):
            plsc.addupdate(acc_v.at[pl.ds(boff + j * L, L)], accs[j])
        return carry

    lax.fori_loop(0, B, seg_body, jnp.int32(0))

    pltpu.sync_copy(acc_v, shared.at[s])
    plsc.subcore_barrier()
    soff = s * SLICE
    pltpu.sync_copy(shared.at[:, pl.ds(soff, SLICE)], red2_v)
    for j in range(SLICE // L):
        tot = red2_v[0, pl.ds(j * L, L)]
        for r in range(1, NS):
            tot = tot + red2_v[r, pl.ds(j * L, L)]
        red_v[pl.ds(j * L, L)] = tot
    pltpu.sync_copy(red_v, out_hbm.at[c, pl.ds(soff, SLICE)])


_sc_call = functools.partial(
    pl.kernel,
    out_type=jax.ShapeDtypeStruct((NC, BE), jnp.float32),
    mesh=plsc.VectorSubcoreMesh(
        core_axis_name="c", subcore_axis_name="s",
        num_cores=NC, num_subcores=NS),
    scratch_types=[
        pltpu.VMEM((CHUNK + L,), jnp.float32),
        pltpu.VMEM((CHUNK + L,), jnp.float32),
        pltpu.VMEM((4, E), jnp.float32),
        pltpu.VMEM((BND,), jnp.int32),
        pltpu.VMEM((BE,), jnp.float32),
        pltpu.VMEM((SLICE,), jnp.float32),
        pltpu.VMEM((NS, SLICE), jnp.float32),
        pltpu.VMEM_SHARED((NS, BE), jnp.float32),
    ],
)(_sc_body)


def kernel(flat, cu_seqlens, centers, log_sharpness):
    sharp = jax.nn.softplus(log_sharpness) + 1e-06
    coef = jnp.stack(
        [centers[:, 0], centers[:, 1], -sharp[:, 0], -sharp[:, 1]])
    cu = cu_seqlens.astype(jnp.int32)
    wbase = jnp.arange(NW, dtype=jnp.int32)[:, None] * CHUNK
    lo = jnp.clip(cu[None, :-1] - wbase, 0, CHUNK)
    hi = jnp.clip(cu[None, 1:] - wbase, 0, CHUNK)
    pad = jnp.zeros((NW, BND - 2 * B), jnp.int32)
    bounds = jnp.concatenate([lo, hi, pad], axis=1)
    partial = _sc_call(flat[:, 0], flat[:, 1], coef, bounds)
    return (partial[0] + partial[1]).reshape(B, E)

# --- scband reference (transcript-rebuilt; emitter-appended) ---
"""Pipeline reference for scband-fallback-slayer-exponential-20486994002573 (READ-ONLY COPY).

The authoritative reference and input builder live on the scoring server;
editing this copy changes nothing except your own understanding.
"""

import jax, jax.numpy as jnp
import numpy as np

T = 32768
B = 16
E = 128
D = 2


def setup_inputs(seed: int = 0) -> dict:
    key = jax.random.key(seed)
    k1, k2, k3, k4 = jax.random.split(key, 4)
    flat = jax.random.normal(k1, (T, D), dtype=jnp.float32)
    cu = jnp.sort(jax.random.randint(k2, (B + 1,), 0, T, dtype=jnp.int32))
    cu = cu.at[0].set(0).at[-1].set(T)
    centers = jax.random.uniform(k3, (E, D), dtype=jnp.float32)
    log_sharpness = jnp.log(jnp.full((E, D), 3.0, dtype=jnp.float32))
    return {"flat": flat, "cu_seqlens": cu, "centers": centers, "log_sharpness": log_sharpness}


def reference(flat, cu_seqlens, centers, log_sharpness):
    # sharpness = softplus(log_sharpness) + 1e-6
    sharpness = jax.nn.softplus(log_sharpness) + 1e-06
    # per-point response to every structure element: exp(-sum_d s_d * (p_d - c_d)^2)
    diff = flat[:, None, :] - centers[None, :, :]          # [T, E, D]
    response = jnp.exp(-jnp.sum(sharpness[None, :, :] * diff * diff, axis=2))  # [T, E]
    # ragged -> segment ids from cu_seqlens, then segment-sum over each bag
    n_seg = cu_seqlens.shape[0] - 1
    seg = jnp.clip(
        jnp.searchsorted(cu_seqlens, jnp.arange(flat.shape[0]), side="right") - 1,
        0,
        n_seg - 1,
    )
    out = jax.ops.segment_sum(response, seg, num_segments=n_seg)  # [B, E]
    # empty segments naturally produce zeros, matching the torch fallback branch
    return out

if __name__ == "__main__":
    import jax
    _d = setup_inputs()
    print(jax.jit(kernel)(*tuple(_d.values())))

</pallas_src>

<mosaic_0001>
#map = affine_map<(d0, d1) -> (0)>
#map1 = affine_map<(d0, d1) -> (0, 0)>
module attributes {stable_mosaic.version = 14 : i64} {
  func.func @_sc_body(%arg0: i32, %arg1: i32, %arg2: memref<32768xf32, #tpu.memory_space<hbm>>, %arg3: memref<32768xf32, #tpu.memory_space<hbm>>, %arg4: memref<4x128xf32, #tpu.memory_space<hbm>>, %arg5: memref<32x48xi32, #tpu.memory_space<hbm>>, %arg6: memref<2x2048xf32, #tpu.memory_space<hbm>>, %arg7: memref<1040xf32, #tpu.memory_space<vmem>>, %arg8: memref<1040xf32, #tpu.memory_space<vmem>>, %arg9: memref<4x128xf32, #tpu.memory_space<vmem>>, %arg10: memref<48xi32, #tpu.memory_space<vmem>>, %arg11: memref<2048xf32, #tpu.memory_space<vmem>>, %arg12: memref<128xf32, #tpu.memory_space<vmem>>, %arg13: memref<16x128xf32, #tpu.memory_space<vmem>>, %arg14: memref<16x2048xf32, #tpu.memory_space<vmem_shared>>) attributes {dimension_semantics = [#tpu.dimension_semantics<core_parallel>, #tpu.dimension_semantics<subcore_parallel>], iteration_bounds = array<i64: 2, 16>, scalar_prefetch = 0 : i64, scratch_operands = 8 : i64, tpu.core_type = #tpu.core_type<sc_vector_subcore>, window_params = [{transform_indices = #map}, {transform_indices = #map}, {transform_indices = #map1}, {transform_indices = #map1}, {transform_indices = #map1}]} {
    %mul3A = arith.constant 16 : i32
    %mul3A_0 = arith.muli %arg0, %mul3A : i32
    %add3A = arith.addi %mul3A_0, %arg1 : i32
    %mul3A_1 = arith.constant 1024 : i32
    %mul3A_2 = arith.muli %add3A, %mul3A_1 : i32
    "tpu.region"() ({
      %run_scoped3A = tpu.sem_alloc : memref<!tpu.dma_semaphore, #tpu.memory_space<semaphore_mem>>
      %dma_start3A = arith.constant 0 : i32
      %dma_start3A_1473 = tpu.memref_slice %arg7[%dma_start3A] : memref<1040xf32, #tpu.memory_space<vmem>> -> memref<1024xf32, #tpu.memory_space<vmem>>
      %dma_start3A_1474 = tpu.memref_slice %arg2[%mul3A_2] : memref<32768xf32, #tpu.memory_space<hbm>> -> memref<1024xf32, #tpu.memory_space<hbm>>
      %dma_start3A_1475 = arith.constant 0 : i32
      %dma_start3A_1476 = tpu.memref_slice %arg7[%dma_start3A_1475] : memref<1040xf32, #tpu.memory_space<vmem>> -> memref<1024xf32, #tpu.memory_space<vmem>>
      %dma_start3A_1477 = tpu.memref_slice %arg2[%mul3A_2] : memref<32768xf32, #tpu.memory_space<hbm>> -> memref<1024xf32, #tpu.memory_space<hbm>>
      tpu.enqueue_dma source(%dma_start3A_1477 : memref<1024xf32, #tpu.memory_space<hbm>>) target(%dma_start3A_1476 : memref<1024xf32, #tpu.memory_space<vmem>>) target_semaphore(%run_scoped3A : memref<!tpu.dma_semaphore, #tpu.memory_space<semaphore_mem>>)
      %dma_wait3A = arith.constant 0 : i32
      %dma_wait3A_1478 = tpu.memref_slice %arg7[%dma_wait3A] : memref<1040xf32, #tpu.memory_space<vmem>> -> memref<1024xf32, #tpu.memory_space<vmem>>
      %dma_wait3A_1479 = tpu.memref_slice %arg2[%mul3A_2] : memref<32768xf32, #tpu.memory_space<hbm>> -> memref<1024xf32, #tpu.memory_space<hbm>>
      %dma_wait3A_1480 = arith.constant 0 : i32
      %dma_wait3A_1481 = tpu.memref_slice %arg7[%dma_wait3A_1480] : memref<1040xf32, #tpu.memory_space<vmem>> -> memref<1024xf32, #tpu.memory_space<vmem>>
      %dma_wait3A_1482 = tpu.memref_slice %arg2[%mul3A_2] : memref<32768xf32, #tpu.memory_space<hbm>> -> memref<1024xf32, #tpu.memory_space<hbm>>
      tpu.wait_dma2 semaphore(%run_scoped3A : memref<!tpu.dma_semaphore, #tpu.memory_space<semaphore_mem>>) src(%dma_wait3A_1482 : memref<1024xf32, #tpu.memory_space<hbm>>) dst(%dma_wait3A_1481 : memref<1024xf32, #tpu.memory_space<vmem>>)
      tpu.yield
    }) : () -> ()
    "tpu.region"() ({
      %run_scoped3A = tpu.sem_alloc : memref<!tpu.dma_semaphore, #tpu.memory_space<semaphore_mem>>
      %dma_start3A = arith.constant 0 : i32
      %dma_start3A_1473 = tpu.memref_slice %arg8[%dma_start3A] : memref<1040xf32, #tpu.memory_space<vmem>> -> memref<1024xf32, #tpu.memory_space<vmem>>
      %dma_start3A_1474 = tpu.memref_slice %arg3[%mul3A_2] : memref<32768xf32, #tpu.memory_space<hbm>> -> memref<1024xf32, #tpu.memory_space<hbm>>
      %dma_start3A_1475 = arith.constant 0 : i32
      %dma_start3A_1476 = tpu.memref_slice %arg8[%dma_start3A_1475] : memref<1040xf32, #tpu.memory_space<vmem>> -> memref<1024xf32, #tpu.memory_space<vmem>>
      %dma_start3A_1477 = tpu.memref_slice %arg3[%mul3A_2] : memref<32768xf32, #tpu.memory_space<hbm>> -> memref<1024xf32, #tpu.memory_space<hbm>>
      tpu.enqueue_dma source(%dma_start3A_1477 : memref<1024xf32, #tpu.memory_space<hbm>>) target(%dma_start3A_1476 : memref<1024xf32, #tpu.memory_space<vmem>>) target_semaphore(%run_scoped3A : memref<!tpu.dma_semaphore, #tpu.memory_space<semaphore_mem>>)
      %dma_wait3A = arith.constant 0 : i32
      %dma_wait3A_1478 = tpu.memref_slice %arg8[%dma_wait3A] : memref<1040xf32, #tpu.memory_space<vmem>> -> memref<1024xf32, #tpu.memory_space<vmem>>
      %dma_wait3A_1479 = tpu.memref_slice %arg3[%mul3A_2] : memref<32768xf32, #tpu.memory_space<hbm>> -> memref<1024xf32, #tpu.memory_space<hbm>>
      %dma_wait3A_1480 = arith.constant 0 : i32
      %dma_wait3A_1481 = tpu.memref_slice %arg8[%dma_wait3A_1480] : memref<1040xf32, #tpu.memory_space<vmem>> -> memref<1024xf32, #tpu.memory_space<vmem>>
      %dma_wait3A_1482 = tpu.memref_slice %arg3[%mul3A_2] : memref<32768xf32, #tpu.memory_space<hbm>> -> memref<1024xf32, #tpu.memory_space<hbm>>
      tpu.wait_dma2 semaphore(%run_scoped3A : memref<!tpu.dma_semaphore, #tpu.memory_space<semaphore_mem>>) src(%dma_wait3A_1482 : memref<1024xf32, #tpu.memory_space<hbm>>) dst(%dma_wait3A_1481 : memref<1024xf32, #tpu.memory_space<vmem>>)
      tpu.yield
    }) : () -> ()
    "tpu.region"() ({
      %run_scoped3A = tpu.sem_alloc : memref<!tpu.dma_semaphore, #tpu.memory_space<semaphore_mem>>
      tpu.enqueue_dma source(%arg4 : memref<4x128xf32, #tpu.memory_space<hbm>>) target(%arg9 : memref<4x128xf32, #tpu.memory_space<vmem>>) target_semaphore(%run_scoped3A : memref<!tpu.dma_semaphore, #tpu.memory_space<semaphore_mem>>)
      tpu.wait_dma2 semaphore(%run_scoped3A : memref<!tpu.dma_semaphore, #tpu.memory_space<semaphore_mem>>) src(%arg4 : memref<4x128xf32, #tpu.memory_space<hbm>>) dst(%arg9 : memref<4x128xf32, #tpu.memory_space<vmem>>)
      tpu.yield
    }) : () -> ()
    "tpu.region"() ({
      %run_scoped3A = tpu.sem_alloc : memref<!tpu.dma_semaphore, #tpu.memory_space<semaphore_mem>>
      %dma_start3A = arith.constant 0 : i32
      %dma_start3A_1473 = tpu.memref_slice %arg5[%add3A, %dma_start3A] : memref<32x48xi32, #tpu.memory_space<hbm>> -> memref<1x48xi32, #tpu.memory_space<hbm>>
      %dma_start3A_1474 = tpu.memref_squeeze %dma_start3A_1473 : memref<1x48xi32, #tpu.memory_space<hbm>> -> memref<48xi32, #tpu.memory_space<hbm>>
      %dma_start3A_1475 = arith.constant 0 : i32
      %dma_start3A_1476 = tpu.memref_slice %arg5[%add3A, %dma_start3A_1475] : memref<32x48xi32, #tpu.memory_space<hbm>> -> memref<1x48xi32, #tpu.memory_space<hbm>>
      %dma_start3A_1477 = tpu.memref_squeeze %dma_start3A_1476 : memref<1x48xi32, #tpu.memory_space<hbm>> -> memref<48xi32, #tpu.memory_space<hbm>>
      tpu.enqueue_dma source(%dma_start3A_1477 : memref<48xi32, #tpu.memory_space<hbm>>) target(%arg10 : memref<48xi32, #tpu.memory_space<vmem>>) target_semaphore(%run_scoped3A : memref<!tpu.dma_semaphore, #tpu.memory_space<semaphore_mem>>)
      %dma_wait3A = arith.constant 0 : i32
      %dma_wait3A_1478 = tpu.memref_slice %arg5[%add3A, %dma_wait3A] : memref<32x48xi32, #tpu.memory_space<hbm>> -> memref<1x48xi32, #tpu.memory_space<hbm>>
      %dma_wait3A_1479 = tpu.memref_squeeze %dma_wait3A_1478 : memref<1x48xi32, #tpu.memory_space<hbm>> -> memref<48xi32, #tpu.memory_space<hbm>>
      %dma_wait3A_1480 = arith.constant 0 : i32
      %dma_wait3A_1481 = tpu.memref_slice %arg5[%add3A, %dma_wait3A_1480] : memref<32x48xi32, #tpu.memory_space<hbm>> -> memref<1x48xi32, #tpu.memory_space<hbm>>
      %dma_wait3A_1482 = tpu.memref_squeeze %dma_wait3A_1481 : memref<1x48xi32, #tpu.memory_space<hbm>> -> memref<48xi32, #tpu.memory_space<hbm>>
      tpu.wait_dma2 semaphore(%run_scoped3A : memref<!tpu.dma_semaphore, #tpu.memory_space<semaphore_mem>>) src(%dma_wait3A_1482 : memref<48xi32, #tpu.memory_space<hbm>>) dst(%arg10 : memref<48xi32, #tpu.memory_space<vmem>>)
      tpu.yield
    }) : () -> ()
    %broadcast_in_dim3A = arith.constant 0.000000e+00 : f32
    %broadcast_in_dim3A_3 = vector.broadcast %broadcast_in_dim3A : f32 to vector<16xf32>
    %swap3A = arith.constant 0 : index
    %swap3A_4 = tpu.vector_load %arg11[%swap3A] {strides = array<i32>} : memref<2048xf32, #tpu.memory_space<vmem>>, vector<16xf32>,
    %swap3A_5 = vector.shape_cast %swap3A_4 : vector<16xf32> to vector<16xf32>
    %swap3A_6 = vector.shape_cast %broadcast_in_dim3A_3 : vector<16xf32> to vector<16xf32>
    tpu.vector_store %arg11[%swap3A], %swap3A_6 {strides = array<i32>} : memref<2048xf32, #tpu.memory_space<vmem>>, vector<16xf32>,
    %swap3A_7 = arith.constant 16 : index
    %swap3A_8 = tpu.vector_load %arg11[%swap3A_7] {strides = array<i32>} : memref<2048xf32, #tpu.memory_space<vmem>>, vector<16xf32>,
    %swap3A_9 = vector.shape_cast %swap3A_8 : vector<16xf32> to vector<16xf32>
    %swap3A_10 = vector.shape_cast %broadcast_in_dim3A_3 : vector<16xf32> to vector<16xf32>
    tpu.vector_store %arg11[%swap3A_7], %swap3A_10 {strides = array<i32>} : memref<2048xf32, #tpu.memory_space<vmem>>, vector<16xf32>,
    %swap3A_11 = arith.constant 32 : index
    %swap3A_12 = tpu.vector_load %arg11[%swap3A_11] {strides = array<i32>} : memref<2048xf32, #tpu.memory_space<vmem>>, vector<16xf32>,
    %swap3A_13 = vector.shape_cast %swap3A_12 : vector<16xf32> to vector<16xf32>
    %swap3A_14 = vector.shape_cast %broadcast_in_dim3A_3 : vector<16xf32> to vector<16xf32>
    tpu.vector_store %arg11[%swap3A_11], %swap3A_14 {strides = array<i32>} : memref<2048xf32, #tpu.memory_space<vmem>>, vector<16xf32>,
    %swap3A_15 = arith.constant 48 : index
    %swap3A_16 = tpu.vector_load %arg11[%swap3A_15] {strides = array<i32>} : memref<2048xf32, #tpu.memory_space<vmem>>, vector<16xf32>,
    %swap3A_17 = vector.shape_cast %swap3A_16 : vector<16xf32> to vector<16xf32>
    %swap3A_18 = vector.shape_cast %broadcast_in_dim3A_3 : vector<16xf32> to vector<16xf32>
    tpu.vector_store %arg11[%swap3A_15], %swap3A_18 {strides = array<i32>} : memref<2048xf32, #tpu.memory_space<vmem>>, vector<16xf32>,
    %swap3A_19 = arith.constant 64 : index
    %swap3A_20 = tpu.vector_load %arg11[%swap3A_19] {strides = array<i32>} : memref<2048xf32, #tpu.memory_space<vmem>>, vector<16xf32>,
    %swap3A_21 = vector.shape_cast %swap3A_20 : vector<16xf32> to vector<16xf32>
    %swap3A_22 = vector.shape_cast %broadcast_in_dim3A_3 : vector<16xf32> to vector<16xf32>
    tpu.vector_store %arg11[%swap3A_19], %swap3A_22 {strides = array<i32>} : memref<2048xf32, #tpu.memory_space<vmem>>, vector<16xf32>,
    %swap3A_23 = arith.constant 80 : index
    %swap3A_24 = tpu.vector_load %arg11[%swap3A_23] {strides = array<i32>} : memref<2048xf32, #tpu.memory_space<vmem>>, vector<16xf32>,
    %swap3A_25 = vector.shape_cast %swap3A_24 : vector<16xf32> to vector<16xf32>
    %swap3A_26 = vector.shape_cast %broadcast_in_dim3A_3 : vector<16xf32> to vector<16xf32>
    tpu.vector_store %arg11[%swap3A_23], %swap3A_26 {strides = array<i32>} : memref<2048xf32, #tpu.memory_space<vmem>>, vector<16xf32>,
    %swap3A_27 = arith.constant 96 : index
    %swap3A_28 = tpu.vector_load %arg11[%swap3A_27] {strides = array<i32>} : memref<2048xf32, #tpu.memory_space<vmem>>, vector<16xf32>,
    %swap3A_29 = vector.shape_cast %swap3A_28 : vector<16xf32> to vector<16xf32>
    %swap3A_30 = vector.shape_cast %broadcast_in_dim3A_3 : vector<16xf32> to vector<16xf32>
    tpu.vector_store %arg11[%swap3A_27], %swap3A_30 {strides = array<i32>} : memref<2048xf32, #tpu.memory_space<vmem>>, vector<16xf32>,
    %swap3A_31 = arith.constant 112 : index
    %swap3A_32 = tpu.vector_load %arg11[%swap3A_31] {strides = array<i32>} : memref<2048xf32, #tpu.memory_space<vmem>>, vector<16xf32>,
    %swap3A_33 = vector.shape_cast %swap3A_32 : vector<16xf32> to vector<16xf32>
    %swap3A_34 = vector.shape_cast %broadcast_in_dim3A_3 : vector<16xf32> to vector<16xf32>
    tpu.vector_store %arg11[%swap3A_31], %swap3A_34 {strides = array<i32>} : memref<2048xf32, #tpu.memory_space<vmem>>, vector<16xf32>,
    %swap3A_35 = arith.constant 128 : index
    %swap3A_36 = tpu.vector_load %arg11[%swap3A_35] {strides = array<i32>} : memref<2048xf32, #tpu.memory_space<vmem>>, vector<16xf32>,
    %swap3A_37 = vector.shape_cast %swap3A_36 : vector<16xf32> to vector<16xf32>
    %swap3A_38 = vector.shape_cast %broadcast_in_dim3A_3 : vector<16xf32> to vector<16xf32>
    tpu.vector_store %arg11[%swap3A_35], %swap3A_38 {strides = array<i32>} : memref<2048xf32, #tpu.memory_space<vmem>>, vector<16xf32>,
    %swap3A_39 = arith.constant 144 : index
    %swap3A_40 = tpu.vector_load %arg11[%swap3A_39] {strides = array<i32>} : memref<2048xf32, #tpu.memory_space<vmem>>, vector<16xf32>,
    %swap3A_41 = vector.shape_cast %swap3A_40 : vector<16xf32> to vector<16xf32>
    %swap3A_42 = vector.shape_cast %broadcast_in_dim3A_3 : vector<16xf32> to vector<16xf32>
    tpu.vector_store %arg11[%swap3A_39], %swap3A_42 {strides = array<i32>} : memref<2048xf32, #tpu.memory_space<vmem>>, vector<16xf32>,
    %swap3A_43 = arith.constant 160 : index
    %swap3A_44 = tpu.vector_load %arg11[%swap3A_43] {strides = array<i32>} : memref<2048xf32, #tpu.memory_space<vmem>>, vector<16xf32>,
    %swap3A_45 = vector.shape_cast %swap3A_44 : vector<16xf32> to vector<16xf32>
    %swap3A_46 = vector.shape_cast %broadcast_in_dim3A_3 : vector<16xf32> to vector<16xf32>
    tpu.vector_store %arg11[%swap3A_43], %swap3A_46 {strides = array<i32>} : memref<2048xf32, #tpu.memory_space<vmem>>, vector<16xf32>,
    %swap3A_47 = arith.constant 176 : index
    %swap3A_48 = tpu.vector_load %arg11[%swap3A_47] {strides = array<i32>} : memref<2048xf32, #tpu.memory_space<vmem>>, vector<16xf32>,
    %swap3A_49 = vector.shape_cast %swap3A_48 : vector<16xf32> to vector<16xf32>
    %swap3A_50 = vector.shape_cast %broadcast_in_dim3A_3 : vector<16xf32> to vector<16xf32>
    tpu.vector_store %arg11[%swap3A_47], %swap3A_50 {strides = array<i32>} : memref<2048xf32, #tpu.memory_space<vmem>>, vector<16xf32>,
    %swap3A_51 = arith.constant 192 : index
    %swap3A_52 = tpu.vector_load %arg11[%swap3A_51] {strides = array<i32>} : memref<2048xf32, #tpu.memory_space<vmem>>, vector<16xf32>,
    %swap3A_53 = vector.shape_cast %swap3A_52 : vector<16xf32> to vector<16xf32>
    %swap3A_54 = vector.shape_cast %broadcast_in_dim3A_3 : vector<16xf32> to vector<16xf32>
    tpu.vector_store %arg11[%swap3A_51], %swap3A_54 {strides = array<i32>} : memref<2048xf32, #tpu.memory_space<vmem>>, vector<16xf32>,
    %swap3A_55 = arith.constant 208 : index
    %swap3A_56 = tpu.vector_load %arg11[%swap3A_55] {strides = array<i32>} : memref<2048xf32, #tpu.memory_space<vmem>>, vector<16xf32>,
    %swap3A_57 = vector.shape_cast %swap3A_56 : vector<16xf32> to vector<16xf32>
    %swap3A_58 = vector.shape_cast %broadcast_in_dim3A_3 : vector<16xf32> to vector<16xf32>
    tpu.vector_store %arg11[%swap3A_55], %swap3A_58 {strides = array<i32>} : memref<2048xf32, #tpu.memory_space<vmem>>, vector<16xf32>,
    %swap3A_59 = arith.constant 224 : index
    %swap3A_60 = tpu.vector_load %arg11[%swap3A_59] {strides = array<i32>} : memref<2048xf32, #tpu.memory_space<vmem>>, vector<16xf32>,
    %swap3A_61 = vector.shape_cast %swap3A_60 : vector<16xf32> to vector<16xf32>
    %swap3A_62 = vector.shape_cast %broadcast_in_dim3A_3 : vector<16xf32> to vector<16xf32>
    tpu.vector_store %arg11[%swap3A_59], %swap3A_62 {strides = array<i32>} : memref<2048xf32, #tpu.memory_space<vmem>>, vector<16xf32>,
    %swap3A_63 = arith.constant 240 : index
    %swap3A_64 = tpu.vector_load %arg11[%swap3A_63] {strides = array<i32>} : memref<2048xf32, #tpu.memory_space<vmem>>, vector<16xf32>,
    %swap3A_65 = vector.shape_cast %swap3A_64 : vector<16xf32> to vector<16xf32>
    %swap3A_66 = vector.shape_cast %broadcast_in_dim3A_3 : vector<16xf32> to vector<16xf32>
    tpu.vector_store %arg11[%swap3A_63], %swap3A_66 {strides = array<i32>} : memref<2048xf32, #tpu.memory_space<vmem>>, vector<16xf32>,
    %swap3A_67 = arith.constant 256 : index
    %swap3A_68 = tpu.vector_load %arg11[%swap3A_67] {strides = array<i32>} : memref<2048xf32, #tpu.memory_space<vmem>>, vector<16xf32>,
    %swap3A_69 = vector.shape_cast %swap3A_68 : vector<16xf32> to vector<16xf32>
    %swap3A_70 = vector.shape_cast %broadcast_in_dim3A_3 : vector<16xf32> to vector<16xf32>
    tpu.vector_store %arg11[%swap3A_67], %swap3A_70 {strides = array<i32>} : memref<2048xf32, #tpu.memory_space<vmem>>, vector<16xf32>,
    %swap3A_71 = arith.constant 272 : index
    %swap3A_72 = tpu.vector_load %arg11[%swap3A_71] {strides = array<i32>} : memref<2048xf32, #tpu.memory_space<vmem>>, vector<16xf32>,
    %swap3A_73 = vector.shape_cast %swap3A_72 : vector<16xf32> to vector<16xf32>
    %swap3A_74 = vector.shape_cast %broadcast_in_dim3A_3 : vector<16xf32> to vector<16xf32>
    tpu.vector_store %arg11[%swap3A_71], %swap3A_74 {strides = array<i32>} : memref<2048xf32, #tpu.memory_space<vmem>>, vector<16xf32>,
    %swap3A_75 = arith.constant 288 : index
    %swap3A_76 = tpu.vector_load %arg11[%swap3A_75] {strides = array<i32>} : memref<2048xf32, #tpu.memory_space<vmem>>, vector<16xf32>,
    %swap3A_77 = vector.shape_cast %swap3A_76 : vector<16xf32> to vector<16xf32>
    %swap3A_78 = vector.shape_cast %broadcast_in_dim3A_3 : vector<16xf32> to vector<16xf32>
    tpu.vector_store %arg11[%swap3A_75], %swap3A_78 {strides = array<i32>} : memref<2048xf32, #tpu.memory_space<vmem>>, vector<16xf32>,
    %swap3A_79 = arith.constant 304 : index
    %swap3A_80 = tpu.vector_load %arg11[%swap3A_79] {strides = array<i32>} : memref<2048xf32, #tpu.memory_space<vmem>>, vector<16xf32>,
    %swap3A_81 = vector.shape_cast %swap3A_80 : vector<16xf32> to vector<16xf32>
    %swap3A_82 = vector.shape_cast %broadcast_in_dim3A_3 : vector<16xf32> to vector<16xf32>
    tpu.vector_store %arg11[%swap3A_79], %swap3A_82 {strides = array<i32>} : memref<2048xf32, #tpu.memory_space<vmem>>, vector<16xf32>,
    %swap3A_83 = arith.constant 320 : index
    %swap3A_84 = tpu.vector_load %arg11[%swap3A_83] {strides = array<i32>} : memref<2048xf32, #tpu.memory_space<vmem>>, vector<16xf32>,
    %swap3A_85 = vector.shape_cast %swap3A_84 : vector<16xf32> to vector<16xf32>
    %swap3A_86 = vector.shape_cast %broadcast_in_dim3A_3 : vector<16xf32> to vector<16xf32>
    tpu.vector_store %arg11[%swap3A_83], %swap3A_86 {strides = array<i32>} : memref<2048xf32, #tpu.memory_space<vmem>>, vector<16xf32>,
    %swap3A_87 = arith.constant 336 : index
    %swap3A_88 = tpu.vector_load %arg11[%swap3A_87] {strides = array<i32>} : memref<2048xf32, #tpu.memory_space<vmem>>, vector<16xf32>,
    %swap3A_89 = vector.shape_cast %swap3A_88 : vector<16xf32> to vector<16xf32>
    %swap3A_90 = vector.shape_cast %broadcast_in_dim3A_3 : vector<16xf32> to vector<16xf32>
    tpu.vector_store %arg11[%swap3A_87], %swap3A_90 {strides = array<i32>} : memref<2048xf32, #tpu.memory_space<vmem>>, vector<16xf32>,
    %swap3A_91 = arith.constant 352 : index
    %swap3A_92 = tpu.vector_load %arg11[%swap3A_91] {strides = array<i32>} : memref<2048xf32, #tpu.memory_space<vmem>>, vector<16xf32>,
    %swap3A_93 = vector.shape_cast %swap3A_92 : vector<16xf32> to vector<16xf32>
    %swap3A_94 = vector.shape_cast %broadcast_in_dim3A_3 : vector<16xf32> to vector<16xf32>
    tpu.vector_store %arg11[%swap3A_91], %swap3A_94 {strides = array<i32>} : memref<2048xf32, #tpu.memory_space<vmem>>, vector<16xf32>,
    %swap3A_95 = arith.constant 368 : index
    %swap3A_96 = tpu.vector_load %arg11[%swap3A_95] {strides = array<i32>} : memref<2048xf32, #tpu.memory_space<vmem>>, vector<16xf32>,
    %swap3A_97 = vector.shape_cast %swap3A_96 : vector<16xf32> to vector<16xf32>
    %swap3A_98 = vector.shape_cast %broadcast_in_dim3A_3 : vector<16xf32> to vector<16xf32>
    tpu.vector_store %arg11[%swap3A_95], %swap3A_98 {strides = array<i32>} : memref<2048xf32, #tpu.memory_space<vmem>>, vector<16xf32>,
    %swap3A_99 = arith.constant 384 : index
    %swap3A_100 = tpu.vector_load %arg11[%swap3A_99] {strides = array<i32>} : memref<2048xf32, #tpu.memory_space<vmem>>, vector<16xf32>,
    %swap3A_101 = vector.shape_cast %swap3A_100 : vector<16xf32> to vector<16xf32>
    %swap3A_102 = vector.shape_cast %broadcast_in_dim3A_3 : vector<16xf32> to vector<16xf32>
    tpu.vector_store %arg11[%swap3A_99], %swap3A_102 {strides = array<i32>} : memref<2048xf32, #tpu.memory_space<vmem>>, vector<16xf32>,
    %swap3A_103 = arith.constant 400 : index
    %swap3A_104 = tpu.vector_load %arg11[%swap3A_103] {strides = array<i32>} : memref<2048xf32, #tpu.memory_space<vmem>>, vector<16xf32>,
    %swap3A_105 = vector.shape_cast %swap3A_104 : vector<16xf32> to vector<16xf32>
    %swap3A_106 = vector.shape_cast %broadcast_in_dim3A_3 : vector<16xf32> to vector<16xf32>
    tpu.vector_store %arg11[%swap3A_103], %swap3A_106 {strides = array<i32>} : memref<2048xf32, #tpu.memory_space<vmem>>, vector<16xf32>,
    %swap3A_107 = arith.constant 416 : index
    %swap3A_108 = tpu.vector_load %arg11[%swap3A_107] {strides = array<i32>} : memref<2048xf32, #tpu.memory_space<vmem>>, vector<16xf32>,
    %swap3A_109 = vector.shape_cast %swap3A_108 : vector<16xf32> to vector<16xf32>
    %swap3A_110 = vector.shape_cast %broadcast_in_dim3A_3 : vector<16xf32> to vector<16xf32>
    tpu.vector_store %arg11[%swap3A_107], %swap3A_110 {strides = array<i32>} : memref<2048xf32, #tpu.memory_space<vmem>>, vector<16xf32>,
    %swap3A_111 = arith.constant 432 : index
    %swap3A_112 = tpu.vector_load %arg11[%swap3A_111] {strides = array<i32>} : memref<2048xf32, #tpu.memory_space<vmem>>, vector<16xf32>,
    %swap3A_113 = vector.shape_cast %swap3A_112 : vector<16xf32> to vector<16xf32>
    %swap3A_114 = vector.shape_cast %broadcast_in_dim3A_3 : vector<16xf32> to vector<16xf32>
    tpu.vector_store %arg11[%swap3A_111], %swap3A_114 {strides = array<i32>} : memref<2048xf32, #tpu.memory_space<vmem>>, vector<16xf32>,
    %swap3A_115 = arith.constant 448 : index
    %swap3A_116 = tpu.vector_load %arg11[%swap3A_115] {strides = array<i32>} : memref<2048xf32, #tpu.memory_space<vmem>>, vector<16xf32>,
    %swap3A_117 = vector.shape_cast %swap3A_116 : vector<16xf32> to vector<16xf32>
    %swap3A_118 = vector.shape_cast %broadcast_in_dim3A_3 : vector<16xf32> to vector<16xf32>
    tpu.vector_store %arg11[%swap3A_115], %swap3A_118 {strides = array<i32>} : memref<2048xf32, #tpu.memory_space<vmem>>, vector<16xf32>,
    %swap3A_119 = arith.constant 464 : index
    %swap3A_120 = tpu.vector_load %arg11[%swap3A_119] {strides = array<i32>} : memref<2048xf32, #tpu.memory_space<vmem>>, vector<16xf32>,
    %swap3A_121 = vector.shape_cast %swap3A_120 : vector<16xf32> to vector<16xf32>
    %swap3A_122 = vector.shape_cast %broadcast_in_dim3A_3 : vector<16xf32> to vector<16xf32>
    tpu.vector_store %arg11[%swap3A_119], %swap3A_122 {strides = array<i32>} : memref<2048xf32, #tpu.memory_space<vmem>>, vector<16xf32>,
    %swap3A_123 = arith.constant 480 : index
    %swap3A_124 = tpu.vector_load %arg11[%swap3A_123] {strides = array<i32>} : memref<2048xf32, #tpu.memory_space<vmem>>, vector<16xf32>,
    %swap3A_125 = vector.shape_cast %swap3A_124 : vector<16xf32> to vector<16xf32>
    %swap3A_126 = vector.shape_cast %broadcast_in_dim3A_3 : vector<16xf32> to vector<16xf32>
    tpu.vector_store %arg11[%swap3A_123], %swap3A_126 {strides = array<i32>} : memref<2048xf32, #tpu.memory_space<vmem>>, vector<16xf32>,
    %swap3A_127 = arith.constant 496 : index
    %swap3A_128 = tpu.vector_load %arg11[%swap3A_127] {strides = array<i32>} : memref<2048xf32, #tpu.memory_space<vmem>>, vector<16xf32>,
    %swap3A_129 = vector.shape_cast %swap3A_128 : vector<16xf32> to vector<16xf32>
    %swap3A_130 = vector.shape_cast %broadcast_in_dim3A_3 : vector<16xf32> to vector<16xf32>
    tpu.vector_store %arg11[%swap3A_127], %swap3A_130 {strides = array<i32>} : memref<2048xf32, #tpu.memory_space<vmem>>, vector<16xf32>,
    %swap3A_131 = arith.constant 512 : index
    %swap3A_132 = tpu.vector_load %arg11[%swap3A_131] {strides = array<i32>} : memref<2048xf32, #tpu.memory_space<vmem>>, vector<16xf32>,
    %swap3A_133 = vector.shape_cast %swap3A_132 : vector<16xf32> to vector<16xf32>
    %swap3A_134 = vector.shape_cast %broadcast_in_dim3A_3 : vector<16xf32> to vector<16xf32>
    tpu.vector_store %arg11[%swap3A_131], %swap3A_134 {strides = array<i32>} : memref<2048xf32, #tpu.memory_space<vmem>>, vector<16xf32>,
    %swap3A_135 = arith.constant 528 : index
    %swap3A_136 = tpu.vector_load %arg11[%swap3A_135] {strides = array<i32>} : memref<2048xf32, #tpu.memory_space<vmem>>, vector<16xf32>,
    %swap3A_137 = vector.shape_cast %swap3A_136 : vector<16xf32> to vector<16xf32>
    %swap3A_138 = vector.shape_cast %broadcast_in_dim3A_3 : vector<16xf32> to vector<16xf32>
    tpu.vector_store %arg11[%swap3A_135], %swap3A_138 {strides = array<i32>} : memref<2048xf32, #tpu.memory_space<vmem>>, vector<16xf32>,
    %swap3A_139 = arith.constant 544 : index
    %swap3A_140 = tpu.vector_load %arg11[%swap3A_139] {strides = array<i32>} : memref<2048xf32, #tpu.memory_space<vmem>>, vector<16xf32>,
    %swap3A_141 = vector.shape_cast %swap3A_140 : vector<16xf32> to vector<16xf32>
    %swap3A_142 = vector.shape_cast %broadcast_in_dim3A_3 : vector<16xf32> to vector<16xf32>
    tpu.vector_store %arg11[%swap3A_139], %swap3A_142 {strides = array<i32>} : memref<2048xf32, #tpu.memory_space<vmem>>, vector<16xf32>,
    %swap3A_143 = arith.constant 560 : index
    %swap3A_144 = tpu.vector_load %arg11[%swap3A_143] {strides = array<i32>} : memref<2048xf32, #tpu.memory_space<vmem>>, vector<16xf32>,
    %swap3A_145 = vector.shape_cast %swap3A_144 : vector<16xf32> to vector<16xf32>
    %swap3A_146 = vector.shape_cast %broadcast_in_dim3A_3 : vector<16xf32> to vector<16xf32>
    tpu.vector_store %arg11[%swap3A_143], %swap3A_146 {strides = array<i32>} : memref<2048xf32, #tpu.memory_space<vmem>>, vector<16xf32>,
    %swap3A_147 = arith.constant 576 : index
    %swap3A_148 = tpu.vector_load %arg11[%swap3A_147] {strides = array<i32>} : memref<2048xf32, #tpu.memory_space<vmem>>, vector<16xf32>,
    %swap3A_149 = vector.shape_cast %swap3A_148 : vector<16xf32> to vector<16xf32>
    %swap3A_150 = vector.shape_cast %broadcast_in_dim3A_3 : vector<16xf32> to vector<16xf32>
    tpu.vector_store %arg11[%swap3A_147], %swap3A_150 {strides = array<i32>} : memref<2048xf32, #tpu.memory_space<vmem>>, vector<16xf32>,
    %swap3A_151 = arith.constant 592 : index
    %swap3A_152 = tpu.vector_load %arg11[%swap3A_151] {strides = array<i32>} : memref<2048xf32, #tpu.memory_space<vmem>>, vector<16xf32>,
    %swap3A_153 = vector.shape_cast %swap3A_152 : vector<16xf32> to vector<16xf32>
    %swap3A_154 = vector.shape_cast %broadcast_in_dim3A_3 : vector<16xf32> to vector<16xf32>
    tpu.vector_store %arg11[%swap3A_151], %swap3A_154 {strides = array<i32>} : memref<2048xf32, #tpu.memory_space<vmem>>, vector<16xf32>,
    %swap3A_155 = arith.constant 608 : index
    %swap3A_156 = tpu.vector_load %arg11[%swap3A_155] {strides = array<i32>} : memref<2048xf32, #tpu.memory_space<vmem>>, vector<16xf32>,
    %swap3A_157 = vector.shape_cast %swap3A_156 : vector<16xf32> to vector<16xf32>
    %swap3A_158 = vector.shape_cast %broadcast_in_dim3A_3 : vector<16xf32> to vector<16xf32>
    tpu.vector_store %arg11[%swap3A_155], %swap3A_158 {strides = array<i32>} : memref<2048xf32, #tpu.memory_space<vmem>>, vector<16xf32>,
    %swap3A_159 = arith.constant 624 : index
    %swap3A_160 = tpu.vector_load %arg11[%swap3A_159] {strides = array<i32>} : memref<2048xf32, #tpu.memory_space<vmem>>, vector<16xf32>,
    %swap3A_161 = vector.shape_cast %swap3A_160 : vector<16xf32> to vector<16xf32>
    %swap3A_162 = vector.shape_cast %broadcast_in_dim3A_3 : vector<16xf32> to vector<16xf32>
    tpu.vector_store %arg11[%swap3A_159], %swap3A_162 {strides = array<i32>} : memref<2048xf32, #tpu.memory_space<vmem>>, vector<16xf32>,
    %swap3A_163 = arith.constant 640 : index
    %swap3A_164 = tpu.vector_load %arg11[%swap3A_163] {strides = array<i32>} : memref<2048xf32, #tpu.memory_space<vmem>>, vector<16xf32>,
    %swap3A_165 = vector.shape_cast %swap3A_164 : vector<16xf32> to vector<16xf32>
    %swap3A_166 = vector.shape_cast %broadcast_in_dim3A_3 : vector<16xf32> to vector<16xf32>
    tpu.vector_store %arg11[%swap3A_163], %swap3A_166 {strides = array<i32>} : memref<2048xf32, #tpu.memory_space<vmem>>, vector<16xf32>,
    %swap3A_167 = arith.constant 656 : index
    %swap3A_168 = tpu.vector_load %arg11[%swap3A_167] {strides = array<i32>} : memref<2048xf32, #tpu.memory_space<vmem>>, vector<16xf32>,
    %swap3A_169 = vector.shape_cast %swap3A_168 : vector<16xf32> to vector<16xf32>
    %swap3A_170 = vector.shape_cast %broadcast_in_dim3A_3 : vector<16xf32> to vector<16xf32>
    tpu.vector_store %arg11[%swap3A_167], %swap3A_170 {strides = array<i32>} : memref<2048xf32, #tpu.memory_space<vmem>>, vector<16xf32>,
    %swap3A_171 = arith.constant 672 : index
    %swap3A_172 = tpu.vector_load %arg11[%swap3A_171] {strides = array<i32>} : memref<2048xf32, #tpu.memory_space<vmem>>, vector<16xf32>,
    %swap3A_173 = vector.shape_cast %swap3A_172 : vector<16xf32> to vector<16xf32>
    %swap3A_174 = vector.shape_cast %broadcast_in_dim3A_3 : vector<16xf32> to vector<16xf32>
    tpu.vector_store %arg11[%swap3A_171], %swap3A_174 {strides = array<i32>} : memref<2048xf32, #tpu.memory_space<vmem>>, vector<16xf32>,
    %swap3A_175 = arith.constant 688 : index
    %swap3A_176 = tpu.vector_load %arg11[%swap3A_175] {strides = array<i32>} : memref<2048xf32, #tpu.memory_space<vmem>>, vector<16xf32>,
    %swap3A_177 = vector.shape_cast %swap3A_176 : vector<16xf32> to vector<16xf32>
    %swap3A_178 = vector.shape_cast %broadcast_in_dim3A_3 : vector<16xf32> to vector<16xf32>
    tpu.vector_store %arg11[%swap3A_175], %swap3A_178 {strides = array<i32>} : memref<2048xf32, #tpu.memory_space<vmem>>, vector<16xf32>,
    %swap3A_179 = arith.constant 704 : index
    %swap3A_180 = tpu.vector_load %arg11[%swap3A_179] {strides = array<i32>} : memref<2048xf32, #tpu.memory_space<vmem>>, vector<16xf32>,
    %swap3A_181 = vector.shape_cast %swap3A_180 : vector<16xf32> to vector<16xf32>
    %swap3A_182 = vector.shape_cast %broadcast_in_dim3A_3 : vector<16xf32> to vector<16xf32>
    tpu.vector_store %arg11[%swap3A_179], %swap3A_182 {strides = array<i32>} : memref<2048xf32, #tpu.memory_space<vmem>>, vector<16xf32>,
    %swap3A_183 = arith.constant 720 : index
    %swap3A_184 = tpu.vector_load %arg11[%swap3A_183] {strides = array<i32>} : memref<2048xf32, #tpu.memory_space<vmem>>, vector<16xf32>,
    %swap3A_185 = vector.shape_cast %swap3A_184 : vector<16xf32> to vector<16xf32>
    %swap3A_186 = vector.shape_cast %broadcast_in_dim3A_3 : vector<16xf32> to vector<16xf32>
    tpu.vector_store %arg11[%swap3A_183], %swap3A_186 {strides = array<i32>} : memref<2048xf32, #tpu.memory_space<vmem>>, vector<16xf32>,
    %swap3A_187 = arith.constant 736 : index
    %swap3A_188 = tpu.vector_load %arg11[%swap3A_187] {strides = array<i32>} : memref<2048xf32, #tpu.memory_space<vmem>>, vector<16xf32>,
    %swap3A_189 = vector.shape_cast %swap3A_188 : vector<16xf32> to vector<16xf32>
    %swap3A_190 = vector.shape_cast %broadcast_in_dim3A_3 : vector<16xf32> to vector<16xf32>
    tpu.vector_store %arg11[%swap3A_187], %swap3A_190 {strides = array<i32>} : memref<2048xf32, #tpu.memory_space<vmem>>, vector<16xf32>,
    %swap3A_191 = arith.constant 752 : index
    %swap3A_192 = tpu.vector_load %arg11[%swap3A_191] {strides = array<i32>} : memref<2048xf32, #tpu.memory_space<vmem>>, vector<16xf32>,
    %swap3A_193 = vector.shape_cast %swap3A_192 : vector<16xf32> to vector<16xf32>
    %swap3A_194 = vector.shape_cast %broadcast_in_dim3A_3 : vector<16xf32> to vector<16xf32>
    tpu.vector_store %arg11[%swap3A_191], %swap3A_194 {strides = array<i32>} : memref<2048xf32, #tpu.memory_space<vmem>>, vector<16xf32>,
    %swap3A_195 = arith.constant 768 : index
    %swap3A_196 = tpu.vector_load %arg11[%swap3A_195] {strides = array<i32>} : memref<2048xf32, #tpu.memory_space<vmem>>, vector<16xf32>,
    %swap3A_197 = vector.shape_cast %swap3A_196 : vector<16xf32> to vector<16xf32>
    %swap3A_198 = vector.shape_cast %broadcast_in_dim3A_3 : vector<16xf32> to vector<16xf32>
    tpu.vector_store %arg11[%swap3A_195], %swap3A_198 {strides = array<i32>} : memref<2048xf32, #tpu.memory_space<vmem>>, vector<16xf32>,
    %swap3A_199 = arith.constant 784 : index
    %swap3A_200 = tpu.vector_load %arg11[%swap3A_199] {strides = array<i32>} : memref<2048xf32, #tpu.memory_space<vmem>>, vector<16xf32>,
    %swap3A_201 = vector.shape_cast %swap3A_200 : vector<16xf32> to vector<16xf32>
    %swap3A_202 = vector.shape_cast %broadcast_in_dim3A_3 : vector<16xf32> to vector<16xf32>
    tpu.vector_store %arg11[%swap3A_199], %swap3A_202 {strides = array<i32>} : memref<2048xf32, #tpu.memory_space<vmem>>, vector<16xf32>,
    %swap3A_203 = arith.constant 800 : index
    %swap3A_204 = tpu.vector_load %arg11[%swap3A_203] {strides = array<i32>} : memref<2048xf32, #tpu.memory_space<vmem>>, vector<16xf32>,
    %swap3A_205 = vector.shape_cast %swap3A_204 : vector<16xf32> to vector<16xf32>
    %swap3A_206 = vector.shape_cast %broadcast_in_dim3A_3 : vector<16xf32> to vector<16xf32>
    tpu.vector_store %arg11[%swap3A_203], %swap3A_206 {strides = array<i32>} : memref<2048xf32, #tpu.memory_space<vmem>>, vector<16xf32>,
    %swap3A_207 = arith.constant 816 : index
    %swap3A_208 = tpu.vector_load %arg11[%swap3A_207] {strides = array<i32>} : memref<2048xf32, #tpu.memory_space<vmem>>, vector<16xf32>,
    %swap3A_209 = vector.shape_cast %swap3A_208 : vector<16xf32> to vector<16xf32>
    %swap3A_210 = vector.shape_cast %broadcast_in_dim3A_3 : vector<16xf32> to vector<16xf32>
    tpu.vector_store %arg11[%swap3A_207], %swap3A_210 {strides = array<i32>} : memref<2048xf32, #tpu.memory_space<vmem>>, vector<16xf32>,
    %swap3A_211 = arith.constant 832 : index
    %swap3A_212 = tpu.vector_load %arg11[%swap3A_211] {strides = array<i32>} : memref<2048xf32, #tpu.memory_space<vmem>>, vector<16xf32>,
    %swap3A_213 = vector.shape_cast %swap3A_212 : vector<16xf32> to vector<16xf32>
    %swap3A_214 = vector.shape_cast %broadcast_in_dim3A_3 : vector<16xf32> to vector<16xf32>
    tpu.vector_store %arg11[%swap3A_211], %swap3A_214 {strides = array<i32>} : memref<2048xf32, #tpu.memory_space<vmem>>, vector<16xf32>,
    %swap3A_215 = arith.constant 848 : index
    %swap3A_216 = tpu.vector_load %arg11[%swap3A_215] {strides = array<i32>} : memref<2048xf32, #tpu.memory_space<vmem>>, vector<16xf32>,
    %swap3A_217 = vector.shape_cast %swap3A_216 : vector<16xf32> to vector<16xf32>
    %swap3A_218 = vector.shape_cast %broadcast_in_dim3A_3 : vector<16xf32> to vector<16xf32>
    tpu.vector_store %arg11[%swap3A_215], %swap3A_218 {strides = array<i32>} : memref<2048xf32, #tpu.memory_space<vmem>>, vector<16xf32>,
    %swap3A_219 = arith.constant 864 : index
    %swap3A_220 = tpu.vector_load %arg11[%swap3A_219] {strides = array<i32>} : memref<2048xf32, #tpu.memory_space<vmem>>, vector<16xf32>,
    %swap3A_221 = vector.shape_cast %swap3A_220 : vector<16xf32> to vector<16xf32>
    %swap3A_222 = vector.shape_cast %broadcast_in_dim3A_3 : vector<16xf32> to vector<16xf32>
    tpu.vector_store %arg11[%swap3A_219], %swap3A_222 {strides = array<i32>} : memref<2048xf32, #tpu.memory_space<vmem>>, vector<16xf32>,
    %swap3A_223 = arith.constant 880 : index
    %swap3A_224 = tpu.vector_load %arg11[%swap3A_223] {strides = array<i32>} : memref<2048xf32, #tpu.memory_space<vmem>>, vector<16xf32>,
    %swap3A_225 = vector.shape_cast %swap3A_224 : vector<16xf32> to vector<16xf32>
    %swap3A_226 = vector.shape_cast %broadcast_in_dim3A_3 : vector<16xf32> to vector<16xf32>
    tpu.vector_store %arg11[%swap3A_223], %swap3A_226 {strides = array<i32>} : memref<2048xf32, #tpu.memory_space<vmem>>, vector<16xf32>,
    %swap3A_227 = arith.constant 896 : index
    %swap3A_228 = tpu.vector_load %arg11[%swap3A_227] {strides = array<i32>} : memref<2048xf32, #tpu.memory_space<vmem>>, vector<16xf32>,
    %swap3A_229 = vector.shape_cast %swap3A_228 : vector<16xf32> to vector<16xf32>
    %swap3A_230 = vector.shape_cast %broadcast_in_dim3A_3 : vector<16xf32> to vector<16xf32>
    tpu.vector_store %arg11[%swap3A_227], %swap3A_230 {strides = array<i32>} : memref<2048xf32, #tpu.memory_space<vmem>>, vector<16xf32>,
    %swap3A_231 = arith.constant 912 : index
    %swap3A_232 = tpu.vector_load %arg11[%swap3A_231] {strides = array<i32>} : memref<2048xf32, #tpu.memory_space<vmem>>, vector<16xf32>,
    %swap3A_233 = vector.shape_cast %swap3A_232 : vector<16xf32> to vector<16xf32>
    %swap3A_234 = vector.shape_cast %broadcast_in_dim3A_3 : vector<16xf32> to vector<16xf32>
    tpu.vector_store %arg11[%swap3A_231], %swap3A_234 {strides = array<i32>} : memref<2048xf32, #tpu.memory_space<vmem>>, vector<16xf32>,
    %swap3A_235 = arith.constant 928 : index
    %swap3A_236 = tpu.vector_load %arg11[%swap3A_235] {strides = array<i32>} : memref<2048xf32, #tpu.memory_space<vmem>>, vector<16xf32>,
    %swap3A_237 = vector.shape_cast %swap3A_236 : vector<16xf32> to vector<16xf32>
    %swap3A_238 = vector.shape_cast %broadcast_in_dim3A_3 : vector<16xf32> to vector<16xf32>
    tpu.vector_store %arg11[%swap3A_235], %swap3A_238 {strides = array<i32>} : memref<2048xf32, #tpu.memory_space<vmem>>, vector<16xf32>,
    %swap3A_239 = arith.constant 944 : index
    %swap3A_240 = tpu.vector_load %arg11[%swap3A_239] {strides = array<i32>} : memref<2048xf32, #tpu.memory_space<vmem>>, vector<16xf32>,
    %swap3A_241 = vector.shape_cast %swap3A_240 : vector<16xf32> to vector<16xf32>
    %swap3A_242 = vector.shape_cast %broadcast_in_dim3A_3 : vector<16xf32> to vector<16xf32>
    tpu.vector_store %arg11[%swap3A_239], %swap3A_242 {strides = array<i32>} : memref<2048xf32, #tpu.memory_space<vmem>>, vector<16xf32>,
    %swap3A_243 = arith.constant 960 : index
    %swap3A_244 = tpu.vector_load %arg11[%swap3A_243] {strides = array<i32>} : memref<2048xf32, #tpu.memory_space<vmem>>, vector<16xf32>,
    %swap3A_245 = vector.shape_cast %swap3A_244 : vector<16xf32> to vector<16xf32>
    %swap3A_246 = vector.shape_cast %broadcast_in_dim3A_3 : vector<16xf32> to vector<16xf32>
    tpu.vector_store %arg11[%swap3A_243], %swap3A_246 {strides = array<i32>} : memref<2048xf32, #tpu.memory_space<vmem>>, vector<16xf32>,
    %swap3A_247 = arith.constant 976 : index
    %swap3A_248 = tpu.vector_load %arg11[%swap3A_247] {strides = array<i32>} : memref<2048xf32, #tpu.memory_space<vmem>>, vector<16xf32>,
    %swap3A_249 = vector.shape_cast %swap3A_248 : vector<16xf32> to vector<16xf32>
    %swap3A_250 = vector.shape_cast %broadcast_in_dim3A_3 : vector<16xf32> to vector<16xf32>
    tpu.vector_store %arg11[%swap3A_247], %swap3A_250 {strides = array<i32>} : memref<2048xf32, #tpu.memory_space<vmem>>, vector<16xf32>,
    %swap3A_251 = arith.constant 992 : index
    %swap3A_252 = tpu.vector_load %arg11[%swap3A_251] {strides = array<i32>} : memref<2048xf32, #tpu.memory_space<vmem>>, vector<16xf32>,
    %swap3A_253 = vector.shape_cast %swap3A_252 : vector<16xf32> to vector<16xf32>
    %swap3A_254 = vector.shape_cast %broadcast_in_dim3A_3 : vector<16xf32> to vector<16xf32>
    tpu.vector_store %arg11[%swap3A_251], %swap3A_254 {strides = array<i32>} : memref<2048xf32, #tpu.memory_space<vmem>>, vector<16xf32>,
    %swap3A_255 = arith.constant 1008 : index
    %swap3A_256 = tpu.vector_load %arg11[%swap3A_255] {strides = array<i32>} : memref<2048xf32, #tpu.memory_space<vmem>>, vector<16xf32>,
    %swap3A_257 = vector.shape_cast %swap3A_256 : vector<16xf32> to vector<16xf32>
    %swap3A_258 = vector.shape_cast %broadcast_in_dim3A_3 : vector<16xf32> to vector<16xf32>
    tpu.vector_store %arg11[%swap3A_255], %swap3A_258 {strides = array<i32>} : memref<2048xf32, #tpu.memory_space<vmem>>, vector<16xf32>,
    %swap3A_259 = arith.constant 1024 : index
    %swap3A_260 = tpu.vector_load %arg11[%swap3A_259] {strides = array<i32>} : memref<2048xf32, #tpu.memory_space<vmem>>, vector<16xf32>,
    %swap3A_261 = vector.shape_cast %swap3A_260 : vector<16xf32> to vector<16xf32>
    %swap3A_262 = vector.shape_cast %broadcast_in_dim3A_3 : vector<16xf32> to vector<16xf32>
    tpu.vector_store %arg11[%swap3A_259], %swap3A_262 {strides = array<i32>} : memref<2048xf32, #tpu.memory_space<vmem>>, vector<16xf32>,
    %swap3A_263 = arith.constant 1040 : index
    %swap3A_264 = tpu.vector_load %arg11[%swap3A_263] {strides = array<i32>} : memref<2048xf32, #tpu.memory_space<vmem>>, vector<16xf32>,
    %swap3A_265 = vector.shape_cast %swap3A_264 : vector<16xf32> to vector<16xf32>
    %swap3A_266 = vector.shape_cast %broadcast_in_dim3A_3 : vector<16xf32> to vector<16xf32>
    tpu.vector_store %arg11[%swap3A_263], %swap3A_266 {strides = array<i32>} : memref<2048xf32, #tpu.memory_space<vmem>>, vector<16xf32>,
    %swap3A_267 = arith.constant 1056 : index
    %swap3A_268 = tpu.vector_load %arg11[%swap3A_267] {strides = array<i32>} : memref<2048xf32, #tpu.memory_space<vmem>>, vector<16xf32>,
    %swap3A_269 = vector.shape_cast %swap3A_268 : vector<16xf32> to vector<16xf32>
    %swap3A_270 = vector.shape_cast %broadcast_in_dim3A_3 : vector<16xf32> to vector<16xf32>
    tpu.vector_store %arg11[%swap3A_267], %swap3A_270 {strides = array<i32>} : memref<2048xf32, #tpu.memory_space<vmem>>, vector<16xf32>,
    %swap3A_271 = arith.constant 1072 : index
    %swap3A_272 = tpu.vector_load %arg11[%swap3A_271] {strides = array<i32>} : memref<2048xf32, #tpu.memory_space<vmem>>, vector<16xf32>,
    %swap3A_273 = vector.shape_cast %swap3A_272 : vector<16xf32> to vector<16xf32>
    %swap3A_274 = vector.shape_cast %broadcast_in_dim3A_3 : vector<16xf32> to vector<16xf32>
    tpu.vector_store %arg11[%swap3A_271], %swap3A_274 {strides = array<i32>} : memref<2048xf32, #tpu.memory_space<vmem>>, vector<16xf32>,
    %swap3A_275 = arith.constant 1088 : index
    %swap3A_276 = tpu.vector_load %arg11[%swap3A_275] {strides = array<i32>} : memref<2048xf32, #tpu.memory_space<vmem>>, vector<16xf32>,
    %swap3A_277 = vector.shape_cast %swap3A_276 : vector<16xf32> to vector<16xf32>
    %swap3A_278 = vector.shape_cast %broadcast_in_dim3A_3 : vector<16xf32> to vector<16xf32>
    tpu.vector_store %arg11[%swap3A_275], %swap3A_278 {strides = array<i32>} : memref<2048xf32, #tpu.memory_space<vmem>>, vector<16xf32>,
    %swap3A_279 = arith.constant 1104 : index
    %swap3A_280 = tpu.vector_load %arg11[%swap3A_279] {strides = array<i32>} : memref<2048xf32, #tpu.memory_space<vmem>>, vector<16xf32>,
    %swap3A_281 = vector.shape_cast %swap3A_280 : vector<16xf32> to vector<16xf32>
    %swap3A_282 = vector.shape_cast %broadcast_in_dim3A_3 : vector<16xf32> to vector<16xf32>
    tpu.vector_store %arg11[%swap3A_279], %swap3A_282 {strides = array<i32>} : memref<2048xf32, #tpu.memory_space<vmem>>, vector<16xf32>,
    %swap3A_283 = arith.constant 1120 : index
    %swap3A_284 = tpu.vector_load %arg11[%swap3A_283] {strides = array<i32>} : memref<2048xf32, #tpu.memory_space<vmem>>, vector<16xf32>,
    %swap3A_285 = vector.shape_cast %swap3A_284 : vector<16xf32> to vector<16xf32>
    %swap3A_286 = vector.shape_cast %broadcast_in_dim3A_3 : vector<16xf32> to vector<16xf32>
    tpu.vector_store %arg11[%swap3A_283], %swap3A_286 {strides = array<i32>} : memref<2048xf32, #tpu.memory_space<vmem>>, vector<16xf32>,
    %swap3A_287 = arith.constant 1136 : index
    %swap3A_288 = tpu.vector_load %arg11[%swap3A_287] {strides = array<i32>} : memref<2048xf32, #tpu.memory_space<vmem>>, vector<16xf32>,
    %swap3A_289 = vector.shape_cast %swap3A_288 : vector<16xf32> to vector<16xf32>
    %swap3A_290 = vector.shape_cast %broadcast_in_dim3A_3 : vector<16xf32> to vector<16xf32>
    tpu.vector_store %arg11[%swap3A_287], %swap3A_290 {strides = array<i32>} : memref<2048xf32, #tpu.memory_space<vmem>>, vector<16xf32>,
    %swap3A_291 = arith.constant 1152 : index
    %swap3A_292 = tpu.vector_load %arg11[%swap3A_291] {strides = array<i32>} : memref<2048xf32, #tpu.memory_space<vmem>>, vector<16xf32>,
    %swap3A_293 = vector.shape_cast %swap3A_292 : vector<16xf32> to vector<16xf32>
    %swap3A_294 = vector.shape_cast %broadcast_in_dim3A_3 : vector<16xf32> to vector<16xf32>
    tpu.vector_store %arg11[%swap3A_291], %swap3A_294 {strides = array<i32>} : memref<2048xf32, #tpu.memory_space<vmem>>, vector<16xf32>,
    %swap3A_295 = arith.constant 1168 : index
    %swap3A_296 = tpu.vector_load %arg11[%swap3A_295] {strides = array<i32>} : memref<2048xf32, #tpu.memory_space<vmem>>, vector<16xf32>,
    %swap3A_297 = vector.shape_cast %swap3A_296 : vector<16xf32> to vector<16xf32>
    %swap3A_298 = vector.shape_cast %broadcast_in_dim3A_3 : vector<16xf32> to vector<16xf32>
    tpu.vector_store %arg11[%swap3A_295], %swap3A_298 {strides = array<i32>} : memref<2048xf32, #tpu.memory_space<vmem>>, vector<16xf32>,
    %swap3A_299 = arith.constant 1184 : index
    %swap3A_300 = tpu.vector_load %arg11[%swap3A_299] {strides = array<i32>} : memref<2048xf32, #tpu.memory_space<vmem>>, vector<16xf32>,
    %swap3A_301 = vector.shape_cast %swap3A_300 : vector<16xf32> to vector<16xf32>
    %swap3A_302 = vector.shape_cast %broadcast_in_dim3A_3 : vector<16xf32> to vector<16xf32>
    tpu.vector_store %arg11[%swap3A_299], %swap3A_302 {strides = array<i32>} : memref<2048xf32, #tpu.memory_space<vmem>>, vector<16xf32>,
    %swap3A_303 = arith.constant 1200 : index
    %swap3A_304 = tpu.vector_load %arg11[%swap3A_303] {strides = array<i32>} : memref<2048xf32, #tpu.memory_space<vmem>>, vector<16xf32>,
    %swap3A_305 = vector.shape_cast %swap3A_304 : vector<16xf32> to vector<16xf32>
    %swap3A_306 = vector.shape_cast %broadcast_in_dim3A_3 : vector<16xf32> to vector<16xf32>
    tpu.vector_store %arg11[%swap3A_303], %swap3A_306 {strides = array<i32>} : memref<2048xf32, #tpu.memory_space<vmem>>, vector<16xf32>,
    %swap3A_307 = arith.constant 1216 : index
    %swap3A_308 = tpu.vector_load %arg11[%swap3A_307] {strides = array<i32>} : memref<2048xf32, #tpu.memory_space<vmem>>, vector<16xf32>,
    %swap3A_309 = vector.shape_cast %swap3A_308 : vector<16xf32> to vector<16xf32>
    %swap3A_310 = vector.shape_cast %broadcast_in_dim3A_3 : vector<16xf32> to vector<16xf32>
    tpu.vector_store %arg11[%swap3A_307], %swap3A_310 {strides = array<i32>} : memref<2048xf32, #tpu.memory_space<vmem>>, vector<16xf32>,
    %swap3A_311 = arith.constant 1232 : index
    %swap3A_312 = tpu.vector_load %arg11[%swap3A_311] {strides = array<i32>} : memref<2048xf32, #tpu.memory_space<vmem>>, vector<16xf32>,
    %swap3A_313 = vector.shape_cast %swap3A_312 : vector<16xf32> to vector<16xf32>
    %swap3A_314 = vector.shape_cast %broadcast_in_dim3A_3 : vector<16xf32> to vector<16xf32>
    tpu.vector_store %arg11[%swap3A_311], %swap3A_314 {strides = array<i32>} : memref<2048xf32, #tpu.memory_space<vmem>>, vector<16xf32>,
    %swap3A_315 = arith.constant 1248 : index
    %swap3A_316 = tpu.vector_load %arg11[%swap3A_315] {strides = array<i32>} : memref<2048xf32, #tpu.memory_space<vmem>>, vector<16xf32>,
    %swap3A_317 = vector.shape_cast %swap3A_316 : vector<16xf32> to vector<16xf32>
    %swap3A_318 = vector.shape_cast %broadcast_in_dim3A_3 : vector<16xf32> to vector<16xf32>
    tpu.vector_store %arg11[%swap3A_315], %swap3A_318 {strides = array<i32>} : memref<2048xf32, #tpu.memory_space<vmem>>, vector<16xf32>,
    %swap3A_319 = arith.constant 1264 : index
    %swap3A_320 = tpu.vector_load %arg11[%swap3A_319] {strides = array<i32>} : memref<2048xf32, #tpu.memory_space<vmem>>, vector<16xf32>,
    %swap3A_321 = vector.shape_cast %swap3A_320 : vector<16xf32> to vector<16xf32>
    %swap3A_322 = vector.shape_cast %broadcast_in_dim3A_3 : vector<16xf32> to vector<16xf32>
    tpu.vector_store %arg11[%swap3A_319], %swap3A_322 {strides = array<i32>} : memref<2048xf32, #tpu.memory_space<vmem>>, vector<16xf32>,
    %swap3A_323 = arith.constant 1280 : index
    %swap3A_324 = tpu.vector_load %arg11[%swap3A_323] {strides = array<i32>} : memref<2048xf32, #tpu.memory_space<vmem>>, vector<16xf32>,
    %swap3A_325 = vector.shape_cast %swap3A_324 : vector<16xf32> to vector<16xf32>
    %swap3A_326 = vector.shape_cast %broadcast_in_dim3A_3 : vector<16xf32> to vector<16xf32>
    tpu.vector_store %arg11[%swap3A_323], %swap3A_326 {strides = array<i32>} : memref<2048xf32, #tpu.memory_space<vmem>>, vector<16xf32>,
    %swap3A_327 = arith.constant 1296 : index
    %swap3A_328 = tpu.vector_load %arg11[%swap3A_327] {strides = array<i32>} : memref<2048xf32, #tpu.memory_space<vmem>>, vector<16xf32>,
    %swap3A_329 = vector.shape_cast %swap3A_328 : vector<16xf32> to vector<16xf32>
    %swap3A_330 = vector.shape_cast %broadcast_in_dim3A_3 : vector<16xf32> to vector<16xf32>
    tpu.vector_store %arg11[%swap3A_327], %swap3A_330 {strides = array<i32>} : memref<2048xf32, #tpu.memory_space<vmem>>, vector<16xf32>,
    %swap3A_331 = arith.constant 1312 : index
    %swap3A_332 = tpu.vector_load %arg11[%swap3A_331] {strides = array<i32>} : memref<2048xf32, #tpu.memory_space<vmem>>, vector<16xf32>,
    %swap3A_333 = vector.shape_cast %swap3A_332 : vector<16xf32> to vector<16xf32>
    %swap3A_334 = vector.shape_cast %broadcast_in_dim3A_3 : vector<16xf32> to vector<16xf32>
    tpu.vector_store %arg11[%swap3A_331], %swap3A_334 {strides = array<i32>} : memref<2048xf32, #tpu.memory_space<vmem>>, vector<16xf32>,
    %swap3A_335 = arith.constant 1328 : index
    %swap3A_336 = tpu.vector_load %arg11[%swap3A_335] {strides = array<i32>} : memref<2048xf32, #tpu.memory_space<vmem>>, vector<16xf32>,
    %swap3A_337 = vector.shape_cast %swap3A_336 : vector<16xf32> to vector<16xf32>
    %swap3A_338 = vector.shape_cast %broadcast_in_dim3A_3 : vector<16xf32> to vector<16xf32>
    tpu.vector_store %arg11[%swap3A_335], %swap3A_338 {strides = array<i32>} : memref<2048xf32, #tpu.memory_space<vmem>>, vector<16xf32>,
    %swap3A_339 = arith.constant 1344 : index
    %swap3A_340 = tpu.vector_load %arg11[%swap3A_339] {strides = array<i32>} : memref<2048xf32, #tpu.memory_space<vmem>>, vector<16xf32>,
    %swap3A_341 = vector.shape_cast %swap3A_340 : vector<16xf32> to vector<16xf32>
    %swap3A_342 = vector.shape_cast %broadcast_in_dim3A_3 : vector<16xf32> to vector<16xf32>
    tpu.vector_store %arg11[%swap3A_339], %swap3A_342 {strides = array<i32>} : memref<2048xf32, #tpu.memory_space<vmem>>, vector<16xf32>,
    %swap3A_343 = arith.constant 1360 : index
    %swap3A_344 = tpu.vector_load %arg11[%swap3A_343] {strides = array<i32>} : memref<2048xf32, #tpu.memory_space<vmem>>, vector<16xf32>,
    %swap3A_345 = vector.shape_cast %swap3A_344 : vector<16xf32> to vector<16xf32>
    %swap3A_346 = vector.shape_cast %broadcast_in_dim3A_3 : vector<16xf32> to vector<16xf32>
    tpu.vector_store %arg11[%swap3A_343], %swap3A_346 {strides = array<i32>} : memref<2048xf32, #tpu.memory_space<vmem>>, vector<16xf32>,
    %swap3A_347 = arith.constant 1376 : index
    %swap3A_348 = tpu.vector_load %arg11[%swap3A_347] {strides = array<i32>} : memref<2048xf32, #tpu.memory_space<vmem>>, vector<16xf32>,
    %swap3A_349 = vector.shape_cast %swap3A_348 : vector<16xf32> to vector<16xf32>
    %swap3A_350 = vector.shape_cast %broadcast_in_dim3A_3 : vector<16xf32> to vector<16xf32>
    tpu.vector_store %arg11[%swap3A_347], %swap3A_350 {strides = array<i32>} : memref<2048xf32, #tpu.memory_space<vmem>>, vector<16xf32>,
    %swap3A_351 = arith.constant 1392 : index
    %swap3A_352 = tpu.vector_load %arg11[%swap3A_351] {strides = array<i32>} : memref<2048xf32, #tpu.memory_space<vmem>>, vector<16xf32>,
    %swap3A_353 = vector.shape_cast %swap3A_352 : vector<16xf32> to vector<16xf32>
    %swap3A_354 = vector.shape_cast %broadcast_in_dim3A_3 : vector<16xf32> to vector<16xf32>
    tpu.vector_store %arg11[%swap3A_351], %swap3A_354 {strides = array<i32>} : memref<2048xf32, #tpu.memory_space<vmem>>, vector<16xf32>,
    %swap3A_355 = arith.constant 1408 : index
    %swap3A_356 = tpu.vector_load %arg11[%swap3A_355] {strides = array<i32>} : memref<2048xf32, #tpu.memory_space<vmem>>, vector<16xf32>,
    %swap3A_357 = vector.shape_cast %swap3A_356 : vector<16xf32> to vector<16xf32>
    %swap3A_358 = vector.shape_cast %broadcast_in_dim3A_3 : vector<16xf32> to vector<16xf32>
    tpu.vector_store %arg11[%swap3A_355], %swap3A_358 {strides = array<i32>} : memref<2048xf32, #tpu.memory_space<vmem>>, vector<16xf32>,
    %swap3A_359 = arith.constant 1424 : index
    %swap3A_360 = tpu.vector_load %arg11[%swap3A_359] {strides = array<i32>} : memref<2048xf32, #tpu.memory_space<vmem>>, vector<16xf32>,
    %swap3A_361 = vector.shape_cast %swap3A_360 : vector<16xf32> to vector<16xf32>
    %swap3A_362 = vector.shape_cast %broadcast_in_dim3A_3 : vector<16xf32> to vector<16xf32>
    tpu.vector_store %arg11[%swap3A_359], %swap3A_362 {strides = array<i32>} : memref<2048xf32, #tpu.memory_space<vmem>>, vector<16xf32>,
    %swap3A_363 = arith.constant 1440 : index
    %swap3A_364 = tpu.vector_load %arg11[%swap3A_363] {strides = array<i32>} : memref<2048xf32, #tpu.memory_space<vmem>>, vector<16xf32>,
    %swap3A_365 = vector.shape_cast %swap3A_364 : vector<16xf32> to vector<16xf32>
    %swap3A_366 = vector.shape_cast %broadcast_in_dim3A_3 : vector<16xf32> to vector<16xf32>
    tpu.vector_store %arg11[%swap3A_363], %swap3A_366 {strides = array<i32>} : memref<2048xf32, #tpu.memory_space<vmem>>, vector<16xf32>,
    %swap3A_367 = arith.constant 1456 : index
    %swap3A_368 = tpu.vector_load %arg11[%swap3A_367] {strides = array<i32>} : memref<2048xf32, #tpu.memory_space<vmem>>, vector<16xf32>,
    %swap3A_369 = vector.shape_cast %swap3A_368 : vector<16xf32> to vector<16xf32>
    %swap3A_370 = vector.shape_cast %broadcast_in_dim3A_3 : vector<16xf32> to vector<16xf32>
    tpu.vector_store %arg11[%swap3A_367], %swap3A_370 {strides = array<i32>} : memref<2048xf32, #tpu.memory_space<vmem>>, vector<16xf32>,
    %swap3A_371 = arith.constant 1472 : index
    %swap3A_372 = tpu.vector_load %arg11[%swap3A_371] {strides = array<i32>} : memref<2048xf32, #tpu.memory_space<vmem>>, vector<16xf32>,
    %swap3A_373 = vector.shape_cast %swap3A_372 : vector<16xf32> to vector<16xf32>
    %swap3A_374 = vector.shape_cast %broadcast_in_dim3A_3 : vector<16xf32> to vector<16xf32>
    tpu.vector_store %arg11[%swap3A_371], %swap3A_374 {strides = array<i32>} : memref<2048xf32, #tpu.memory_space<vmem>>, vector<16xf32>,
    %swap3A_375 = arith.constant 1488 : index
    %swap3A_376 = tpu.vector_load %arg11[%swap3A_375] {strides = array<i32>} : memref<2048xf32, #tpu.memory_space<vmem>>, vector<16xf32>,
    %swap3A_377 = vector.shape_cast %swap3A_376 : vector<16xf32> to vector<16xf32>
    %swap3A_378 = vector.shape_cast %broadcast_in_dim3A_3 : vector<16xf32> to vector<16xf32>
    tpu.vector_store %arg11[%swap3A_375], %swap3A_378 {strides = array<i32>} : memref<2048xf32, #tpu.memory_space<vmem>>, vector<16xf32>,
    %swap3A_379 = arith.constant 1504 : index
    %swap3A_380 = tpu.vector_load %arg11[%swap3A_379] {strides = array<i32>} : memref<2048xf32, #tpu.memory_space<vmem>>, vector<16xf32>,
    %swap3A_381 = vector.shape_cast %swap3A_380 : vector<16xf32> to vector<16xf32>
    %swap3A_382 = vector.shape_cast %broadcast_in_dim3A_3 : vector<16xf32> to vector<16xf32>
    tpu.vector_store %arg11[%swap3A_379], %swap3A_382 {strides = array<i32>} : memref<2048xf32, #tpu.memory_space<vmem>>, vector<16xf32>,
    %swap3A_383 = arith.constant 1520 : index
    %swap3A_384 = tpu.vector_load %arg11[%swap3A_383] {strides = array<i32>} : memref<2048xf32, #tpu.memory_space<vmem>>, vector<16xf32>,
    %swap3A_385 = vector.shape_cast %swap3A_384 : vector<16xf32> to vector<16xf32>
    %swap3A_386 = vector.shape_cast %broadcast_in_dim3A_3 : vector<16xf32> to vector<16xf32>
    tpu.vector_store %arg11[%swap3A_383], %swap3A_386 {strides = array<i32>} : memref<2048xf32, #tpu.memory_space<vmem>>, vector<16xf32>,
    %swap3A_387 = arith.constant 1536 : index
    %swap3A_388 = tpu.vector_load %arg11[%swap3A_387] {strides = array<i32>} : memref<2048xf32, #tpu.memory_space<vmem>>, vector<16xf32>,
    %swap3A_389 = vector.shape_cast %swap3A_388 : vector<16xf32> to vector<16xf32>
    %swap3A_390 = vector.shape_cast %broadcast_in_dim3A_3 : vector<16xf32> to vector<16xf32>
    tpu.vector_store %arg11[%swap3A_387], %swap3A_390 {strides = array<i32>} : memref<2048xf32, #tpu.memory_space<vmem>>, vector<16xf32>,
    %swap3A_391 = arith.constant 1552 : index
    %swap3A_392 = tpu.vector_load %arg11[%swap3A_391] {strides = array<i32>} : memref<2048xf32, #tpu.memory_space<vmem>>, vector<16xf32>,
    %swap3A_393 = vector.shape_cast %swap3A_392 : vector<16xf32> to vector<16xf32>
    %swap3A_394 = vector.shape_cast %broadcast_in_dim3A_3 : vector<16xf32> to vector<16xf32>
    tpu.vector_store %arg11[%swap3A_391], %swap3A_394 {strides = array<i32>} : memref<2048xf32, #tpu.memory_space<vmem>>, vector<16xf32>,
    %swap3A_395 = arith.constant 1568 : index
    %swap3A_396 = tpu.vector_load %arg11[%swap3A_395] {strides = array<i32>} : memref<2048xf32, #tpu.memory_space<vmem>>, vector<16xf32>,
    %swap3A_397 = vector.shape_cast %swap3A_396 : vector<16xf32> to vector<16xf32>
    %swap3A_398 = vector.shape_cast %broadcast_in_dim3A_3 : vector<16xf32> to vector<16xf32>
    tpu.vector_store %arg11[%swap3A_395], %swap3A_398 {strides = array<i32>} : memref<2048xf32, #tpu.memory_space<vmem>>, vector<16xf32>,
    %swap3A_399 = arith.constant 1584 : index
    %swap3A_400 = tpu.vector_load %arg11[%swap3A_399] {strides = array<i32>} : memref<2048xf32, #tpu.memory_space<vmem>>, vector<16xf32>,
    %swap3A_401 = vector.shape_cast %swap3A_400 : vector<16xf32> to vector<16xf32>
    %swap3A_402 = vector.shape_cast %broadcast_in_dim3A_3 : vector<16xf32> to vector<16xf32>
    tpu.vector_store %arg11[%swap3A_399], %swap3A_402 {strides = array<i32>} : memref<2048xf32, #tpu.memory_space<vmem>>, vector<16xf32>,
    %swap3A_403 = arith.constant 1600 : index
    %swap3A_404 = tpu.vector_load %arg11[%swap3A_403] {strides = array<i32>} : memref<2048xf32, #tpu.memory_space<vmem>>, vector<16xf32>,
    %swap3A_405 = vector.shape_cast %swap3A_404 : vector<16xf32> to vector<16xf32>
    %swap3A_406 = vector.shape_cast %broadcast_in_dim3A_3 : vector<16xf32> to vector<16xf32>
    tpu.vector_store %arg11[%swap3A_403], %swap3A_406 {strides = array<i32>} : memref<2048xf32, #tpu.memory_space<vmem>>, vector<16xf32>,
    %swap3A_407 = arith.constant 1616 : index
    %swap3A_408 = tpu.vector_load %arg11[%swap3A_407] {strides = array<i32>} : memref<2048xf32, #tpu.memory_space<vmem>>, vector<16xf32>,
    %swap3A_409 = vector.shape_cast %swap3A_408 : vector<16xf32> to vector<16xf32>
    %swap3A_410 = vector.shape_cast %broadcast_in_dim3A_3 : vector<16xf32> to vector<16xf32>
    tpu.vector_store %arg11[%swap3A_407], %swap3A_410 {strides = array<i32>} : memref<2048xf32, #tpu.memory_space<vmem>>, vector<16xf32>,
    %swap3A_411 = arith.constant 1632 : index
    %swap3A_412 = tpu.vector_load %arg11[%swap3A_411] {strides = array<i32>} : memref<2048xf32, #tpu.memory_space<vmem>>, vector<16xf32>,
    %swap3A_413 = vector.shape_cast %swap3A_412 : vector<16xf32> to vector<16xf32>
    %swap3A_414 = vector.shape_cast %broadcast_in_dim3A_3 : vector<16xf32> to vector<16xf32>
    tpu.vector_store %arg11[%swap3A_411], %swap3A_414 {strides = array<i32>} : memref<2048xf32, #tpu.memory_space<vmem>>, vector<16xf32>,
    %swap3A_415 = arith.constant 1648 : index
    %swap3A_416 = tpu.vector_load %arg11[%swap3A_415] {strides = array<i32>} : memref<2048xf32, #tpu.memory_space<vmem>>, vector<16xf32>,
    %swap3A_417 = vector.shape_cast %swap3A_416 : vector<16xf32> to vector<16xf32>
    %swap3A_418 = vector.shape_cast %broadcast_in_dim3A_3 : vector<16xf32> to vector<16xf32>
    tpu.vector_store %arg11[%swap3A_415], %swap3A_418 {strides = array<i32>} : memref<2048xf32, #tpu.memory_space<vmem>>, vector<16xf32>,
    %swap3A_419 = arith.constant 1664 : index
    %swap3A_420 = tpu.vector_load %arg11[%swap3A_419] {strides = array<i32>} : memref<2048xf32, #tpu.memory_space<vmem>>, vector<16xf32>,
    %swap3A_421 = vector.shape_cast %swap3A_420 : vector<16xf32> to vector<16xf32>
    %swap3A_422 = vector.shape_cast %broadcast_in_dim3A_3 : vector<16xf32> to vector<16xf32>
    tpu.vector_store %arg11[%swap3A_419], %swap3A_422 {strides = array<i32>} : memref<2048xf32, #tpu.memory_space<vmem>>, vector<16xf32>,
    %swap3A_423 = arith.constant 1680 : index
    %swap3A_424 = tpu.vector_load %arg11[%swap3A_423] {strides = array<i32>} : memref<2048xf32, #tpu.memory_space<vmem>>, vector<16xf32>,
    %swap3A_425 = vector.shape_cast %swap3A_424 : vector<16xf32> to vector<16xf32>
    %swap3A_426 = vector.shape_cast %broadcast_in_dim3A_3 : vector<16xf32> to vector<16xf32>
    tpu.vector_store %arg11[%swap3A_423], %swap3A_426 {strides = array<i32>} : memref<2048xf32, #tpu.memory_space<vmem>>, vector<16xf32>,
    %swap3A_427 = arith.constant 1696 : index
    %swap3A_428 = tpu.vector_load %arg11[%swap3A_427] {strides = array<i32>} : memref<2048xf32, #tpu.memory_space<vmem>>, vector<16xf32>,
    %swap3A_429 = vector.shape_cast %swap3A_428 : vector<16xf32> to vector<16xf32>
    %swap3A_430 = vector.shape_cast %broadcast_in_dim3A_3 : vector<16xf32> to vector<16xf32>
    tpu.vector_store %arg11[%swap3A_427], %swap3A_430 {strides = array<i32>} : memref<2048xf32, #tpu.memory_space<vmem>>, vector<16xf32>,
    %swap3A_431 = arith.constant 1712 : index
    %swap3A_432 = tpu.vector_load %arg11[%swap3A_431] {strides = array<i32>} : memref<2048xf32, #tpu.memory_space<vmem>>, vector<16xf32>,
    %swap3A_433 = vector.shape_cast %swap3A_432 : vector<16xf32> to vector<16xf32>
    %swap3A_434 = vector.shape_cast %broadcast_in_dim3A_3 : vector<16xf32> to vector<16xf32>
    tpu.vector_store %arg11[%swap3A_431], %swap3A_434 {strides = array<i32>} : memref<2048xf32, #tpu.memory_space<vmem>>, vector<16xf32>,
    %swap3A_435 = arith.constant 1728 : index
    %swap3A_436 = tpu.vector_load %arg11[%swap3A_435] {strides = array<i32>} : memref<2048xf32, #tpu.memory_space<vmem>>, vector<16xf32>,
    %swap3A_437 = vector.shape_cast %swap3A_436 : vector<16xf32> to vector<16xf32>
    %swap3A_438 = vector.shape_cast %broadcast_in_dim3A_3 : vector<16xf32> to vector<16xf32>
    tpu.vector_store %arg11[%swap3A_435], %swap3A_438 {strides = array<i32>} : memref<2048xf32, #tpu.memory_space<vmem>>, vector<16xf32>,
    %swap3A_439 = arith.constant 1744 : index
    %swap3A_440 = tpu.vector_load %arg11[%swap3A_439] {strides = array<i32>} : memref<2048xf32, #tpu.memory_space<vmem>>, vector<16xf32>,
    %swap3A_441 = vector.shape_cast %swap3A_440 : vector<16xf32> to vector<16xf32>
    %swap3A_442 = vector.shape_cast %broadcast_in_dim3A_3 : vector<16xf32> to vector<16xf32>
    tpu.vector_store %arg11[%swap3A_439], %swap3A_442 {strides = array<i32>} : memref<2048xf32, #tpu.memory_space<vmem>>, vector<16xf32>,
    %swap3A_443 = arith.constant 1760 : index
    %swap3A_444 = tpu.vector_load %arg11[%swap3A_443] {strides = array<i32>} : memref<2048xf32, #tpu.memory_space<vmem>>, vector<16xf32>,
    %swap3A_445 = vector.shape_cast %swap3A_444 : vector<16xf32> to vector<16xf32>
    %swap3A_446 = vector.shape_cast %broadcast_in_dim3A_3 : vector<16xf32> to vector<16xf32>
    tpu.vector_store %arg11[%swap3A_443], %swap3A_446 {strides = array<i32>} : memref<2048xf32, #tpu.memory_space<vmem>>, vector<16xf32>,
    %swap3A_447 = arith.constant 1776 : index
    %swap3A_448 = tpu.vector_load %arg11[%swap3A_447] {strides = array<i32>} : memref<2048xf32, #tpu.memory_space<vmem>>, vector<16xf32>,
    %swap3A_449 = vector.shape_cast %swap3A_448 : vector<16xf32> to vector<16xf32>
    %swap3A_450 = vector.shape_cast %broadcast_in_dim3A_3 : vector<16xf32> to vector<16xf32>
    tpu.vector_store %arg11[%swap3A_447], %swap3A_450 {strides = array<i32>} : memref<2048xf32, #tpu.memory_space<vmem>>, vector<16xf32>,
    %swap3A_451 = arith.constant 1792 : index
    %swap3A_452 = tpu.vector_load %arg11[%swap3A_451] {strides = array<i32>} : memref<2048xf32, #tpu.memory_space<vmem>>, vector<16xf32>,
    %swap3A_453 = vector.shape_cast %swap3A_452 : vector<16xf32> to vector<16xf32>
    %swap3A_454 = vector.shape_cast %broadcast_in_dim3A_3 : vector<16xf32> to vector<16xf32>
    tpu.vector_store %arg11[%swap3A_451], %swap3A_454 {strides = array<i32>} : memref<2048xf32, #tpu.memory_space<vmem>>, vector<16xf32>,
    %swap3A_455 = arith.constant 1808 : index
    %swap3A_456 = tpu.vector_load %arg11[%swap3A_455] {strides = array<i32>} : memref<2048xf32, #tpu.memory_space<vmem>>, vector<16xf32>,
    %swap3A_457 = vector.shape_cast %swap3A_456 : vector<16xf32> to vector<16xf32>
    %swap3A_458 = vector.shape_cast %broadcast_in_dim3A_3 : vector<16xf32> to vector<16xf32>
    tpu.vector_store %arg11[%swap3A_455], %swap3A_458 {strides = array<i32>} : memref<2048xf32, #tpu.memory_space<vmem>>, vector<16xf32>,
    %swap3A_459 = arith.constant 1824 : index
    %swap3A_460 = tpu.vector_load %arg11[%swap3A_459] {strides = array<i32>} : memref<2048xf32, #tpu.memory_space<vmem>>, vector<16xf32>,
    %swap3A_461 = vector.shape_cast %swap3A_460 : vector<16xf32> to vector<16xf32>
    %swap3A_462 = vector.shape_cast %broadcast_in_dim3A_3 : vector<16xf32> to vector<16xf32>
    tpu.vector_store %arg11[%swap3A_459], %swap3A_462 {strides = array<i32>} : memref<2048xf32, #tpu.memory_space<vmem>>, vector<16xf32>,
    %swap3A_463 = arith.constant 1840 : index
    %swap3A_464 = tpu.vector_load %arg11[%swap3A_463] {strides = array<i32>} : memref<2048xf32, #tpu.memory_space<vmem>>, vector<16xf32>,
    %swap3A_465 = vector.shape_cast %swap3A_464 : vector<16xf32> to vector<16xf32>
    %swap3A_466 = vector.shape_cast %broadcast_in_dim3A_3 : vector<16xf32> to vector<16xf32>
    tpu.vector_store %arg11[%swap3A_463], %swap3A_466 {strides = array<i32>} : memref<2048xf32, #tpu.memory_space<vmem>>, vector<16xf32>,
    %swap3A_467 = arith.constant 1856 : index
    %swap3A_468 = tpu.vector_load %arg11[%swap3A_467] {strides = array<i32>} : memref<2048xf32, #tpu.memory_space<vmem>>, vector<16xf32>,
    %swap3A_469 = vector.shape_cast %swap3A_468 : vector<16xf32> to vector<16xf32>
    %swap3A_470 = vector.shape_cast %broadcast_in_dim3A_3 : vector<16xf32> to vector<16xf32>
    tpu.vector_store %arg11[%swap3A_467], %swap3A_470 {strides = array<i32>} : memref<2048xf32, #tpu.memory_space<vmem>>, vector<16xf32>,
    %swap3A_471 = arith.constant 1872 : index
    %swap3A_472 = tpu.vector_load %arg11[%swap3A_471] {strides = array<i32>} : memref<2048xf32, #tpu.memory_space<vmem>>, vector<16xf32>,
    %swap3A_473 = vector.shape_cast %swap3A_472 : vector<16xf32> to vector<16xf32>
    %swap3A_474 = vector.shape_cast %broadcast_in_dim3A_3 : vector<16xf32> to vector<16xf32>
    tpu.vector_store %arg11[%swap3A_471], %swap3A_474 {strides = array<i32>} : memref<2048xf32, #tpu.memory_space<vmem>>, vector<16xf32>,
    %swap3A_475 = arith.constant 1888 : index
    %swap3A_476 = tpu.vector_load %arg11[%swap3A_475] {strides = array<i32>} : memref<2048xf32, #tpu.memory_space<vmem>>, vector<16xf32>,
    %swap3A_477 = vector.shape_cast %swap3A_476 : vector<16xf32> to vector<16xf32>
    %swap3A_478 = vector.shape_cast %broadcast_in_dim3A_3 : vector<16xf32> to vector<16xf32>
    tpu.vector_store %arg11[%swap3A_475], %swap3A_478 {strides = array<i32>} : memref<2048xf32, #tpu.memory_space<vmem>>, vector<16xf32>,
    %swap3A_479 = arith.constant 1904 : index
    %swap3A_480 = tpu.vector_load %arg11[%swap3A_479] {strides = array<i32>} : memref<2048xf32, #tpu.memory_space<vmem>>, vector<16xf32>,
    %swap3A_481 = vector.shape_cast %swap3A_480 : vector<16xf32> to vector<16xf32>
    %swap3A_482 = vector.shape_cast %broadcast_in_dim3A_3 : vector<16xf32> to vector<16xf32>
    tpu.vector_store %arg11[%swap3A_479], %swap3A_482 {strides = array<i32>} : memref<2048xf32, #tpu.memory_space<vmem>>, vector<16xf32>,
    %swap3A_483 = arith.constant 1920 : index
    %swap3A_484 = tpu.vector_load %arg11[%swap3A_483] {strides = array<i32>} : memref<2048xf32, #tpu.memory_space<vmem>>, vector<16xf32>,
    %swap3A_485 = vector.shape_cast %swap3A_484 : vector<16xf32> to vector<16xf32>
    %swap3A_486 = vector.shape_cast %broadcast_in_dim3A_3 : vector<16xf32> to vector<16xf32>
    tpu.vector_store %arg11[%swap3A_483], %swap3A_486 {strides = array<i32>} : memref<2048xf32, #tpu.memory_space<vmem>>, vector<16xf32>,
    %swap3A_487 = arith.constant 1936 : index
    %swap3A_488 = tpu.vector_load %arg11[%swap3A_487] {strides = array<i32>} : memref<2048xf32, #tpu.memory_space<vmem>>, vector<16xf32>,
    %swap3A_489 = vector.shape_cast %swap3A_488 : vector<16xf32> to vector<16xf32>
    %swap3A_490 = vector.shape_cast %broadcast_in_dim3A_3 : vector<16xf32> to vector<16xf32>
    tpu.vector_store %arg11[%swap3A_487], %swap3A_490 {strides = array<i32>} : memref<2048xf32, #tpu.memory_space<vmem>>, vector<16xf32>,
    %swap3A_491 = arith.constant 1952 : index
    %swap3A_492 = tpu.vector_load %arg11[%swap3A_491] {strides = array<i32>} : memref<2048xf32, #tpu.memory_space<vmem>>, vector<16xf32>,
    %swap3A_493 = vector.shape_cast %swap3A_492 : vector<16xf32> to vector<16xf32>
    %swap3A_494 = vector.shape_cast %broadcast_in_dim3A_3 : vector<16xf32> to vector<16xf32>
    tpu.vector_store %arg11[%swap3A_491], %swap3A_494 {strides = array<i32>} : memref<2048xf32, #tpu.memory_space<vmem>>, vector<16xf32>,
    %swap3A_495 = arith.constant 1968 : index
    %swap3A_496 = tpu.vector_load %arg11[%swap3A_495] {strides = array<i32>} : memref<2048xf32, #tpu.memory_space<vmem>>, vector<16xf32>,
    %swap3A_497 = vector.shape_cast %swap3A_496 : vector<16xf32> to vector<16xf32>
    %swap3A_498 = vector.shape_cast %broadcast_in_dim3A_3 : vector<16xf32> to vector<16xf32>
    tpu.vector_store %arg11[%swap3A_495], %swap3A_498 {strides = array<i32>} : memref<2048xf32, #tpu.memory_space<vmem>>, vector<16xf32>,
    %swap3A_499 = arith.constant 1984 : index
    %swap3A_500 = tpu.vector_load %arg11[%swap3A_499] {strides = array<i32>} : memref<2048xf32, #tpu.memory_space<vmem>>, vector<16xf32>,
    %swap3A_501 = vector.shape_cast %swap3A_500 : vector<16xf32> to vector<16xf32>
    %swap3A_502 = vector.shape_cast %broadcast_in_dim3A_3 : vector<16xf32> to vector<16xf32>
    tpu.vector_store %arg11[%swap3A_499], %swap3A_502 {strides = array<i32>} : memref<2048xf32, #tpu.memory_space<vmem>>, vector<16xf32>,
    %swap3A_503 = arith.constant 2000 : index
    %swap3A_504 = tpu.vector_load %arg11[%swap3A_503] {strides = array<i32>} : memref<2048xf32, #tpu.memory_space<vmem>>, vector<16xf32>,
    %swap3A_505 = vector.shape_cast %swap3A_504 : vector<16xf32> to vector<16xf32>
    %swap3A_506 = vector.shape_cast %broadcast_in_dim3A_3 : vector<16xf32> to vector<16xf32>
    tpu.vector_store %arg11[%swap3A_503], %swap3A_506 {strides = array<i32>} : memref<2048xf32, #tpu.memory_space<vmem>>, vector<16xf32>,
    %swap3A_507 = arith.constant 2016 : index
    %swap3A_508 = tpu.vector_load %arg11[%swap3A_507] {strides = array<i32>} : memref<2048xf32, #tpu.memory_space<vmem>>, vector<16xf32>,
    %swap3A_509 = vector.shape_cast %swap3A_508 : vector<16xf32> to vector<16xf32>
    %swap3A_510 = vector.shape_cast %broadcast_in_dim3A_3 : vector<16xf32> to vector<16xf32>
    tpu.vector_store %arg11[%swap3A_507], %swap3A_510 {strides = array<i32>} : memref<2048xf32, #tpu.memory_space<vmem>>, vector<16xf32>,
    %swap3A_511 = arith.constant 2032 : index
    %swap3A_512 = tpu.vector_load %arg11[%swap3A_511] {strides = array<i32>} : memref<2048xf32, #tpu.memory_space<vmem>>, vector<16xf32>,
    %swap3A_513 = vector.shape_cast %swap3A_512 : vector<16xf32> to vector<16xf32>
    %swap3A_514 = vector.shape_cast %broadcast_in_dim3A_3 : vector<16xf32> to vector<16xf32>
    tpu.vector_store %arg11[%swap3A_511], %swap3A_514 {strides = array<i32>} : memref<2048xf32, #tpu.memory_space<vmem>>, vector<16xf32>,
    %get3A = arith.constant 0 : i32
    %get3A_515 = arith.index_cast %get3A : i32 to index
    %get3A_516 = arith.constant 0 : index
    %get3A_517 = tpu.vector_load %arg9[%get3A_515, %get3A_516] {strides = array<i32>} : memref<4x128xf32, #tpu.memory_space<vmem>>, vector<1x16xf32>,
    %get3A_518 = vector.shape_cast %get3A_517 : vector<1x16xf32> to vector<16xf32>
    %get3A_519 = arith.constant 0 : i32
    %get3A_520 = arith.index_cast %get3A_519 : i32 to index
    %get3A_521 = arith.constant 16 : index
    %get3A_522 = tpu.vector_load %arg9[%get3A_520, %get3A_521] {strides = array<i32>} : memref<4x128xf32, #tpu.memory_space<vmem>>, vector<1x16xf32>,
    %get3A_523 = vector.shape_cast %get3A_522 : vector<1x16xf32> to vector<16xf32>
    %get3A_524 = arith.constant 0 : i32
    %get3A_525 = arith.index_cast %get3A_524 : i32 to index
    %get3A_526 = arith.constant 32 : index
    %get3A_527 = tpu.vector_load %arg9[%get3A_525, %get3A_526] {strides = array<i32>} : memref<4x128xf32, #tpu.memory_space<vmem>>, vector<1x16xf32>,
    %get3A_528 = vector.shape_cast %get3A_527 : vector<1x16xf32> to vector<16xf32>
    %get3A_529 = arith.constant 0 : i32
    %get3A_530 = arith.index_cast %get3A_529 : i32 to index
    %get3A_531 = arith.constant 48 : index
    %get3A_532 = tpu.vector_load %arg9[%get3A_530, %get3A_531] {strides = array<i32>} : memref<4x128xf32, #tpu.memory_space<vmem>>, vector<1x16xf32>,
    %get3A_533 = vector.shape_cast %get3A_532 : vector<1x16xf32> to vector<16xf32>
    %get3A_534 = arith.constant 0 : i32
    %get3A_535 = arith.index_cast %get3A_534 : i32 to index
    %get3A_536 = arith.constant 64 : index
    %get3A_537 = tpu.vector_load %arg9[%get3A_535, %get3A_536] {strides = array<i32>} : memref<4x128xf32, #tpu.memory_space<vmem>>, vector<1x16xf32>,
    %get3A_538 = vector.shape_cast %get3A_537 : vector<1x16xf32> to vector<16xf32>
    %get3A_539 = arith.constant 0 : i32
    %get3A_540 = arith.index_cast %get3A_539 : i32 to index
    %get3A_541 = arith.constant 80 : index
    %get3A_542 = tpu.vector_load %arg9[%get3A_540, %get3A_541] {strides = array<i32>} : memref<4x128xf32, #tpu.memory_space<vmem>>, vector<1x16xf32>,
    %get3A_543 = vector.shape_cast %get3A_542 : vector<1x16xf32> to vector<16xf32>
    %get3A_544 = arith.constant 0 : i32
    %get3A_545 = arith.index_cast %get3A_544 : i32 to index
    %get3A_546 = arith.constant 96 : index
    %get3A_547 = tpu.vector_load %arg9[%get3A_545, %get3A_546] {strides = array<i32>} : memref<4x128xf32, #tpu.memory_space<vmem>>, vector<1x16xf32>,
    %get3A_548 = vector.shape_cast %get3A_547 : vector<1x16xf32> to vector<16xf32>
    %get3A_549 = arith.constant 0 : i32
    %get3A_550 = arith.index_cast %get3A_549 : i32 to index
    %get3A_551 = arith.constant 112 : index
    %get3A_552 = tpu.vector_load %arg9[%get3A_550, %get3A_551] {strides = array<i32>} : memref<4x128xf32, #tpu.memory_space<vmem>>, vector<1x16xf32>,
    %get3A_553 = vector.shape_cast %get3A_552 : vector<1x16xf32> to vector<16xf32>
    %get3A_554 = arith.constant 1 : i32
    %get3A_555 = arith.index_cast %get3A_554 : i32 to index
    %get3A_556 = arith.constant 0 : index
    %get3A_557 = tpu.vector_load %arg9[%get3A_555, %get3A_556] {strides = array<i32>} : memref<4x128xf32, #tpu.memory_space<vmem>>, vector<1x16xf32>,
    %get3A_558 = vector.shape_cast %get3A_557 : vector<1x16xf32> to vector<16xf32>
    %get3A_559 = arith.constant 1 : i32
    %get3A_560 = arith.index_cast %get3A_559 : i32 to index
    %get3A_561 = arith.constant 16 : index
    %get3A_562 = tpu.vector_load %arg9[%get3A_560, %get3A_561] {strides = array<i32>} : memref<4x128xf32, #tpu.memory_space<vmem>>, vector<1x16xf32>,
    %get3A_563 = vector.shape_cast %get3A_562 : vector<1x16xf32> to vector<16xf32>
    %get3A_564 = arith.constant 1 : i32
    %get3A_565 = arith.index_cast %get3A_564 : i32 to index
    %get3A_566 = arith.constant 32 : index
    %get3A_567 = tpu.vector_load %arg9[%get3A_565, %get3A_566] {strides = array<i32>} : memref<4x128xf32, #tpu.memory_space<vmem>>, vector<1x16xf32>,
    %get3A_568 = vector.shape_cast %get3A_567 : vector<1x16xf32> to vector<16xf32>
    %get3A_569 = arith.constant 1 : i32
    %get3A_570 = arith.index_cast %get3A_569 : i32 to index
    %get3A_571 = arith.constant 48 : index
    %get3A_572 = tpu.vector_load %arg9[%get3A_570, %get3A_571] {strides = array<i32>} : memref<4x128xf32, #tpu.memory_space<vmem>>, vector<1x16xf32>,
    %get3A_573 = vector.shape_cast %get3A_572 : vector<1x16xf32> to vector<16xf32>
    %get3A_574 = arith.constant 1 : i32
    %get3A_575 = arith.index_cast %get3A_574 : i32 to index
    %get3A_576 = arith.constant 64 : index
    %get3A_577 = tpu.vector_load %arg9[%get3A_575, %get3A_576] {strides = array<i32>} : memref<4x128xf32, #tpu.memory_space<vmem>>, vector<1x16xf32>,
    %get3A_578 = vector.shape_cast %get3A_577 : vector<1x16xf32> to vector<16xf32>
    %get3A_579 = arith.constant 1 : i32
    %get3A_580 = arith.index_cast %get3A_579 : i32 to index
    %get3A_581 = arith.constant 80 : index
    %get3A_582 = tpu.vector_load %arg9[%get3A_580, %get3A_581] {strides = array<i32>} : memref<4x128xf32, #tpu.memory_space<vmem>>, vector<1x16xf32>,
    %get3A_583 = vector.shape_cast %get3A_582 : vector<1x16xf32> to vector<16xf32>
    %get3A_584 = arith.constant 1 : i32
    %get3A_585 = arith.index_cast %get3A_584 : i32 to index
    %get3A_586 = arith.constant 96 : index
    %get3A_587 = tpu.vector_load %arg9[%get3A_585, %get3A_586] {strides = array<i32>} : memref<4x128xf32, #tpu.memory_space<vmem>>, vector<1x16xf32>,
    %get3A_588 = vector.shape_cast %get3A_587 : vector<1x16xf32> to vector<16xf32>
    %get3A_589 = arith.constant 1 : i32
    %get3A_590 = arith.index_cast %get3A_589 : i32 to index
    %get3A_591 = arith.constant 112 : index
    %get3A_592 = tpu.vector_load %arg9[%get3A_590, %get3A_591] {strides = array<i32>} : memref<4x128xf32, #tpu.memory_space<vmem>>, vector<1x16xf32>,
    %get3A_593 = vector.shape_cast %get3A_592 : vector<1x16xf32> to vector<16xf32>
    %get3A_594 = arith.constant 2 : i32
    %get3A_595 = arith.index_cast %get3A_594 : i32 to index
    %get3A_596 = arith.constant 0 : index
    %get3A_597 = tpu.vector_load %arg9[%get3A_595, %get3A_596] {strides = array<i32>} : memref<4x128xf32, #tpu.memory_space<vmem>>, vector<1x16xf32>,
    %get3A_598 = vector.shape_cast %get3A_597 : vector<1x16xf32> to vector<16xf32>
    %get3A_599 = arith.constant 2 : i32
    %get3A_600 = arith.index_cast %get3A_599 : i32 to index
    %get3A_601 = arith.constant 16 : index
    %get3A_602 = tpu.vector_load %arg9[%get3A_600, %get3A_601] {strides = array<i32>} : memref<4x128xf32, #tpu.memory_space<vmem>>, vector<1x16xf32>,
    %get3A_603 = vector.shape_cast %get3A_602 : vector<1x16xf32> to vector<16xf32>
    %get3A_604 = arith.constant 2 : i32
    %get3A_605 = arith.index_cast %get3A_604 : i32 to index
    %get3A_606 = arith.constant 32 : index
    %get3A_607 = tpu.vector_load %arg9[%get3A_605, %get3A_606] {strides = array<i32>} : memref<4x128xf32, #tpu.memory_space<vmem>>, vector<1x16xf32>,
    %get3A_608 = vector.shape_cast %get3A_607 : vector<1x16xf32> to vector<16xf32>
    %get3A_609 = arith.constant 2 : i32
    %get3A_610 = arith.index_cast %get3A_609 : i32 to index
    %get3A_611 = arith.constant 48 : index
    %get3A_612 = tpu.vector_load %arg9[%get3A_610, %get3A_611] {strides = array<i32>} : memref<4x128xf32, #tpu.memory_space<vmem>>, vector<1x16xf32>,
    %get3A_613 = vector.shape_cast %get3A_612 : vector<1x16xf32> to vector<16xf32>
    %get3A_614 = arith.constant 2 : i32
    %get3A_615 = arith.index_cast %get3A_614 : i32 to index
    %get3A_616 = arith.constant 64 : index
    %get3A_617 = tpu.vector_load %arg9[%get3A_615, %get3A_616] {strides = array<i32>} : memref<4x128xf32, #tpu.memory_space<vmem>>, vector<1x16xf32>,
    %get3A_618 = vector.shape_cast %get3A_617 : vector<1x16xf32> to vector<16xf32>
    %get3A_619 = arith.constant 2 : i32
    %get3A_620 = arith.index_cast %get3A_619 : i32 to index
    %get3A_621 = arith.constant 80 : index
    %get3A_622 = tpu.vector_load %arg9[%get3A_620, %get3A_621] {strides = array<i32>} : memref<4x128xf32, #tpu.memory_space<vmem>>, vector<1x16xf32>,
    %get3A_623 = vector.shape_cast %get3A_622 : vector<1x16xf32> to vector<16xf32>
    %get3A_624 = arith.constant 2 : i32
    %get3A_625 = arith.index_cast %get3A_624 : i32 to index
    %get3A_626 = arith.constant 96 : index
    %get3A_627 = tpu.vector_load %arg9[%get3A_625, %get3A_626] {strides = array<i32>} : memref<4x128xf32, #tpu.memory_space<vmem>>, vector<1x16xf32>,
    %get3A_628 = vector.shape_cast %get3A_627 : vector<1x16xf32> to vector<16xf32>
    %get3A_629 = arith.constant 2 : i32
    %get3A_630 = arith.index_cast %get3A_629 : i32 to index
    %get3A_631 = arith.constant 112 : index
    %get3A_632 = tpu.vector_load %arg9[%get3A_630, %get3A_631] {strides = array<i32>} : memref<4x128xf32, #tpu.memory_space<vmem>>, vector<1x16xf32>,
    %get3A_633 = vector.shape_cast %get3A_632 : vector<1x16xf32> to vector<16xf32>
    %get3A_634 = arith.constant 3 : i32
    %get3A_635 = arith.index_cast %get3A_634 : i32 to index
    %get3A_636 = arith.constant 0 : index
    %get3A_637 = tpu.vector_load %arg9[%get3A_635, %get3A_636] {strides = array<i32>} : memref<4x128xf32, #tpu.memory_space<vmem>>, vector<1x16xf32>,
    %get3A_638 = vector.shape_cast %get3A_637 : vector<1x16xf32> to vector<16xf32>
    %get3A_639 = arith.constant 3 : i32
    %get3A_640 = arith.index_cast %get3A_639 : i32 to index
    %get3A_641 = arith.constant 16 : index
    %get3A_642 = tpu.vector_load %arg9[%get3A_640, %get3A_641] {strides = array<i32>} : memref<4x128xf32, #tpu.memory_space<vmem>>, vector<1x16xf32>,
    %get3A_643 = vector.shape_cast %get3A_642 : vector<1x16xf32> to vector<16xf32>
    %get3A_644 = arith.constant 3 : i32
    %get3A_645 = arith.index_cast %get3A_644 : i32 to index
    %get3A_646 = arith.constant 32 : index
    %get3A_647 = tpu.vector_load %arg9[%get3A_645, %get3A_646] {strides = array<i32>} : memref<4x128xf32, #tpu.memory_space<vmem>>, vector<1x16xf32>,
    %get3A_648 = vector.shape_cast %get3A_647 : vector<1x16xf32> to vector<16xf32>
    %get3A_649 = arith.constant 3 : i32
    %get3A_650 = arith.index_cast %get3A_649 : i32 to index
    %get3A_651 = arith.constant 48 : index
    %get3A_652 = tpu.vector_load %arg9[%get3A_650, %get3A_651] {strides = array<i32>} : memref<4x128xf32, #tpu.memory_space<vmem>>, vector<1x16xf32>,
    %get3A_653 = vector.shape_cast %get3A_652 : vector<1x16xf32> to vector<16xf32>
    %get3A_654 = arith.constant 3 : i32
    %get3A_655 = arith.index_cast %get3A_654 : i32 to index
    %get3A_656 = arith.constant 64 : index
    %get3A_657 = tpu.vector_load %arg9[%get3A_655, %get3A_656] {strides = array<i32>} : memref<4x128xf32, #tpu.memory_space<vmem>>, vector<1x16xf32>,
    %get3A_658 = vector.shape_cast %get3A_657 : vector<1x16xf32> to vector<16xf32>
    %get3A_659 = arith.constant 3 : i32
    %get3A_660 = arith.index_cast %get3A_659 : i32 to index
    %get3A_661 = arith.constant 80 : index
    %get3A_662 = tpu.vector_load %arg9[%get3A_660, %get3A_661] {strides = array<i32>} : memref<4x128xf32, #tpu.memory_space<vmem>>, vector<1x16xf32>,
    %get3A_663 = vector.shape_cast %get3A_662 : vector<1x16xf32> to vector<16xf32>
    %get3A_664 = arith.constant 3 : i32
    %get3A_665 = arith.index_cast %get3A_664 : i32 to index
    %get3A_666 = arith.constant 96 : index
    %get3A_667 = tpu.vector_load %arg9[%get3A_665, %get3A_666] {strides = array<i32>} : memref<4x128xf32, #tpu.memory_space<vmem>>, vector<1x16xf32>,
    %get3A_668 = vector.shape_cast %get3A_667 : vector<1x16xf32> to vector<16xf32>
    %get3A_669 = arith.constant 3 : i32
    %get3A_670 = arith.index_cast %get3A_669 : i32 to index
    %get3A_671 = arith.constant 112 : index
    %get3A_672 = tpu.vector_load %arg9[%get3A_670, %get3A_671] {strides = array<i32>} : memref<4x128xf32, #tpu.memory_space<vmem>>, vector<1x16xf32>,
    %get3A_673 = vector.shape_cast %get3A_672 : vector<1x16xf32> to vector<16xf32>
    %scan3A = arith.constant 0 : i32
    %scan3A_674 = arith.constant 0 : i32
    %scan3A_675 = arith.constant 16 : i32
    %scan3A_676 = arith.addi %scan3A_674, %scan3A_675 : i32
    %scan3A_677 = arith.constant 1 : i32
    scf.for %scan3A_1473 = %scan3A_674 to %scan3A_676 step %scan3A_677  : i32 {
      %get3A_1474 = arith.index_cast %scan3A_1473 : i32 to index
      %get3A_1475 = tpu.vector_load %arg10[%get3A_1474] {strides = array<i32>} : memref<48xi32, #tpu.memory_space<vmem>>, vector<16xi32>,
      %get3A_1476 = vector.shape_cast %get3A_1475 : vector<16xi32> to vector<16xi32>
      %slice3A = vector.extract_strided_slice %get3A_1476 {offsets = [0], sizes = [1], strides = [1]} : vector<16xi32> to vector<1xi32>
      %squeeze3A = vector.extract %slice3A[0] : i32 from vector<1xi32>
      %add3A_1477 = arith.constant 16 : i32
      %add3A_1478 = arith.addi %scan3A_1473, %add3A_1477 : i32
      %get3A_1479 = arith.index_cast %add3A_1478 : i32 to index
      %get3A_1480 = tpu.vector_load %arg10[%get3A_1479] {strides = array<i32>} : memref<48xi32, #tpu.memory_space<vmem>>, vector<16xi32>,
      %get3A_1481 = vector.shape_cast %get3A_1480 : vector<16xi32> to vector<16xi32>
      %slice3A_1482 = vector.extract_strided_slice %get3A_1481 {offsets = [0], sizes = [1], strides = [1]} : vector<16xi32> to vector<1xi32>
      %squeeze3A_1483 = vector.extract %slice3A_1482[0] : i32 from vector<1xi32>
      %mul3A_1484 = arith.constant 128 : i32
      %mul3A_1485 = arith.muli %scan3A_1473, %mul3A_1484 : i32
      %and3A = arith.constant 1 : i32
      %and3A_1486 = arith.andi %squeeze3A, %and3A : i32
      %eq3A = arith.constant 1 : i32
      %eq3A_1487 = arith.cmpi eq, %and3A_1486, %eq3A : i32
      %lt3A = arith.cmpi slt, %squeeze3A, %squeeze3A_1483 : i32
      %and3A_1488 = arith.andi %eq3A_1487, %lt3A : i1
      %convert_element_type3A = arith.extui %and3A_1488 : i1 to i32
      %cond3A = arith.constant 0 : i32
      %cond3A_1489 = arith.cmpi ne, %convert_element_type3A, %cond3A : i32
      scf.if %cond3A_1489 {
        %get3A_1577 = arith.index_cast %squeeze3A : i32 to index
        %get3A_1578 = tpu.vector_load %arg7[%get3A_1577] {strides = array<i32>} : memref<1040xf32, #tpu.memory_space<vmem>>, vector<16xf32>,
        %get3A_1579 = vector.shape_cast %get3A_1578 : vector<16xf32> to vector<16xf32>
        %slice3A_1580 = vector.extract_strided_slice %get3A_1579 {offsets = [0], sizes = [1], strides = [1]} : vector<16xf32> to vector<1xf32>
        %squeeze3A_1581 = vector.extract %slice3A_1580[0] : f32 from vector<1xf32>
        %broadcast_in_dim3A_1582 = vector.broadcast %squeeze3A_1581 : f32 to vector<16xf32>
        %get3A_1583 = arith.index_cast %squeeze3A : i32 to index
        %get3A_1584 = tpu.vector_load %arg8[%get3A_1583] {strides = array<i32>} : memref<1040xf32, #tpu.memory_space<vmem>>, vector<16xf32>,
        %get3A_1585 = vector.shape_cast %get3A_1584 : vector<16xf32> to vector<16xf32>
        %slice3A_1586 = vector.extract_strided_slice %get3A_1585 {offsets = [0], sizes = [1], strides = [1]} : vector<16xf32> to vector<1xf32>
        %squeeze3A_1587 = vector.extract %slice3A_1586[0] : f32 from vector<1xf32>
        %broadcast_in_dim3A_1588 = vector.broadcast %squeeze3A_1587 : f32 to vector<16xf32>
        %add3A_1589 = arith.constant 0 : i32
        %add3A_1590 = arith.addi %mul3A_1485, %add3A_1589 : i32
        %sub3A_1591 = arith.subf %broadcast_in_dim3A_1582, %get3A_518 : vector<16xf32>
        %sub3A_1592 = arith.subf %broadcast_in_dim3A_1588, %get3A_558 : vector<16xf32>
        %mul3A_1593 = arith.mulf %sub3A_1591, %sub3A_1591 : vector<16xf32>
        %mul3A_1594 = arith.mulf %mul3A_1593, %get3A_598 : vector<16xf32>
        %mul3A_1595 = arith.mulf %sub3A_1592, %sub3A_1592 : vector<16xf32>
        %mul3A_1596 = arith.mulf %mul3A_1595, %get3A_638 : vector<16xf32>
        %add3A_1597 = arith.addf %mul3A_1594, %mul3A_1596 : vector<16xf32>
        %exp3A = math.exp %add3A_1597 : vector<16xf32>
        %swap3A_1598 = arith.index_cast %add3A_1590 : i32 to index
        %swap3A_1599 = tpu.vector_load %arg11[%swap3A_1598] {strides = array<i32>} : memref<2048xf32, #tpu.memory_space<vmem>>, vector<16xf32>,
        %swap3A_1600 = vector.shape_cast %swap3A_1599 : vector<16xf32> to vector<16xf32>
        %swap3A_1601 = vector.shape_cast %exp3A : vector<16xf32> to vector<16xf32>
        tpu.vector_store %arg11[%swap3A_1598], %swap3A_1601 {add = true, strides = array<i32>} : memref<2048xf32, #tpu.memory_space<vmem>>, vector<16xf32>,
        %add3A_1602 = arith.constant 16 : i32
        %add3A_1603 = arith.addi %mul3A_1485, %add3A_1602 : i32
        %sub3A_1604 = arith.subf %broadcast_in_dim3A_1582, %get3A_523 : vector<16xf32>
        %sub3A_1605 = arith.subf %broadcast_in_dim3A_1588, %get3A_563 : vector<16xf32>
        %mul3A_1606 = arith.mulf %sub3A_1604, %sub3A_1604 : vector<16xf32>
        %mul3A_1607 = arith.mulf %mul3A_1606, %get3A_603 : vector<16xf32>
        %mul3A_1608 = arith.mulf %sub3A_1605, %sub3A_1605 : vector<16xf32>
        %mul3A_1609 = arith.mulf %mul3A_1608, %get3A_643 : vector<16xf32>
        %add3A_1610 = arith.addf %mul3A_1607, %mul3A_1609 : vector<16xf32>
        %exp3A_1611 = math.exp %add3A_1610 : vector<16xf32>
        %swap3A_1612 = arith.index_cast %add3A_1603 : i32 to index
        %swap3A_1613 = tpu.vector_load %arg11[%swap3A_1612] {strides = array<i32>} : memref<2048xf32, #tpu.memory_space<vmem>>, vector<16xf32>,
        %swap3A_1614 = vector.shape_cast %swap3A_1613 : vector<16xf32> to vector<16xf32>
        %swap3A_1615 = vector.shape_cast %exp3A_1611 : vector<16xf32> to vector<16xf32>
        tpu.vector_store %arg11[%swap3A_1612], %swap3A_1615 {add = true, strides = array<i32>} : memref<2048xf32, #tpu.memory_space<vmem>>, vector<16xf32>,
        %add3A_1616 = arith.constant 32 : i32
        %add3A_1617 = arith.addi %mul3A_1485, %add3A_1616 : i32
        %sub3A_1618 = arith.subf %broadcast_in_dim3A_1582, %get3A_528 : vector<16xf32>
        %sub3A_1619 = arith.subf %broadcast_in_dim3A_1588, %get3A_568 : vector<16xf32>
        %mul3A_1620 = arith.mulf %sub3A_1618, %sub3A_1618 : vector<16xf32>
        %mul3A_1621 = arith.mulf %mul3A_1620, %get3A_608 : vector<16xf32>
        %mul3A_1622 = arith.mulf %sub3A_1619, %sub3A_1619 : vector<16xf32>
        %mul3A_1623 = arith.mulf %mul3A_1622, %get3A_648 : vector<16xf32>
        %add3A_1624 = arith.addf %mul3A_1621, %mul3A_1623 : vector<16xf32>
        %exp3A_1625 = math.exp %add3A_1624 : vector<16xf32>
        %swap3A_1626 = arith.index_cast %add3A_1617 : i32 to index
        %swap3A_1627 = tpu.vector_load %arg11[%swap3A_1626] {strides = array<i32>} : memref<2048xf32, #tpu.memory_space<vmem>>, vector<16xf32>,
        %swap3A_1628 = vector.shape_cast %swap3A_1627 : vector<16xf32> to vector<16xf32>
        %swap3A_1629 = vector.shape_cast %exp3A_1625 : vector<16xf32> to vector<16xf32>
        tpu.vector_store %arg11[%swap3A_1626], %swap3A_1629 {add = true, strides = array<i32>} : memref<2048xf32, #tpu.memory_space<vmem>>, vector<16xf32>,
        %add3A_1630 = arith.constant 48 : i32
        %add3A_1631 = arith.addi %mul3A_1485, %add3A_1630 : i32
        %sub3A_1632 = arith.subf %broadcast_in_dim3A_1582, %get3A_533 : vector<16xf32>
        %sub3A_1633 = arith.subf %broadcast_in_dim3A_1588, %get3A_573 : vector<16xf32>
        %mul3A_1634 = arith.mulf %sub3A_1632, %sub3A_1632 : vector<16xf32>
        %mul3A_1635 = arith.mulf %mul3A_1634, %get3A_613 : vector<16xf32>
        %mul3A_1636 = arith.mulf %sub3A_1633, %sub3A_1633 : vector<16xf32>
        %mul3A_1637 = arith.mulf %mul3A_1636, %get3A_653 : vector<16xf32>
        %add3A_1638 = arith.addf %mul3A_1635, %mul3A_1637 : vector<16xf32>
        %exp3A_1639 = math.exp %add3A_1638 : vector<16xf32>
        %swap3A_1640 = arith.index_cast %add3A_1631 : i32 to index
        %swap3A_1641 = tpu.vector_load %arg11[%swap3A_1640] {strides = array<i32>} : memref<2048xf32, #tpu.memory_space<vmem>>, vector<16xf32>,
        %swap3A_1642 = vector.shape_cast %swap3A_1641 : vector<16xf32> to vector<16xf32>
        %swap3A_1643 = vector.shape_cast %exp3A_1639 : vector<16xf32> to vector<16xf32>
        tpu.vector_store %arg11[%swap3A_1640], %swap3A_1643 {add = true, strides = array<i32>} : memref<2048xf32, #tpu.memory_space<vmem>>, vector<16xf32>,
        %add3A_1644 = arith.constant 64 : i32
        %add3A_1645 = arith.addi %mul3A_1485, %add3A_1644 : i32
        %sub3A_1646 = arith.subf %broadcast_in_dim3A_1582, %get3A_538 : vector<16xf32>
        %sub3A_1647 = arith.subf %broadcast_in_dim3A_1588, %get3A_578 : vector<16xf32>
        %mul3A_1648 = arith.mulf %sub3A_1646, %sub3A_1646 : vector<16xf32>
        %mul3A_1649 = arith.mulf %mul3A_1648, %get3A_618 : vector<16xf32>
        %mul3A_1650 = arith.mulf %sub3A_1647, %sub3A_1647 : vector<16xf32>
        %mul3A_1651 = arith.mulf %mul3A_1650, %get3A_658 : vector<16xf32>
        %add3A_1652 = arith.addf %mul3A_1649, %mul3A_1651 : vector<16xf32>
        %exp3A_1653 = math.exp %add3A_1652 : vector<16xf32>
        %swap3A_1654 = arith.index_cast %add3A_1645 : i32 to index
        %swap3A_1655 = tpu.vector_load %arg11[%swap3A_1654] {strides = array<i32>} : memref<2048xf32, #tpu.memory_space<vmem>>, vector<16xf32>,
        %swap3A_1656 = vector.shape_cast %swap3A_1655 : vector<16xf32> to vector<16xf32>
        %swap3A_1657 = vector.shape_cast %exp3A_1653 : vector<16xf32> to vector<16xf32>
        tpu.vector_store %arg11[%swap3A_1654], %swap3A_1657 {add = true, strides = array<i32>} : memref<2048xf32, #tpu.memory_space<vmem>>, vector<16xf32>,
        %add3A_1658 = arith.constant 80 : i32
        %add3A_1659 = arith.addi %mul3A_1485, %add3A_1658 : i32
        %sub3A_1660 = arith.subf %broadcast_in_dim3A_1582, %get3A_543 : vector<16xf32>
        %sub3A_1661 = arith.subf %broadcast_in_dim3A_1588, %get3A_583 : vector<16xf32>
        %mul3A_1662 = arith.mulf %sub3A_1660, %sub3A_1660 : vector<16xf32>
        %mul3A_1663 = arith.mulf %mul3A_1662, %get3A_623 : vector<16xf32>
        %mul3A_1664 = arith.mulf %sub3A_1661, %sub3A_1661 : vector<16xf32>
        %mul3A_1665 = arith.mulf %mul3A_1664, %get3A_663 : vector<16xf32>
        %add3A_1666 = arith.addf %mul3A_1663, %mul3A_1665 : vector<16xf32>
        %exp3A_1667 = math.exp %add3A_1666 : vector<16xf32>
        %swap3A_1668 = arith.index_cast %add3A_1659 : i32 to index
        %swap3A_1669 = tpu.vector_load %arg11[%swap3A_1668] {strides = array<i32>} : memref<2048xf32, #tpu.memory_space<vmem>>, vector<16xf32>,
        %swap3A_1670 = vector.shape_cast %swap3A_1669 : vector<16xf32> to vector<16xf32>
        %swap3A_1671 = vector.shape_cast %exp3A_1667 : vector<16xf32> to vector<16xf32>
        tpu.vector_store %arg11[%swap3A_1668], %swap3A_1671 {add = true, strides = array<i32>} : memref<2048xf32, #tpu.memory_space<vmem>>, vector<16xf32>,
        %add3A_1672 = arith.constant 96 : i32
        %add3A_1673 = arith.addi %mul3A_1485, %add3A_1672 : i32
        %sub3A_1674 = arith.subf %broadcast_in_dim3A_1582, %get3A_548 : vector<16xf32>
        %sub3A_1675 = arith.subf %broadcast_in_dim3A_1588, %get3A_588 : vector<16xf32>
        %mul3A_1676 = arith.mulf %sub3A_1674, %sub3A_1674 : vector<16xf32>
        %mul3A_1677 = arith.mulf %mul3A_1676, %get3A_628 : vector<16xf32>
        %mul3A_1678 = arith.mulf %sub3A_1675, %sub3A_1675 : vector<16xf32>
        %mul3A_1679 = arith.mulf %mul3A_1678, %get3A_668 : vector<16xf32>
        %add3A_1680 = arith.addf %mul3A_1677, %mul3A_1679 : vector<16xf32>
        %exp3A_1681 = math.exp %add3A_1680 : vector<16xf32>
        %swap3A_1682 = arith.index_cast %add3A_1673 : i32 to index
        %swap3A_1683 = tpu.vector_load %arg11[%swap3A_1682] {strides = array<i32>} : memref<2048xf32, #tpu.memory_space<vmem>>, vector<16xf32>,
        %swap3A_1684 = vector.shape_cast %swap3A_1683 : vector<16xf32> to vector<16xf32>
        %swap3A_1685 = vector.shape_cast %exp3A_1681 : vector<16xf32> to vector<16xf32>
        tpu.vector_store %arg11[%swap3A_1682], %swap3A_1685 {add = true, strides = array<i32>} : memref<2048xf32, #tpu.memory_space<vmem>>, vector<16xf32>,
        %add3A_1686 = arith.constant 112 : i32
        %add3A_1687 = arith.addi %mul3A_1485, %add3A_1686 : i32
        %sub3A_1688 = arith.subf %broadcast_in_dim3A_1582, %get3A_553 : vector<16xf32>
        %sub3A_1689 = arith.subf %broadcast_in_dim3A_1588, %get3A_593 : vector<16xf32>
        %mul3A_1690 = arith.mulf %sub3A_1688, %sub3A_1688 : vector<16xf32>
        %mul3A_1691 = arith.mulf %mul3A_1690, %get3A_633 : vector<16xf32>
        %mul3A_1692 = arith.mulf %sub3A_1689, %sub3A_1689 : vector<16xf32>
        %mul3A_1693 = arith.mulf %mul3A_1692, %get3A_673 : vector<16xf32>
        %add3A_1694 = arith.addf %mul3A_1691, %mul3A_1693 : vector<16xf32>
        %exp3A_1695 = math.exp %add3A_1694 : vector<16xf32>
        %swap3A_1696 = arith.index_cast %add3A_1687 : i32 to index
        %swap3A_1697 = tpu.vector_load %arg11[%swap3A_1696] {strides = array<i32>} : memref<2048xf32, #tpu.memory_space<vmem>>, vector<16xf32>,
        %swap3A_1698 = vector.shape_cast %swap3A_1697 : vector<16xf32> to vector<16xf32>
        %swap3A_1699 = vector.shape_cast %exp3A_1695 : vector<16xf32> to vector<16xf32>
        tpu.vector_store %arg11[%swap3A_1696], %swap3A_1699 {add = true, strides = array<i32>} : memref<2048xf32, #tpu.memory_space<vmem>>, vector<16xf32>,
      } else {
      }
      %and3A_1490 = arith.constant 1 : i32
      %and3A_1491 = arith.andi %squeeze3A_1483, %and3A_1490 : i32
      %eq3A_1492 = arith.constant 1 : i32
      %eq3A_1493 = arith.cmpi eq, %and3A_1491, %eq3A_1492 : i32
      %sub3A = arith.constant 1 : i32
      %sub3A_1494 = arith.subi %squeeze3A_1483, %sub3A : i32
      %ge3A = arith.cmpi sge, %sub3A_1494, %squeeze3A : i32
      %and3A_1495 = arith.andi %eq3A_1493, %ge3A : i1
      %convert_element_type3A_1496 = arith.extui %and3A_1495 : i1 to i32
      %cond3A_1497 = arith.constant 0 : i32
      %cond3A_1498 = arith.cmpi ne, %convert_element_type3A_1496, %cond3A_1497 : i32
      scf.if %cond3A_1498 {
        %sub3A_1577 = arith.constant 1 : i32
        %sub3A_1578 = arith.subi %squeeze3A_1483, %sub3A_1577 : i32
        %get3A_1579 = arith.index_cast %sub3A_1578 : i32 to index
        %get3A_1580 = tpu.vector_load %arg7[%get3A_1579] {strides = array<i32>} : memref<1040xf32, #tpu.memory_space<vmem>>, vector<16xf32>,
        %get3A_1581 = vector.shape_cast %get3A_1580 : vector<16xf32> to vector<16xf32>
        %slice3A_1582 = vector.extract_strided_slice %get3A_1581 {offsets = [0], sizes = [1], strides = [1]} : vector<16xf32> to vector<1xf32>
        %squeeze3A_1583 = vector.extract %slice3A_1582[0] : f32 from vector<1xf32>
        %broadcast_in_dim3A_1584 = vector.broadcast %squeeze3A_1583 : f32 to vector<16xf32>
        %get3A_1585 = arith.index_cast %sub3A_1578 : i32 to index
        %get3A_1586 = tpu.vector_load %arg8[%get3A_1585] {strides = array<i32>} : memref<1040xf32, #tpu.memory_space<vmem>>, vector<16xf32>,
        %get3A_1587 = vector.shape_cast %get3A_1586 : vector<16xf32> to vector<16xf32>
        %slice3A_1588 = vector.extract_strided_slice %get3A_1587 {offsets = [0], sizes = [1], strides = [1]} : vector<16xf32> to vector<1xf32>
        %squeeze3A_1589 = vector.extract %slice3A_1588[0] : f32 from vector<1xf32>
        %broadcast_in_dim3A_1590 = vector.broadcast %squeeze3A_1589 : f32 to vector<16xf32>
        %add3A_1591 = arith.constant 0 : i32
        %add3A_1592 = arith.addi %mul3A_1485, %add3A_1591 : i32
        %sub3A_1593 = arith.subf %broadcast_in_dim3A_1584, %get3A_518 : vector<16xf32>
        %sub3A_1594 = arith.subf %broadcast_in_dim3A_1590, %get3A_558 : vector<16xf32>
        %mul3A_1595 = arith.mulf %sub3A_1593, %sub3A_1593 : vector<16xf32>
        %mul3A_1596 = arith.mulf %mul3A_1595, %get3A_598 : vector<16xf32>
        %mul3A_1597 = arith.mulf %sub3A_1594, %sub3A_1594 : vector<16xf32>
        %mul3A_1598 = arith.mulf %mul3A_1597, %get3A_638 : vector<16xf32>
        %add3A_1599 = arith.addf %mul3A_1596, %mul3A_1598 : vector<16xf32>
        %exp3A = math.exp %add3A_1599 : vector<16xf32>
        %swap3A_1600 = arith.index_cast %add3A_1592 : i32 to index
        %swap3A_1601 = tpu.vector_load %arg11[%swap3A_1600] {strides = array<i32>} : memref<2048xf32, #tpu.memory_space<vmem>>, vector<16xf32>,
        %swap3A_1602 = vector.shape_cast %swap3A_1601 : vector<16xf32> to vector<16xf32>
        %swap3A_1603 = vector.shape_cast %exp3A : vector<16xf32> to vector<16xf32>
        tpu.vector_store %arg11[%swap3A_1600], %swap3A_1603 {add = true, strides = array<i32>} : memref<2048xf32, #tpu.memory_space<vmem>>, vector<16xf32>,
        %add3A_1604 = arith.constant 16 : i32
        %add3A_1605 = arith.addi %mul3A_1485, %add3A_1604 : i32
        %sub3A_1606 = arith.subf %broadcast_in_dim3A_1584, %get3A_523 : vector<16xf32>
        %sub3A_1607 = arith.subf %broadcast_in_dim3A_1590, %get3A_563 : vector<16xf32>
        %mul3A_1608 = arith.mulf %sub3A_1606, %sub3A_1606 : vector<16xf32>
        %mul3A_1609 = arith.mulf %mul3A_1608, %get3A_603 : vector<16xf32>
        %mul3A_1610 = arith.mulf %sub3A_1607, %sub3A_1607 : vector<16xf32>
        %mul3A_1611 = arith.mulf %mul3A_1610, %get3A_643 : vector<16xf32>
        %add3A_1612 = arith.addf %mul3A_1609, %mul3A_1611 : vector<16xf32>
        %exp3A_1613 = math.exp %add3A_1612 : vector<16xf32>
        %swap3A_1614 = arith.index_cast %add3A_1605 : i32 to index
        %swap3A_1615 = tpu.vector_load %arg11[%swap3A_1614] {strides = array<i32>} : memref<2048xf32, #tpu.memory_space<vmem>>, vector<16xf32>,
        %swap3A_1616 = vector.shape_cast %swap3A_1615 : vector<16xf32> to vector<16xf32>
        %swap3A_1617 = vector.shape_cast %exp3A_1613 : vector<16xf32> to vector<16xf32>
        tpu.vector_store %arg11[%swap3A_1614], %swap3A_1617 {add = true, strides = array<i32>} : memref<2048xf32, #tpu.memory_space<vmem>>, vector<16xf32>,
        %add3A_1618 = arith.constant 32 : i32
        %add3A_1619 = arith.addi %mul3A_1485, %add3A_1618 : i32
        %sub3A_1620 = arith.subf %broadcast_in_dim3A_1584, %get3A_528 : vector<16xf32>
        %sub3A_1621 = arith.subf %broadcast_in_dim3A_1590, %get3A_568 : vector<16xf32>
        %mul3A_1622 = arith.mulf %sub3A_1620, %sub3A_1620 : vector<16xf32>
        %mul3A_1623 = arith.mulf %mul3A_1622, %get3A_608 : vector<16xf32>
        %mul3A_1624 = arith.mulf %sub3A_1621, %sub3A_1621 : vector<16xf32>
        %mul3A_1625 = arith.mulf %mul3A_1624, %get3A_648 : vector<16xf32>
        %add3A_1626 = arith.addf %mul3A_1623, %mul3A_1625 : vector<16xf32>
        %exp3A_1627 = math.exp %add3A_1626 : vector<16xf32>
        %swap3A_1628 = arith.index_cast %add3A_1619 : i32 to index
        %swap3A_1629 = tpu.vector_load %arg11[%swap3A_1628] {strides = array<i32>} : memref<2048xf32, #tpu.memory_space<vmem>>, vector<16xf32>,
        %swap3A_1630 = vector.shape_cast %swap3A_1629 : vector<16xf32> to vector<16xf32>
        %swap3A_1631 = vector.shape_cast %exp3A_1627 : vector<16xf32> to vector<16xf32>
        tpu.vector_store %arg11[%swap3A_1628], %swap3A_1631 {add = true, strides = array<i32>} : memref<2048xf32, #tpu.memory_space<vmem>>, vector<16xf32>,
        %add3A_1632 = arith.constant 48 : i32
        %add3A_1633 = arith.addi %mul3A_1485, %add3A_1632 : i32
        %sub3A_1634 = arith.subf %broadcast_in_dim3A_1584, %get3A_533 : vector<16xf32>
        %sub3A_1635 = arith.subf %broadcast_in_dim3A_1590, %get3A_573 : vector<16xf32>
        %mul3A_1636 = arith.mulf %sub3A_1634, %sub3A_1634 : vector<16xf32>
        %mul3A_1637 = arith.mulf %mul3A_1636, %get3A_613 : vector<16xf32>
        %mul3A_1638 = arith.mulf %sub3A_1635, %sub3A_1635 : vector<16xf32>
        %mul3A_1639 = arith.mulf %mul3A_1638, %get3A_653 : vector<16xf32>
        %add3A_1640 = arith.addf %mul3A_1637, %mul3A_1639 : vector<16xf32>
        %exp3A_1641 = math.exp %add3A_1640 : vector<16xf32>
        %swap3A_1642 = arith.index_cast %add3A_1633 : i32 to index
        %swap3A_1643 = tpu.vector_load %arg11[%swap3A_1642] {strides = array<i32>} : memref<2048xf32, #tpu.memory_space<vmem>>, vector<16xf32>,
        %swap3A_1644 = vector.shape_cast %swap3A_1643 : vector<16xf32> to vector<16xf32>
        %swap3A_1645 = vector.shape_cast %exp3A_1641 : vector<16xf32> to vector<16xf32>
        tpu.vector_store %arg11[%swap3A_1642], %swap3A_1645 {add = true, strides = array<i32>} : memref<2048xf32, #tpu.memory_space<vmem>>, vector<16xf32>,
        %add3A_1646 = arith.constant 64 : i32
        %add3A_1647 = arith.addi %mul3A_1485, %add3A_1646 : i32
        %sub3A_1648 = arith.subf %broadcast_in_dim3A_1584, %get3A_538 : vector<16xf32>
        %sub3A_1649 = arith.subf %broadcast_in_dim3A_1590, %get3A_578 : vector<16xf32>
        %mul3A_1650 = arith.mulf %sub3A_1648, %sub3A_1648 : vector<16xf32>
        %mul3A_1651 = arith.mulf %mul3A_1650, %get3A_618 : vector<16xf32>
        %mul3A_1652 = arith.mulf %sub3A_1649, %sub3A_1649 : vector<16xf32>
        %mul3A_1653 = arith.mulf %mul3A_1652, %get3A_658 : vector<16xf32>
        %add3A_1654 = arith.addf %mul3A_1651, %mul3A_1653 : vector<16xf32>
        %exp3A_1655 = math.exp %add3A_1654 : vector<16xf32>
        %swap3A_1656 = arith.index_cast %add3A_1647 : i32 to index
        %swap3A_1657 = tpu.vector_load %arg11[%swap3A_1656] {strides = array<i32>} : memref<2048xf32, #tpu.memory_space<vmem>>, vector<16xf32>,
        %swap3A_1658 = vector.shape_cast %swap3A_1657 : vector<16xf32> to vector<16xf32>
        %swap3A_1659 = vector.shape_cast %exp3A_1655 : vector<16xf32> to vector<16xf32>
        tpu.vector_store %arg11[%swap3A_1656], %swap3A_1659 {add = true, strides = array<i32>} : memref<2048xf32, #tpu.memory_space<vmem>>, vector<16xf32>,
        %add3A_1660 = arith.constant 80 : i32
        %add3A_1661 = arith.addi %mul3A_1485, %add3A_1660 : i32
        %sub3A_1662 = arith.subf %broadcast_in_dim3A_1584, %get3A_543 : vector<16xf32>
        %sub3A_1663 = arith.subf %broadcast_in_dim3A_1590, %get3A_583 : vector<16xf32>
        %mul3A_1664 = arith.mulf %sub3A_1662, %sub3A_1662 : vector<16xf32>
        %mul3A_1665 = arith.mulf %mul3A_1664, %get3A_623 : vector<16xf32>
        %mul3A_1666 = arith.mulf %sub3A_1663, %sub3A_1663 : vector<16xf32>
        %mul3A_1667 = arith.mulf %mul3A_1666, %get3A_663 : vector<16xf32>
        %add3A_1668 = arith.addf %mul3A_1665, %mul3A_1667 : vector<16xf32>
        %exp3A_1669 = math.exp %add3A_1668 : vector<16xf32>
        %swap3A_1670 = arith.index_cast %add3A_1661 : i32 to index
        %swap3A_1671 = tpu.vector_load %arg11[%swap3A_1670] {strides = array<i32>} : memref<2048xf32, #tpu.memory_space<vmem>>, vector<16xf32>,
        %swap3A_1672 = vector.shape_cast %swap3A_1671 : vector<16xf32> to vector<16xf32>
        %swap3A_1673 = vector.shape_cast %exp3A_1669 : vector<16xf32> to vector<16xf32>
        tpu.vector_store %arg11[%swap3A_1670], %swap3A_1673 {add = true, strides = array<i32>} : memref<2048xf32, #tpu.memory_space<vmem>>, vector<16xf32>,
        %add3A_1674 = arith.constant 96 : i32
        %add3A_1675 = arith.addi %mul3A_1485, %add3A_1674 : i32
        %sub3A_1676 = arith.subf %broadcast_in_dim3A_1584, %get3A_548 : vector<16xf32>
        %sub3A_1677 = arith.subf %broadcast_in_dim3A_1590, %get3A_588 : vector<16xf32>
        %mul3A_1678 = arith.mulf %sub3A_1676, %sub3A_1676 : vector<16xf32>
        %mul3A_1679 = arith.mulf %mul3A_1678, %get3A_628 : vector<16xf32>
        %mul3A_1680 = arith.mulf %sub3A_1677, %sub3A_1677 : vector<16xf32>
        %mul3A_1681 = arith.mulf %mul3A_1680, %get3A_668 : vector<16xf32>
        %add3A_1682 = arith.addf %mul3A_1679, %mul3A_1681 : vector<16xf32>
        %exp3A_1683 = math.exp %add3A_1682 : vector<16xf32>
        %swap3A_1684 = arith.index_cast %add3A_1675 : i32 to index
        %swap3A_1685 = tpu.vector_load %arg11[%swap3A_1684] {strides = array<i32>} : memref<2048xf32, #tpu.memory_space<vmem>>, vector<16xf32>,
        %swap3A_1686 = vector.shape_cast %swap3A_1685 : vector<16xf32> to vector<16xf32>
        %swap3A_1687 = vector.shape_cast %exp3A_1683 : vector<16xf32> to vector<16xf32>
        tpu.vector_store %arg11[%swap3A_1684], %swap3A_1687 {add = true, strides = array<i32>} : memref<2048xf32, #tpu.memory_space<vmem>>, vector<16xf32>,
        %add3A_1688 = arith.constant 112 : i32
        %add3A_1689 = arith.addi %mul3A_1485, %add3A_1688 : i32
        %sub3A_1690 = arith.subf %broadcast_in_dim3A_1584, %get3A_553 : vector<16xf32>
        %sub3A_1691 = arith.subf %broadcast_in_dim3A_1590, %get3A_593 : vector<16xf32>
        %mul3A_1692 = arith.mulf %sub3A_1690, %sub3A_1690 : vector<16xf32>
        %mul3A_1693 = arith.mulf %mul3A_1692, %get3A_633 : vector<16xf32>
        %mul3A_1694 = arith.mulf %sub3A_1691, %sub3A_1691 : vector<16xf32>
        %mul3A_1695 = arith.mulf %mul3A_1694, %get3A_673 : vector<16xf32>
        %add3A_1696 = arith.addf %mul3A_1693, %mul3A_1695 : vector<16xf32>
        %exp3A_1697 = math.exp %add3A_1696 : vector<16xf32>
        %swap3A_1698 = arith.index_cast %add3A_1689 : i32 to index
        %swap3A_1699 = tpu.vector_load %arg11[%swap3A_1698] {strides = array<i32>} : memref<2048xf32, #tpu.memory_space<vmem>>, vector<16xf32>,
        %swap3A_1700 = vector.shape_cast %swap3A_1699 : vector<16xf32> to vector<16xf32>
        %swap3A_1701 = vector.shape_cast %exp3A_1697 : vector<16xf32> to vector<16xf32>
        tpu.vector_store %arg11[%swap3A_1698], %swap3A_1701 {add = true, strides = array<i32>} : memref<2048xf32, #tpu.memory_space<vmem>>, vector<16xf32>,
      } else {
      }
      %add3A_1499 = arith.constant 1 : i32
      %add3A_1500 = arith.addi %squeeze3A, %add3A_1499 : i32
      %shift_right_logical3A = arith.constant 1 : i32
      %shift_right_logical3A_1501 = arith.shrui %add3A_1500, %shift_right_logical3A : i32
      %shift_right_logical3A_1502 = arith.constant 1 : i32
      %shift_right_logical3A_1503 = arith.shrui %squeeze3A_1483, %shift_right_logical3A_1502 : i32
      %broadcast_in_dim3A_1504 = arith.constant 0.000000e+00 : f32
      %broadcast_in_dim3A_1505 = vector.broadcast %broadcast_in_dim3A_1504 : f32 to vector<16xf32>
      %broadcast_in_dim3A_1506 = arith.constant 0.000000e+00 : f32
      %broadcast_in_dim3A_1507 = vector.broadcast %broadcast_in_dim3A_1506 : f32 to vector<16xf32>
      %broadcast_in_dim3A_1508 = arith.constant 0.000000e+00 : f32
      %broadcast_in_dim3A_1509 = vector.broadcast %broadcast_in_dim3A_1508 : f32 to vector<16xf32>
      %broadcast_in_dim3A_1510 = arith.constant 0.000000e+00 : f32
      %broadcast_in_dim3A_1511 = vector.broadcast %broadcast_in_dim3A_1510 : f32 to vector<16xf32>
      %broadcast_in_dim3A_1512 = arith.constant 0.000000e+00 : f32
      %broadcast_in_dim3A_1513 = vector.broadcast %broadcast_in_dim3A_1512 : f32 to vector<16xf32>
      %broadcast_in_dim3A_1514 = arith.constant 0.000000e+00 : f32
      %broadcast_in_dim3A_1515 = vector.broadcast %broadcast_in_dim3A_1514 : f32 to vector<16xf32>
      %broadcast_in_dim3A_1516 = arith.constant 0.000000e+00 : f32
      %broadcast_in_dim3A_1517 = vector.broadcast %broadcast_in_dim3A_1516 : f32 to vector<16xf32>
      %broadcast_in_dim3A_1518 = arith.constant 0.000000e+00 : f32
      %broadcast_in_dim3A_1519 = vector.broadcast %broadcast_in_dim3A_1518 : f32 to vector<16xf32>
      %while3A = arith.subi %shift_right_logical3A_1503, %shift_right_logical3A_1501 : i32
      %while3A_1520 = arith.addi %shift_right_logical3A_1501, %while3A : i32
      %while3A_1521 = arith.constant 1 : i32
      %while3A_1522 = arith.divsi %while3A, %while3A_1521 : i32
      %while3A_1523 = arith.muli %while3A_1522, %while3A_1521 : i32
      %while3A_1524 = arith.addi %shift_right_logical3A_1501, %while3A_1523 : i32
      %while3A_1525 = arith.constant 1 : i32
      %while3A_1526:8 = scf.for %while3A_1577 = %shift_right_logical3A_1501 to %while3A_1524 step %while3A_1525 iter_args(%while3A_1578 = %broadcast_in_dim3A_1505, %while3A_1579 = %broadcast_in_dim3A_1507, %while3A_1580 = %broadcast_in_dim3A_1509, %while3A_1581 = %broadcast_in_dim3A_1511, %while3A_1582 = %broadcast_in_dim3A_1513, %while3A_1583 = %broadcast_in_dim3A_1515, %while3A_1584 = %broadcast_in_dim3A_1517, %while3A_1585 = %broadcast_in_dim3A_1519) -> (vector<16xf32>, vector<16xf32>, vector<16xf32>, vector<16xf32>, vector<16xf32>, vector<16xf32>, vector<16xf32>, vector<16xf32>)  : i32 {
        %mul3A_1586 = arith.constant 2 : i32
        %mul3A_1587 = arith.muli %while3A_1577, %mul3A_1586 : i32
        %get3A_1588 = arith.index_cast %mul3A_1587 : i32 to index
        %get3A_1589 = tpu.vector_load %arg7[%get3A_1588] {strides = array<i32>} : memref<1040xf32, #tpu.memory_space<vmem>>, vector<16xf32>,
        %get3A_1590 = vector.shape_cast %get3A_1589 : vector<16xf32> to vector<16xf32>
        %mul3A_1591 = arith.constant 2 : i32
        %mul3A_1592 = arith.muli %while3A_1577, %mul3A_1591 : i32
        %get3A_1593 = arith.index_cast %mul3A_1592 : i32 to index
        %get3A_1594 = tpu.vector_load %arg8[%get3A_1593] {strides = array<i32>} : memref<1040xf32, #tpu.memory_space<vmem>>, vector<16xf32>,
        %get3A_1595 = vector.shape_cast %get3A_1594 : vector<16xf32> to vector<16xf32>
        %slice3A_1596 = vector.extract_strided_slice %get3A_1590 {offsets = [0], sizes = [1], strides = [1]} : vector<16xf32> to vector<1xf32>
        %squeeze3A_1597 = vector.extract %slice3A_1596[0] : f32 from vector<1xf32>
        %broadcast_in_dim3A_1598 = vector.broadcast %squeeze3A_1597 : f32 to vector<16xf32>
        %slice3A_1599 = vector.extract_strided_slice %get3A_1595 {offsets = [0], sizes = [1], strides = [1]} : vector<16xf32> to vector<1xf32>
        %squeeze3A_1600 = vector.extract %slice3A_1599[0] : f32 from vector<1xf32>
        %broadcast_in_dim3A_1601 = vector.broadcast %squeeze3A_1600 : f32 to vector<16xf32>
        %slice3A_1602 = vector.extract_strided_slice %get3A_1590 {offsets = [1], sizes = [1], strides = [1]} : vector<16xf32> to vector<1xf32>
        %squeeze3A_1603 = vector.extract %slice3A_1602[0] : f32 from vector<1xf32>
        %broadcast_in_dim3A_1604 = vector.broadcast %squeeze3A_1603 : f32 to vector<16xf32>
        %slice3A_1605 = vector.extract_strided_slice %get3A_1595 {offsets = [1], sizes = [1], strides = [1]} : vector<16xf32> to vector<1xf32>
        %squeeze3A_1606 = vector.extract %slice3A_1605[0] : f32 from vector<1xf32>
        %broadcast_in_dim3A_1607 = vector.broadcast %squeeze3A_1606 : f32 to vector<16xf32>
        %sub3A_1608 = arith.subf %broadcast_in_dim3A_1598, %get3A_518 : vector<16xf32>
        %sub3A_1609 = arith.subf %broadcast_in_dim3A_1601, %get3A_558 : vector<16xf32>
        %mul3A_1610 = arith.mulf %sub3A_1608, %sub3A_1608 : vector<16xf32>
        %mul3A_1611 = arith.mulf %mul3A_1610, %get3A_598 : vector<16xf32>
        %mul3A_1612 = arith.mulf %sub3A_1609, %sub3A_1609 : vector<16xf32>
        %mul3A_1613 = arith.mulf %mul3A_1612, %get3A_638 : vector<16xf32>
        %add3A_1614 = arith.addf %mul3A_1611, %mul3A_1613 : vector<16xf32>
        %exp3A = math.exp %add3A_1614 : vector<16xf32>
        %add3A_1615 = arith.addf %while3A_1578, %exp3A : vector<16xf32>
        %sub3A_1616 = arith.subf %broadcast_in_dim3A_1604, %get3A_518 : vector<16xf32>
        %sub3A_1617 = arith.subf %broadcast_in_dim3A_1607, %get3A_558 : vector<16xf32>
        %mul3A_1618 = arith.mulf %sub3A_1616, %sub3A_1616 : vector<16xf32>
        %mul3A_1619 = arith.mulf %mul3A_1618, %get3A_598 : vector<16xf32>
        %mul3A_1620 = arith.mulf %sub3A_1617, %sub3A_1617 : vector<16xf32>
        %mul3A_1621 = arith.mulf %mul3A_1620, %get3A_638 : vector<16xf32>
        %add3A_1622 = arith.addf %mul3A_1619, %mul3A_1621 : vector<16xf32>
        %exp3A_1623 = math.exp %add3A_1622 : vector<16xf32>
        %add3A_1624 = arith.addf %add3A_1615, %exp3A_1623 : vector<16xf32>
        %sub3A_1625 = arith.subf %broadcast_in_dim3A_1598, %get3A_523 : vector<16xf32>
        %sub3A_1626 = arith.subf %broadcast_in_dim3A_1601, %get3A_563 : vector<16xf32>
        %mul3A_1627 = arith.mulf %sub3A_1625, %sub3A_1625 : vector<16xf32>
        %mul3A_1628 = arith.mulf %mul3A_1627, %get3A_603 : vector<16xf32>
        %mul3A_1629 = arith.mulf %sub3A_1626, %sub3A_1626 : vector<16xf32>
        %mul3A_1630 = arith.mulf %mul3A_1629, %get3A_643 : vector<16xf32>
        %add3A_1631 = arith.addf %mul3A_1628, %mul3A_1630 : vector<16xf32>
        %exp3A_1632 = math.exp %add3A_1631 : vector<16xf32>
        %add3A_1633 = arith.addf %while3A_1579, %exp3A_1632 : vector<16xf32>
        %sub3A_1634 = arith.subf %broadcast_in_dim3A_1604, %get3A_523 : vector<16xf32>
        %sub3A_1635 = arith.subf %broadcast_in_dim3A_1607, %get3A_563 : vector<16xf32>
        %mul3A_1636 = arith.mulf %sub3A_1634, %sub3A_1634 : vector<16xf32>
        %mul3A_1637 = arith.mulf %mul3A_1636, %get3A_603 : vector<16xf32>
        %mul3A_1638 = arith.mulf %sub3A_1635, %sub3A_1635 : vector<16xf32>
        %mul3A_1639 = arith.mulf %mul3A_1638, %get3A_643 : vector<16xf32>
        %add3A_1640 = arith.addf %mul3A_1637, %mul3A_1639 : vector<16xf32>
        %exp3A_1641 = math.exp %add3A_1640 : vector<16xf32>
        %add3A_1642 = arith.addf %add3A_1633, %exp3A_1641 : vector<16xf32>
        %sub3A_1643 = arith.subf %broadcast_in_dim3A_1598, %get3A_528 : vector<16xf32>
        %sub3A_1644 = arith.subf %broadcast_in_dim3A_1601, %get3A_568 : vector<16xf32>
        %mul3A_1645 = arith.mulf %sub3A_1643, %sub3A_1643 : vector<16xf32>
        %mul3A_1646 = arith.mulf %mul3A_1645, %get3A_608 : vector<16xf32>
        %mul3A_1647 = arith.mulf %sub3A_1644, %sub3A_1644 : vector<16xf32>
        %mul3A_1648 = arith.mulf %mul3A_1647, %get3A_648 : vector<16xf32>
        %add3A_1649 = arith.addf %mul3A_1646, %mul3A_1648 : vector<16xf32>
        %exp3A_1650 = math.exp %add3A_1649 : vector<16xf32>
        %add3A_1651 = arith.addf %while3A_1580, %exp3A_1650 : vector<16xf32>
        %sub3A_1652 = arith.subf %broadcast_in_dim3A_1604, %get3A_528 : vector<16xf32>
        %sub3A_1653 = arith.subf %broadcast_in_dim3A_1607, %get3A_568 : vector<16xf32>
        %mul3A_1654 = arith.mulf %sub3A_1652, %sub3A_1652 : vector<16xf32>
        %mul3A_1655 = arith.mulf %mul3A_1654, %get3A_608 : vector<16xf32>
        %mul3A_1656 = arith.mulf %sub3A_1653, %sub3A_1653 : vector<16xf32>
        %mul3A_1657 = arith.mulf %mul3A_1656, %get3A_648 : vector<16xf32>
        %add3A_1658 = arith.addf %mul3A_1655, %mul3A_1657 : vector<16xf32>
        %exp3A_1659 = math.exp %add3A_1658 : vector<16xf32>
        %add3A_1660 = arith.addf %add3A_1651, %exp3A_1659 : vector<16xf32>
        %sub3A_1661 = arith.subf %broadcast_in_dim3A_1598, %get3A_533 : vector<16xf32>
        %sub3A_1662 = arith.subf %broadcast_in_dim3A_1601, %get3A_573 : vector<16xf32>
        %mul3A_1663 = arith.mulf %sub3A_1661, %sub3A_1661 : vector<16xf32>
        %mul3A_1664 = arith.mulf %mul3A_1663, %get3A_613 : vector<16xf32>
        %mul3A_1665 = arith.mulf %sub3A_1662, %sub3A_1662 : vector<16xf32>
        %mul3A_1666 = arith.mulf %mul3A_1665, %get3A_653 : vector<16xf32>
        %add3A_1667 = arith.addf %mul3A_1664, %mul3A_1666 : vector<16xf32>
        %exp3A_1668 = math.exp %add3A_1667 : vector<16xf32>
        %add3A_1669 = arith.addf %while3A_1581, %exp3A_1668 : vector<16xf32>
        %sub3A_1670 = arith.subf %broadcast_in_dim3A_1604, %get3A_533 : vector<16xf32>
        %sub3A_1671 = arith.subf %broadcast_in_dim3A_1607, %get3A_573 : vector<16xf32>
        %mul3A_1672 = arith.mulf %sub3A_1670, %sub3A_1670 : vector<16xf32>
        %mul3A_1673 = arith.mulf %mul3A_1672, %get3A_613 : vector<16xf32>
        %mul3A_1674 = arith.mulf %sub3A_1671, %sub3A_1671 : vector<16xf32>
        %mul3A_1675 = arith.mulf %mul3A_1674, %get3A_653 : vector<16xf32>
        %add3A_1676 = arith.addf %mul3A_1673, %mul3A_1675 : vector<16xf32>
        %exp3A_1677 = math.exp %add3A_1676 : vector<16xf32>
        %add3A_1678 = arith.addf %add3A_1669, %exp3A_1677 : vector<16xf32>
        %sub3A_1679 = arith.subf %broadcast_in_dim3A_1598, %get3A_538 : vector<16xf32>
        %sub3A_1680 = arith.subf %broadcast_in_dim3A_1601, %get3A_578 : vector<16xf32>
        %mul3A_1681 = arith.mulf %sub3A_1679, %sub3A_1679 : vector<16xf32>
        %mul3A_1682 = arith.mulf %mul3A_1681, %get3A_618 : vector<16xf32>
        %mul3A_1683 = arith.mulf %sub3A_1680, %sub3A_1680 : vector<16xf32>
        %mul3A_1684 = arith.mulf %mul3A_1683, %get3A_658 : vector<16xf32>
        %add3A_1685 = arith.addf %mul3A_1682, %mul3A_1684 : vector<16xf32>
        %exp3A_1686 = math.exp %add3A_1685 : vector<16xf32>
        %add3A_1687 = arith.addf %while3A_1582, %exp3A_1686 : vector<16xf32>
        %sub3A_1688 = arith.subf %broadcast_in_dim3A_1604, %get3A_538 : vector<16xf32>
        %sub3A_1689 = arith.subf %broadcast_in_dim3A_1607, %get3A_578 : vector<16xf32>
        %mul3A_1690 = arith.mulf %sub3A_1688, %sub3A_1688 : vector<16xf32>
        %mul3A_1691 = arith.mulf %mul3A_1690, %get3A_618 : vector<16xf32>
        %mul3A_1692 = arith.mulf %sub3A_1689, %sub3A_1689 : vector<16xf32>
        %mul3A_1693 = arith.mulf %mul3A_1692, %get3A_658 : vector<16xf32>
        %add3A_1694 = arith.addf %mul3A_1691, %mul3A_1693 : vector<16xf32>
        %exp3A_1695 = math.exp %add3A_1694 : vector<16xf32>
        %add3A_1696 = arith.addf %add3A_1687, %exp3A_1695 : vector<16xf32>
        %sub3A_1697 = arith.subf %broadcast_in_dim3A_1598, %get3A_543 : vector<16xf32>
        %sub3A_1698 = arith.subf %broadcast_in_dim3A_1601, %get3A_583 : vector<16xf32>
        %mul3A_1699 = arith.mulf %sub3A_1697, %sub3A_1697 : vector<16xf32>
        %mul3A_1700 = arith.mulf %mul3A_1699, %get3A_623 : vector<16xf32>
        %mul3A_1701 = arith.mulf %sub3A_1698, %sub3A_1698 : vector<16xf32>
        %mul3A_1702 = arith.mulf %mul3A_1701, %get3A_663 : vector<16xf32>
        %add3A_1703 = arith.addf %mul3A_1700, %mul3A_1702 : vector<16xf32>
        %exp3A_1704 = math.exp %add3A_1703 : vector<16xf32>
        %add3A_1705 = arith.addf %while3A_1583, %exp3A_1704 : vector<16xf32>
        %sub3A_1706 = arith.subf %broadcast_in_dim3A_1604, %get3A_543 : vector<16xf32>
        %sub3A_1707 = arith.subf %broadcast_in_dim3A_1607, %get3A_583 : vector<16xf32>
        %mul3A_1708 = arith.mulf %sub3A_1706, %sub3A_1706 : vector<16xf32>
        %mul3A_1709 = arith.mulf %mul3A_1708, %get3A_623 : vector<16xf32>
        %mul3A_1710 = arith.mulf %sub3A_1707, %sub3A_1707 : vector<16xf32>
        %mul3A_1711 = arith.mulf %mul3A_1710, %get3A_663 : vector<16xf32>
        %add3A_1712 = arith.addf %mul3A_1709, %mul3A_1711 : vector<16xf32>
        %exp3A_1713 = math.exp %add3A_1712 : vector<16xf32>
        %add3A_1714 = arith.addf %add3A_1705, %exp3A_1713 : vector<16xf32>
        %sub3A_1715 = arith.subf %broadcast_in_dim3A_1598, %get3A_548 : vector<16xf32>
        %sub3A_1716 = arith.subf %broadcast_in_dim3A_1601, %get3A_588 : vector<16xf32>
        %mul3A_1717 = arith.mulf %sub3A_1715, %sub3A_1715 : vector<16xf32>
        %mul3A_1718 = arith.mulf %mul3A_1717, %get3A_628 : vector<16xf32>
        %mul3A_1719 = arith.mulf %sub3A_1716, %sub3A_1716 : vector<16xf32>
        %mul3A_1720 = arith.mulf %mul3A_1719, %get3A_668 : vector<16xf32>
        %add3A_1721 = arith.addf %mul3A_1718, %mul3A_1720 : vector<16xf32>
        %exp3A_1722 = math.exp %add3A_1721 : vector<16xf32>
        %add3A_1723 = arith.addf %while3A_1584, %exp3A_1722 : vector<16xf32>
        %sub3A_1724 = arith.subf %broadcast_in_dim3A_1604, %get3A_548 : vector<16xf32>
        %sub3A_1725 = arith.subf %broadcast_in_dim3A_1607, %get3A_588 : vector<16xf32>
        %mul3A_1726 = arith.mulf %sub3A_1724, %sub3A_1724 : vector<16xf32>
        %mul3A_1727 = arith.mulf %mul3A_1726, %get3A_628 : vector<16xf32>
        %mul3A_1728 = arith.mulf %sub3A_1725, %sub3A_1725 : vector<16xf32>
        %mul3A_1729 = arith.mulf %mul3A_1728, %get3A_668 : vector<16xf32>
        %add3A_1730 = arith.addf %mul3A_1727, %mul3A_1729 : vector<16xf32>
        %exp3A_1731 = math.exp %add3A_1730 : vector<16xf32>
        %add3A_1732 = arith.addf %add3A_1723, %exp3A_1731 : vector<16xf32>
        %sub3A_1733 = arith.subf %broadcast_in_dim3A_1598, %get3A_553 : vector<16xf32>
        %sub3A_1734 = arith.subf %broadcast_in_dim3A_1601, %get3A_593 : vector<16xf32>
        %mul3A_1735 = arith.mulf %sub3A_1733, %sub3A_1733 : vector<16xf32>
        %mul3A_1736 = arith.mulf %mul3A_1735, %get3A_633 : vector<16xf32>
        %mul3A_1737 = arith.mulf %sub3A_1734, %sub3A_1734 : vector<16xf32>
        %mul3A_1738 = arith.mulf %mul3A_1737, %get3A_673 : vector<16xf32>
        %add3A_1739 = arith.addf %mul3A_1736, %mul3A_1738 : vector<16xf32>
        %exp3A_1740 = math.exp %add3A_1739 : vector<16xf32>
        %add3A_1741 = arith.addf %while3A_1585, %exp3A_1740 : vector<16xf32>
        %sub3A_1742 = arith.subf %broadcast_in_dim3A_1604, %get3A_553 : vector<16xf32>
        %sub3A_1743 = arith.subf %broadcast_in_dim3A_1607, %get3A_593 : vector<16xf32>
        %mul3A_1744 = arith.mulf %sub3A_1742, %sub3A_1742 : vector<16xf32>
        %mul3A_1745 = arith.mulf %mul3A_1744, %get3A_633 : vector<16xf32>
        %mul3A_1746 = arith.mulf %sub3A_1743, %sub3A_1743 : vector<16xf32>
        %mul3A_1747 = arith.mulf %mul3A_1746, %get3A_673 : vector<16xf32>
        %add3A_1748 = arith.addf %mul3A_1745, %mul3A_1747 : vector<16xf32>
        %exp3A_1749 = math.exp %add3A_1748 : vector<16xf32>
        %add3A_1750 = arith.addf %add3A_1741, %exp3A_1749 : vector<16xf32>
        scf.yield %add3A_1624, %add3A_1642, %add3A_1660, %add3A_1678, %add3A_1696, %add3A_1714, %add3A_1732, %add3A_1750 : vector<16xf32>, vector<16xf32>, vector<16xf32>, vector<16xf32>, vector<16xf32>, vector<16xf32>, vector<16xf32>, vector<16xf32>
      }
      %while3A_1527 = arith.constant 1 : i32
      %while3A_1528:8 = scf.for %while3A_1577 = %while3A_1524 to %while3A_1520 step %while3A_1527 iter_args(%while3A_1578 = %while3A_1526#0, %while3A_1579 = %while3A_1526#1, %while3A_1580 = %while3A_1526#2, %while3A_1581 = %while3A_1526#3, %while3A_1582 = %while3A_1526#4, %while3A_1583 = %while3A_1526#5, %while3A_1584 = %while3A_1526#6, %while3A_1585 = %while3A_1526#7) -> (vector<16xf32>, vector<16xf32>, vector<16xf32>, vector<16xf32>, vector<16xf32>, vector<16xf32>, vector<16xf32>, vector<16xf32>)  : i32 {
        %mul3A_1586 = arith.constant 2 : i32
        %mul3A_1587 = arith.muli %while3A_1577, %mul3A_1586 : i32
        %get3A_1588 = arith.index_cast %mul3A_1587 : i32 to index
        %get3A_1589 = tpu.vector_load %arg7[%get3A_1588] {strides = array<i32>} : memref<1040xf32, #tpu.memory_space<vmem>>, vector<16xf32>,
        %get3A_1590 = vector.shape_cast %get3A_1589 : vector<16xf32> to vector<16xf32>
        %mul3A_1591 = arith.constant 2 : i32
        %mul3A_1592 = arith.muli %while3A_1577, %mul3A_1591 : i32
        %get3A_1593 = arith.index_cast %mul3A_1592 : i32 to index
        %get3A_1594 = tpu.vector_load %arg8[%get3A_1593] {strides = array<i32>} : memref<1040xf32, #tpu.memory_space<vmem>>, vector<16xf32>,
        %get3A_1595 = vector.shape_cast %get3A_1594 : vector<16xf32> to vector<16xf32>
        %slice3A_1596 = vector.extract_strided_slice %get3A_1590 {offsets = [0], sizes = [1], strides = [1]} : vector<16xf32> to vector<1xf32>
        %squeeze3A_1597 = vector.extract %slice3A_1596[0] : f32 from vector<1xf32>
        %broadcast_in_dim3A_1598 = vector.broadcast %squeeze3A_1597 : f32 to vector<16xf32>
        %slice3A_1599 = vector.extract_strided_slice %get3A_1595 {offsets = [0], sizes = [1], strides = [1]} : vector<16xf32> to vector<1xf32>
        %squeeze3A_1600 = vector.extract %slice3A_1599[0] : f32 from vector<1xf32>
        %broadcast_in_dim3A_1601 = vector.broadcast %squeeze3A_1600 : f32 to vector<16xf32>
        %slice3A_1602 = vector.extract_strided_slice %get3A_1590 {offsets = [1], sizes = [1], strides = [1]} : vector<16xf32> to vector<1xf32>
        %squeeze3A_1603 = vector.extract %slice3A_1602[0] : f32 from vector<1xf32>
        %broadcast_in_dim3A_1604 = vector.broadcast %squeeze3A_1603 : f32 to vector<16xf32>
        %slice3A_1605 = vector.extract_strided_slice %get3A_1595 {offsets = [1], sizes = [1], strides = [1]} : vector<16xf32> to vector<1xf32>
        %squeeze3A_1606 = vector.extract %slice3A_1605[0] : f32 from vector<1xf32>
        %broadcast_in_dim3A_1607 = vector.broadcast %squeeze3A_1606 : f32 to vector<16xf32>
        %sub3A_1608 = arith.subf %broadcast_in_dim3A_1598, %get3A_518 : vector<16xf32>
        %sub3A_1609 = arith.subf %broadcast_in_dim3A_1601, %get3A_558 : vector<16xf32>
        %mul3A_1610 = arith.mulf %sub3A_1608, %sub3A_1608 : vector<16xf32>
        %mul3A_1611 = arith.mulf %mul3A_1610, %get3A_598 : vector<16xf32>
        %mul3A_1612 = arith.mulf %sub3A_1609, %sub3A_1609 : vector<16xf32>
        %mul3A_1613 = arith.mulf %mul3A_1612, %get3A_638 : vector<16xf32>
        %add3A_1614 = arith.addf %mul3A_1611, %mul3A_1613 : vector<16xf32>
        %exp3A = math.exp %add3A_1614 : vector<16xf32>
        %add3A_1615 = arith.addf %while3A_1578, %exp3A : vector<16xf32>
        %sub3A_1616 = arith.subf %broadcast_in_dim3A_1604, %get3A_518 : vector<16xf32>
        %sub3A_1617 = arith.subf %broadcast_in_dim3A_1607, %get3A_558 : vector<16xf32>
        %mul3A_1618 = arith.mulf %sub3A_1616, %sub3A_1616 : vector<16xf32>
        %mul3A_1619 = arith.mulf %mul3A_1618, %get3A_598 : vector<16xf32>
        %mul3A_1620 = arith.mulf %sub3A_1617, %sub3A_1617 : vector<16xf32>
        %mul3A_1621 = arith.mulf %mul3A_1620, %get3A_638 : vector<16xf32>
        %add3A_1622 = arith.addf %mul3A_1619, %mul3A_1621 : vector<16xf32>
        %exp3A_1623 = math.exp %add3A_1622 : vector<16xf32>
        %add3A_1624 = arith.addf %add3A_1615, %exp3A_1623 : vector<16xf32>
        %sub3A_1625 = arith.subf %broadcast_in_dim3A_1598, %get3A_523 : vector<16xf32>
        %sub3A_1626 = arith.subf %broadcast_in_dim3A_1601, %get3A_563 : vector<16xf32>
        %mul3A_1627 = arith.mulf %sub3A_1625, %sub3A_1625 : vector<16xf32>
        %mul3A_1628 = arith.mulf %mul3A_1627, %get3A_603 : vector<16xf32>
        %mul3A_1629 = arith.mulf %sub3A_1626, %sub3A_1626 : vector<16xf32>
        %mul3A_1630 = arith.mulf %mul3A_1629, %get3A_643 : vector<16xf32>
        %add3A_1631 = arith.addf %mul3A_1628, %mul3A_1630 : vector<16xf32>
        %exp3A_1632 = math.exp %add3A_1631 : vector<16xf32>
        %add3A_1633 = arith.addf %while3A_1579, %exp3A_1632 : vector<16xf32>
        %sub3A_1634 = arith.subf %broadcast_in_dim3A_1604, %get3A_523 : vector<16xf32>
        %sub3A_1635 = arith.subf %broadcast_in_dim3A_1607, %get3A_563 : vector<16xf32>
        %mul3A_1636 = arith.mulf %sub3A_1634, %sub3A_1634 : vector<16xf32>
        %mul3A_1637 = arith.mulf %mul3A_1636, %get3A_603 : vector<16xf32>
        %mul3A_1638 = arith.mulf %sub3A_1635, %sub3A_1635 : vector<16xf32>
        %mul3A_1639 = arith.mulf %mul3A_1638, %get3A_643 : vector<16xf32>
        %add3A_1640 = arith.addf %mul3A_1637, %mul3A_1639 : vector<16xf32>
        %exp3A_1641 = math.exp %add3A_1640 : vector<16xf32>
        %add3A_1642 = arith.addf %add3A_1633, %exp3A_1641 : vector<16xf32>
        %sub3A_1643 = arith.subf %broadcast_in_dim3A_1598, %get3A_528 : vector<16xf32>
        %sub3A_1644 = arith.subf %broadcast_in_dim3A_1601, %get3A_568 : vector<16xf32>
        %mul3A_1645 = arith.mulf %sub3A_1643, %sub3A_1643 : vector<16xf32>
        %mul3A_1646 = arith.mulf %mul3A_1645, %get3A_608 : vector<16xf32>
        %mul3A_1647 = arith.mulf %sub3A_1644, %sub3A_1644 : vector<16xf32>
        %mul3A_1648 = arith.mulf %mul3A_1647, %get3A_648 : vector<16xf32>
        %add3A_1649 = arith.addf %mul3A_1646, %mul3A_1648 : vector<16xf32>
        %exp3A_1650 = math.exp %add3A_1649 : vector<16xf32>
        %add3A_1651 = arith.addf %while3A_1580, %exp3A_1650 : vector<16xf32>
        %sub3A_1652 = arith.subf %broadcast_in_dim3A_1604, %get3A_528 : vector<16xf32>
        %sub3A_1653 = arith.subf %broadcast_in_dim3A_1607, %get3A_568 : vector<16xf32>
        %mul3A_1654 = arith.mulf %sub3A_1652, %sub3A_1652 : vector<16xf32>
        %mul3A_1655 = arith.mulf %mul3A_1654, %get3A_608 : vector<16xf32>
        %mul3A_1656 = arith.mulf %sub3A_1653, %sub3A_1653 : vector<16xf32>
        %mul3A_1657 = arith.mulf %mul3A_1656, %get3A_648 : vector<16xf32>
        %add3A_1658 = arith.addf %mul3A_1655, %mul3A_1657 : vector<16xf32>
        %exp3A_1659 = math.exp %add3A_1658 : vector<16xf32>
        %add3A_1660 = arith.addf %add3A_1651, %exp3A_1659 : vector<16xf32>
        %sub3A_1661 = arith.subf %broadcast_in_dim3A_1598, %get3A_533 : vector<16xf32>
        %sub3A_1662 = arith.subf %broadcast_in_dim3A_1601, %get3A_573 : vector<16xf32>
        %mul3A_1663 = arith.mulf %sub3A_1661, %sub3A_1661 : vector<16xf32>
        %mul3A_1664 = arith.mulf %mul3A_1663, %get3A_613 : vector<16xf32>
        %mul3A_1665 = arith.mulf %sub3A_1662, %sub3A_1662 : vector<16xf32>
        %mul3A_1666 = arith.mulf %mul3A_1665, %get3A_653 : vector<16xf32>
        %add3A_1667 = arith.addf %mul3A_1664, %mul3A_1666 : vector<16xf32>
        %exp3A_1668 = math.exp %add3A_1667 : vector<16xf32>
        %add3A_1669 = arith.addf %while3A_1581, %exp3A_1668 : vector<16xf32>
        %sub3A_1670 = arith.subf %broadcast_in_dim3A_1604, %get3A_533 : vector<16xf32>
        %sub3A_1671 = arith.subf %broadcast_in_dim3A_1607, %get3A_573 : vector<16xf32>
        %mul3A_1672 = arith.mulf %sub3A_1670, %sub3A_1670 : vector<16xf32>
        %mul3A_1673 = arith.mulf %mul3A_1672, %get3A_613 : vector<16xf32>
        %mul3A_1674 = arith.mulf %sub3A_1671, %sub3A_1671 : vector<16xf32>
        %mul3A_1675 = arith.mulf %mul3A_1674, %get3A_653 : vector<16xf32>
        %add3A_1676 = arith.addf %mul3A_1673, %mul3A_1675 : vector<16xf32>
        %exp3A_1677 = math.exp %add3A_1676 : vector<16xf32>
        %add3A_1678 = arith.addf %add3A_1669, %exp3A_1677 : vector<16xf32>
        %sub3A_1679 = arith.subf %broadcast_in_dim3A_1598, %get3A_538 : vector<16xf32>
        %sub3A_1680 = arith.subf %broadcast_in_dim3A_1601, %get3A_578 : vector<16xf32>
        %mul3A_1681 = arith.mulf %sub3A_1679, %sub3A_1679 : vector<16xf32>
        %mul3A_1682 = arith.mulf %mul3A_1681, %get3A_618 : vector<16xf32>
        %mul3A_1683 = arith.mulf %sub3A_1680, %sub3A_1680 : vector<16xf32>
        %mul3A_1684 = arith.mulf %mul3A_1683, %get3A_658 : vector<16xf32>
        %add3A_1685 = arith.addf %mul3A_1682, %mul3A_1684 : vector<16xf32>
        %exp3A_1686 = math.exp %add3A_1685 : vector<16xf32>
        %add3A_1687 = arith.addf %while3A_1582, %exp3A_1686 : vector<16xf32>
        %sub3A_1688 = arith.subf %broadcast_in_dim3A_1604, %get3A_538 : vector<16xf32>
        %sub3A_1689 = arith.subf %broadcast_in_dim3A_1607, %get3A_578 : vector<16xf32>
        %mul3A_1690 = arith.mulf %sub3A_1688, %sub3A_1688 : vector<16xf32>
        %mul3A_1691 = arith.mulf %mul3A_1690, %get3A_618 : vector<16xf32>
        %mul3A_1692 = arith.mulf %sub3A_1689, %sub3A_1689 : vector<16xf32>
        %mul3A_1693 = arith.mulf %mul3A_1692, %get3A_658 : vector<16xf32>
        %add3A_1694 = arith.addf %mul3A_1691, %mul3A_1693 : vector<16xf32>
        %exp3A_1695 = math.exp %add3A_1694 : vector<16xf32>
        %add3A_1696 = arith.addf %add3A_1687, %exp3A_1695 : vector<16xf32>
        %sub3A_1697 = arith.subf %broadcast_in_dim3A_1598, %get3A_543 : vector<16xf32>
        %sub3A_1698 = arith.subf %broadcast_in_dim3A_1601, %get3A_583 : vector<16xf32>
        %mul3A_1699 = arith.mulf %sub3A_1697, %sub3A_1697 : vector<16xf32>
        %mul3A_1700 = arith.mulf %mul3A_1699, %get3A_623 : vector<16xf32>
        %mul3A_1701 = arith.mulf %sub3A_1698, %sub3A_1698 : vector<16xf32>
        %mul3A_1702 = arith.mulf %mul3A_1701, %get3A_663 : vector<16xf32>
        %add3A_1703 = arith.addf %mul3A_1700, %mul3A_1702 : vector<16xf32>
        %exp3A_1704 = math.exp %add3A_1703 : vector<16xf32>
        %add3A_1705 = arith.addf %while3A_1583, %exp3A_1704 : vector<16xf32>
        %sub3A_1706 = arith.subf %broadcast_in_dim3A_1604, %get3A_543 : vector<16xf32>
        %sub3A_1707 = arith.subf %broadcast_in_dim3A_1607, %get3A_583 : vector<16xf32>
        %mul3A_1708 = arith.mulf %sub3A_1706, %sub3A_1706 : vector<16xf32>
        %mul3A_1709 = arith.mulf %mul3A_1708, %get3A_623 : vector<16xf32>
        %mul3A_1710 = arith.mulf %sub3A_1707, %sub3A_1707 : vector<16xf32>
        %mul3A_1711 = arith.mulf %mul3A_1710, %get3A_663 : vector<16xf32>
        %add3A_1712 = arith.addf %mul3A_1709, %mul3A_1711 : vector<16xf32>
        %exp3A_1713 = math.exp %add3A_1712 : vector<16xf32>
        %add3A_1714 = arith.addf %add3A_1705, %exp3A_1713 : vector<16xf32>
        %sub3A_1715 = arith.subf %broadcast_in_dim3A_1598, %get3A_548 : vector<16xf32>
        %sub3A_1716 = arith.subf %broadcast_in_dim3A_1601, %get3A_588 : vector<16xf32>
        %mul3A_1717 = arith.mulf %sub3A_1715, %sub3A_1715 : vector<16xf32>
        %mul3A_1718 = arith.mulf %mul3A_1717, %get3A_628 : vector<16xf32>
        %mul3A_1719 = arith.mulf %sub3A_1716, %sub3A_1716 : vector<16xf32>
        %mul3A_1720 = arith.mulf %mul3A_1719, %get3A_668 : vector<16xf32>
        %add3A_1721 = arith.addf %mul3A_1718, %mul3A_1720 : vector<16xf32>
        %exp3A_1722 = math.exp %add3A_1721 : vector<16xf32>
        %add3A_1723 = arith.addf %while3A_1584, %exp3A_1722 : vector<16xf32>
        %sub3A_1724 = arith.subf %broadcast_in_dim3A_1604, %get3A_548 : vector<16xf32>
        %sub3A_1725 = arith.subf %broadcast_in_dim3A_1607, %get3A_588 : vector<16xf32>
        %mul3A_1726 = arith.mulf %sub3A_1724, %sub3A_1724 : vector<16xf32>
        %mul3A_1727 = arith.mulf %mul3A_1726, %get3A_628 : vector<16xf32>
        %mul3A_1728 = arith.mulf %sub3A_1725, %sub3A_1725 : vector<16xf32>
        %mul3A_1729 = arith.mulf %mul3A_1728, %get3A_668 : vector<16xf32>
        %add3A_1730 = arith.addf %mul3A_1727, %mul3A_1729 : vector<16xf32>
        %exp3A_1731 = math.exp %add3A_1730 : vector<16xf32>
        %add3A_1732 = arith.addf %add3A_1723, %exp3A_1731 : vector<16xf32>
        %sub3A_1733 = arith.subf %broadcast_in_dim3A_1598, %get3A_553 : vector<16xf32>
        %sub3A_1734 = arith.subf %broadcast_in_dim3A_1601, %get3A_593 : vector<16xf32>
        %mul3A_1735 = arith.mulf %sub3A_1733, %sub3A_1733 : vector<16xf32>
        %mul3A_1736 = arith.mulf %mul3A_1735, %get3A_633 : vector<16xf32>
        %mul3A_1737 = arith.mulf %sub3A_1734, %sub3A_1734 : vector<16xf32>
        %mul3A_1738 = arith.mulf %mul3A_1737, %get3A_673 : vector<16xf32>
        %add3A_1739 = arith.addf %mul3A_1736, %mul3A_1738 : vector<16xf32>
        %exp3A_1740 = math.exp %add3A_1739 : vector<16xf32>
        %add3A_1741 = arith.addf %while3A_1585, %exp3A_1740 : vector<16xf32>
        %sub3A_1742 = arith.subf %broadcast_in_dim3A_1604, %get3A_553 : vector<16xf32>
        %sub3A_1743 = arith.subf %broadcast_in_dim3A_1607, %get3A_593 : vector<16xf32>
        %mul3A_1744 = arith.mulf %sub3A_1742, %sub3A_1742 : vector<16xf32>
        %mul3A_1745 = arith.mulf %mul3A_1744, %get3A_633 : vector<16xf32>
        %mul3A_1746 = arith.mulf %sub3A_1743, %sub3A_1743 : vector<16xf32>
        %mul3A_1747 = arith.mulf %mul3A_1746, %get3A_673 : vector<16xf32>
        %add3A_1748 = arith.addf %mul3A_1745, %mul3A_1747 : vector<16xf32>
        %exp3A_1749 = math.exp %add3A_1748 : vector<16xf32>
        %add3A_1750 = arith.addf %add3A_1741, %exp3A_1749 : vector<16xf32>
        scf.yield %add3A_1624, %add3A_1642, %add3A_1660, %add3A_1678, %add3A_1696, %add3A_1714, %add3A_1732, %add3A_1750 : vector<16xf32>, vector<16xf32>, vector<16xf32>, vector<16xf32>, vector<16xf32>, vector<16xf32>, vector<16xf32>, vector<16xf32>
      }
      %add3A_1529 = arith.constant 0 : i32
      %add3A_1530 = arith.addi %mul3A_1485, %add3A_1529 : i32
      %swap3A_1531 = arith.index_cast %add3A_1530 : i32 to index
      %swap3A_1532 = tpu.vector_load %arg11[%swap3A_1531] {strides = array<i32>} : memref<2048xf32, #tpu.memory_space<vmem>>, vector<16xf32>,
      %swap3A_1533 = vector.shape_cast %swap3A_1532 : vector<16xf32> to vector<16xf32>
      %swap3A_1534 = vector.shape_cast %while3A_1528#0 : vector<16xf32> to vector<16xf32>
      tpu.vector_store %arg11[%swap3A_1531], %swap3A_1534 {add = true, strides = array<i32>} : memref<2048xf32, #tpu.memory_space<vmem>>, vector<16xf32>,
      %add3A_1535 = arith.constant 16 : i32
      %add3A_1536 = arith.addi %mul3A_1485, %add3A_1535 : i32
      %swap3A_1537 = arith.index_cast %add3A_1536 : i32 to index
      %swap3A_1538 = tpu.vector_load %arg11[%swap3A_1537] {strides = array<i32>} : memref<2048xf32, #tpu.memory_space<vmem>>, vector<16xf32>,
      %swap3A_1539 = vector.shape_cast %swap3A_1538 : vector<16xf32> to vector<16xf32>
      %swap3A_1540 = vector.shape_cast %while3A_1528#1 : vector<16xf32> to vector<16xf32>
      tpu.vector_store %arg11[%swap3A_1537], %swap3A_1540 {add = true, strides = array<i32>} : memref<2048xf32, #tpu.memory_space<vmem>>, vector<16xf32>,
      %add3A_1541 = arith.constant 32 : i32
      %add3A_1542 = arith.addi %mul3A_1485, %add3A_1541 : i32
      %swap3A_1543 = arith.index_cast %add3A_1542 : i32 to index
      %swap3A_1544 = tpu.vector_load %arg11[%swap3A_1543] {strides = array<i32>} : memref<2048xf32, #tpu.memory_space<vmem>>, vector<16xf32>,
      %swap3A_1545 = vector.shape_cast %swap3A_1544 : vector<16xf32> to vector<16xf32>
      %swap3A_1546 = vector.shape_cast %while3A_1528#2 : vector<16xf32> to vector<16xf32>
      tpu.vector_store %arg11[%swap3A_1543], %swap3A_1546 {add = true, strides = array<i32>} : memref<2048xf32, #tpu.memory_space<vmem>>, vector<16xf32>,
      %add3A_1547 = arith.constant 48 : i32
      %add3A_1548 = arith.addi %mul3A_1485, %add3A_1547 : i32
      %swap3A_1549 = arith.index_cast %add3A_1548 : i32 to index
      %swap3A_1550 = tpu.vector_load %arg11[%swap3A_1549] {strides = array<i32>} : memref<2048xf32, #tpu.memory_space<vmem>>, vector<16xf32>,
      %swap3A_1551 = vector.shape_cast %swap3A_1550 : vector<16xf32> to vector<16xf32>
      %swap3A_1552 = vector.shape_cast %while3A_1528#3 : vector<16xf32> to vector<16xf32>
      tpu.vector_store %arg11[%swap3A_1549], %swap3A_1552 {add = true, strides = array<i32>} : memref<2048xf32, #tpu.memory_space<vmem>>, vector<16xf32>,
      %add3A_1553 = arith.constant 64 : i32
      %add3A_1554 = arith.addi %mul3A_1485, %add3A_1553 : i32
      %swap3A_1555 = arith.index_cast %add3A_1554 : i32 to index
      %swap3A_1556 = tpu.vector_load %arg11[%swap3A_1555] {strides = array<i32>} : memref<2048xf32, #tpu.memory_space<vmem>>, vector<16xf32>,
      %swap3A_1557 = vector.shape_cast %swap3A_1556 : vector<16xf32> to vector<16xf32>
      %swap3A_1558 = vector.shape_cast %while3A_1528#4 : vector<16xf32> to vector<16xf32>
      tpu.vector_store %arg11[%swap3A_1555], %swap3A_1558 {add = true, strides = array<i32>} : memref<2048xf32, #tpu.memory_space<vmem>>, vector<16xf32>,
      %add3A_1559 = arith.constant 80 : i32
      %add3A_1560 = arith.addi %mul3A_1485, %add3A_1559 : i32
      %swap3A_1561 = arith.index_cast %add3A_1560 : i32 to index
      %swap3A_1562 = tpu.vector_load %arg11[%swap3A_1561] {strides = array<i32>} : memref<2048xf32, #tpu.memory_space<vmem>>, vector<16xf32>,
      %swap3A_1563 = vector.shape_cast %swap3A_1562 : vector<16xf32> to vector<16xf32>
      %swap3A_1564 = vector.shape_cast %while3A_1528#5 : vector<16xf32> to vector<16xf32>
      tpu.vector_store %arg11[%swap3A_1561], %swap3A_1564 {add = true, strides = array<i32>} : memref<2048xf32, #tpu.memory_space<vmem>>, vector<16xf32>,
      %add3A_1565 = arith.constant 96 : i32
      %add3A_1566 = arith.addi %mul3A_1485, %add3A_1565 : i32
      %swap3A_1567 = arith.index_cast %add3A_1566 : i32 to index
      %swap3A_1568 = tpu.vector_load %arg11[%swap3A_1567] {strides = array<i32>} : memref<2048xf32, #tpu.memory_space<vmem>>, vector<16xf32>,
      %swap3A_1569 = vector.shape_cast %swap3A_1568 : vector<16xf32> to vector<16xf32>
      %swap3A_1570 = vector.shape_cast %while3A_1528#6 : vector<16xf32> to vector<16xf32>
      tpu.vector_store %arg11[%swap3A_1567], %swap3A_1570 {add = true, strides = array<i32>} : memref<2048xf32, #tpu.memory_space<vmem>>, vector<16xf32>,
      %add3A_1571 = arith.constant 112 : i32
      %add3A_1572 = arith.addi %mul3A_1485, %add3A_1571 : i32
      %swap3A_1573 = arith.index_cast %add3A_1572 : i32 to index
      %swap3A_1574 = tpu.vector_load %arg11[%swap3A_1573] {strides = array<i32>} : memref<2048xf32, #tpu.memory_space<vmem>>, vector<16xf32>,
      %swap3A_1575 = vector.shape_cast %swap3A_1574 : vector<16xf32> to vector<16xf32>
      %swap3A_1576 = vector.shape_cast %while3A_1528#7 : vector<16xf32> to vector<16xf32>
      tpu.vector_store %arg11[%swap3A_1573], %swap3A_1576 {add = true, strides = array<i32>} : memref<2048xf32, #tpu.memory_space<vmem>>, vector<16xf32>,
    }
    %scan3A_678 = arith.constant 16 : i32
    "tpu.region"() ({
      %run_scoped3A = tpu.sem_alloc : memref<!tpu.dma_semaphore, #tpu.memory_space<semaphore_mem>>
      %dma_start3A = arith.constant 0 : i32
      %dma_start3A_1473 = tpu.memref_slice %arg14[%arg1, %dma_start3A] : memref<16x2048xf32, #tpu.memory_space<vmem_shared>> -> memref<1x2048xf32, #tpu.memory_space<vmem_shared>>
      %dma_start3A_1474 = tpu.memref_squeeze %dma_start3A_1473 : memref<1x2048xf32, #tpu.memory_space<vmem_shared>> -> memref<2048xf32, #tpu.memory_space<vmem_shared>>
      %dma_start3A_1475 = arith.constant 0 : i32
      %dma_start3A_1476 = tpu.memref_slice %arg14[%arg1, %dma_start3A_1475] : memref<16x2048xf32, #tpu.memory_space<vmem_shared>> -> memref<1x2048xf32, #tpu.memory_space<vmem_shared>>
      %dma_start3A_1477 = tpu.memref_squeeze %dma_start3A_1476 : memref<1x2048xf32, #tpu.memory_space<vmem_shared>> -> memref<2048xf32, #tpu.memory_space<vmem_shared>>
      tpu.enqueue_dma source(%arg11 : memref<2048xf32, #tpu.memory_space<vmem>>) target(%dma_start3A_1477 : memref<2048xf32, #tpu.memory_space<vmem_shared>>) target_semaphore(%run_scoped3A : memref<!tpu.dma_semaphore, #tpu.memory_space<semaphore_mem>>)
      %dma_wait3A = arith.constant 0 : i32
      %dma_wait3A_1478 = tpu.memref_slice %arg14[%arg1, %dma_wait3A] : memref<16x2048xf32, #tpu.memory_space<vmem_shared>> -> memref<1x2048xf32, #tpu.memory_space<vmem_shared>>
      %dma_wait3A_1479 = tpu.memref_squeeze %dma_wait3A_1478 : memref<1x2048xf32, #tpu.memory_space<vmem_shared>> -> memref<2048xf32, #tpu.memory_space<vmem_shared>>
      %dma_wait3A_1480 = arith.constant 0 : i32
      %dma_wait3A_1481 = tpu.memref_slice %arg14[%arg1, %dma_wait3A_1480] : memref<16x2048xf32, #tpu.memory_space<vmem_shared>> -> memref<1x2048xf32, #tpu.memory_space<vmem_shared>>
      %dma_wait3A_1482 = tpu.memref_squeeze %dma_wait3A_1481 : memref<1x2048xf32, #tpu.memory_space<vmem_shared>> -> memref<2048xf32, #tpu.memory_space<vmem_shared>>
      tpu.wait_dma2 semaphore(%run_scoped3A : memref<!tpu.dma_semaphore, #tpu.memory_space<semaphore_mem>>) src(%arg11 : memref<2048xf32, #tpu.memory_space<vmem>>) dst(%dma_wait3A_1482 : memref<2048xf32, #tpu.memory_space<vmem_shared>>)
      tpu.yield
    }) : () -> ()
    %barrier3A = arith.constant 0 : index
    tpu.barrier barrier_id(%barrier3A)
    %mul3A_679 = arith.constant 128 : i32
    %mul3A_680 = arith.muli %arg1, %mul3A_679 : i32
    "tpu.region"() ({
      %run_scoped3A = tpu.sem_alloc : memref<!tpu.dma_semaphore, #tpu.memory_space<semaphore_mem>>
      %dma_start3A = arith.constant 0 : i32
      %dma_start3A_1473 = tpu.memref_slice %arg14[%dma_start3A, %mul3A_680] : memref<16x2048xf32, #tpu.memory_space<vmem_shared>> -> memref<16x128xf32, #tpu.memory_space<vmem_shared>>
      %dma_start3A_1474 = arith.constant 0 : i32
      %dma_start3A_1475 = tpu.memref_slice %arg14[%dma_start3A_1474, %mul3A_680] : memref<16x2048xf32, #tpu.memory_space<vmem_shared>> -> memref<16x128xf32, #tpu.memory_space<vmem_shared>>
      tpu.enqueue_dma source(%dma_start3A_1475 : memref<16x128xf32, #tpu.memory_space<vmem_shared>>) target(%arg13 : memref<16x128xf32, #tpu.memory_space<vmem>>) target_semaphore(%run_scoped3A : memref<!tpu.dma_semaphore, #tpu.memory_space<semaphore_mem>>)
      %dma_wait3A = arith.constant 0 : i32
      %dma_wait3A_1476 = tpu.memref_slice %arg14[%dma_wait3A, %mul3A_680] : memref<16x2048xf32, #tpu.memory_space<vmem_shared>> -> memref<16x128xf32, #tpu.memory_space<vmem_shared>>
      %dma_wait3A_1477 = arith.constant 0 : i32
      %dma_wait3A_1478 = tpu.memref_slice %arg14[%dma_wait3A_1477, %mul3A_680] : memref<16x2048xf32, #tpu.memory_space<vmem_shared>> -> memref<16x128xf32, #tpu.memory_space<vmem_shared>>
      tpu.wait_dma2 semaphore(%run_scoped3A : memref<!tpu.dma_semaphore, #tpu.memory_space<semaphore_mem>>) src(%dma_wait3A_1478 : memref<16x128xf32, #tpu.memory_space<vmem_shared>>) dst(%arg13 : memref<16x128xf32, #tpu.memory_space<vmem>>)
      tpu.yield
    }) : () -> ()
    %get3A_681 = arith.constant 0 : i32
    %get3A_682 = arith.index_cast %get3A_681 : i32 to index
    %get3A_683 = arith.constant 0 : index
    %get3A_684 = tpu.vector_load %arg13[%get3A_682, %get3A_683] {strides = array<i32>} : memref<16x128xf32, #tpu.memory_space<vmem>>, vector<1x16xf32>,
    %get3A_685 = vector.shape_cast %get3A_684 : vector<1x16xf32> to vector<16xf32>
    %get3A_686 = arith.constant 1 : i32
    %get3A_687 = arith.index_cast %get3A_686 : i32 to index
    %get3A_688 = arith.constant 0 : index
    %get3A_689 = tpu.vector_load %arg13[%get3A_687, %get3A_688] {strides = array<i32>} : memref<16x128xf32, #tpu.memory_space<vmem>>, vector<1x16xf32>,
    %get3A_690 = vector.shape_cast %get3A_689 : vector<1x16xf32> to vector<16xf32>
    %add3A_691 = arith.addf %get3A_685, %get3A_690 : vector<16xf32>
    %get3A_692 = arith.constant 2 : i32
    %get3A_693 = arith.index_cast %get3A_692 : i32 to index
    %get3A_694 = arith.constant 0 : index
    %get3A_695 = tpu.vector_load %arg13[%get3A_693, %get3A_694] {strides = array<i32>} : memref<16x128xf32, #tpu.memory_space<vmem>>, vector<1x16xf32>,
    %get3A_696 = vector.shape_cast %get3A_695 : vector<1x16xf32> to vector<16xf32>
    %add3A_697 = arith.addf %add3A_691, %get3A_696 : vector<16xf32>
    %get3A_698 = arith.constant 3 : i32
    %get3A_699 = arith.index_cast %get3A_698 : i32 to index
    %get3A_700 = arith.constant 0 : index
    %get3A_701 = tpu.vector_load %arg13[%get3A_699, %get3A_700] {strides = array<i32>} : memref<16x128xf32, #tpu.memory_space<vmem>>, vector<1x16xf32>,
    %get3A_702 = vector.shape_cast %get3A_701 : vector<1x16xf32> to vector<16xf32>
    %add3A_703 = arith.addf %add3A_697, %get3A_702 : vector<16xf32>
    %get3A_704 = arith.constant 4 : i32
    %get3A_705 = arith.index_cast %get3A_704 : i32 to index
    %get3A_706 = arith.constant 0 : index
    %get3A_707 = tpu.vector_load %arg13[%get3A_705, %get3A_706] {strides = array<i32>} : memref<16x128xf32, #tpu.memory_space<vmem>>, vector<1x16xf32>,
    %get3A_708 = vector.shape_cast %get3A_707 : vector<1x16xf32> to vector<16xf32>
    %add3A_709 = arith.addf %add3A_703, %get3A_708 : vector<16xf32>
    %get3A_710 = arith.constant 5 : i32
    %get3A_711 = arith.index_cast %get3A_710 : i32 to index
    %get3A_712 = arith.constant 0 : index
    %get3A_713 = tpu.vector_load %arg13[%get3A_711, %get3A_712] {strides = array<i32>} : memref<16x128xf32, #tpu.memory_space<vmem>>, vector<1x16xf32>,
    %get3A_714 = vector.shape_cast %get3A_713 : vector<1x16xf32> to vector<16xf32>
    %add3A_715 = arith.addf %add3A_709, %get3A_714 : vector<16xf32>
    %get3A_716 = arith.constant 6 : i32
    %get3A_717 = arith.index_cast %get3A_716 : i32 to index
    %get3A_718 = arith.constant 0 : index
    %get3A_719 = tpu.vector_load %arg13[%get3A_717, %get3A_718] {strides = array<i32>} : memref<16x128xf32, #tpu.memory_space<vmem>>, vector<1x16xf32>,
    %get3A_720 = vector.shape_cast %get3A_719 : vector<1x16xf32> to vector<16xf32>
    %add3A_721 = arith.addf %add3A_715, %get3A_720 : vector<16xf32>
    %get3A_722 = arith.constant 7 : i32
    %get3A_723 = arith.index_cast %get3A_722 : i32 to index
    %get3A_724 = arith.constant 0 : index
    %get3A_725 = tpu.vector_load %arg13[%get3A_723, %get3A_724] {strides = array<i32>} : memref<16x128xf32, #tpu.memory_space<vmem>>, vector<1x16xf32>,
    %get3A_726 = vector.shape_cast %get3A_725 : vector<1x16xf32> to vector<16xf32>
    %add3A_727 = arith.addf %add3A_721, %get3A_726 : vector<16xf32>
    %get3A_728 = arith.constant 8 : i32
    %get3A_729 = arith.index_cast %get3A_728 : i32 to index
    %get3A_730 = arith.constant 0 : index
    %get3A_731 = tpu.vector_load %arg13[%get3A_729, %get3A_730] {strides = array<i32>} : memref<16x128xf32, #tpu.memory_space<vmem>>, vector<1x16xf32>,
    %get3A_732 = vector.shape_cast %get3A_731 : vector<1x16xf32> to vector<16xf32>
    %add3A_733 = arith.addf %add3A_727, %get3A_732 : vector<16xf32>
    %get3A_734 = arith.constant 9 : i32
    %get3A_735 = arith.index_cast %get3A_734 : i32 to index
    %get3A_736 = arith.constant 0 : index
    %get3A_737 = tpu.vector_load %arg13[%get3A_735, %get3A_736] {strides = array<i32>} : memref<16x128xf32, #tpu.memory_space<vmem>>, vector<1x16xf32>,
    %get3A_738 = vector.shape_cast %get3A_737 : vector<1x16xf32> to vector<16xf32>
    %add3A_739 = arith.addf %add3A_733, %get3A_738 : vector<16xf32>
    %get3A_740 = arith.constant 10 : i32
    %get3A_741 = arith.index_cast %get3A_740 : i32 to index
    %get3A_742 = arith.constant 0 : index
    %get3A_743 = tpu.vector_load %arg13[%get3A_741, %get3A_742] {strides = array<i32>} : memref<16x128xf32, #tpu.memory_space<vmem>>, vector<1x16xf32>,
    %get3A_744 = vector.shape_cast %get3A_743 : vector<1x16xf32> to vector<16xf32>
    %add3A_745 = arith.addf %add3A_739, %get3A_744 : vector<16xf32>
    %get3A_746 = arith.constant 11 : i32
    %get3A_747 = arith.index_cast %get3A_746 : i32 to index
    %get3A_748 = arith.constant 0 : index
    %get3A_749 = tpu.vector_load %arg13[%get3A_747, %get3A_748] {strides = array<i32>} : memref<16x128xf32, #tpu.memory_space<vmem>>, vector<1x16xf32>,
    %get3A_750 = vector.shape_cast %get3A_749 : vector<1x16xf32> to vector<16xf32>
    %add3A_751 = arith.addf %add3A_745, %get3A_750 : vector<16xf32>
    %get3A_752 = arith.constant 12 : i32
    %get3A_753 = arith.index_cast %get3A_752 : i32 to index
    %get3A_754 = arith.constant 0 : index
    %get3A_755 = tpu.vector_load %arg13[%get3A_753, %get3A_754] {strides = array<i32>} : memref<16x128xf32, #tpu.memory_space<vmem>>, vector<1x16xf32>,
    %get3A_756 = vector.shape_cast %get3A_755 : vector<1x16xf32> to vector<16xf32>
    %add3A_757 = arith.addf %add3A_751, %get3A_756 : vector<16xf32>
    %get3A_758 = arith.constant 13 : i32
    %get3A_759 = arith.index_cast %get3A_758 : i32 to index
    %get3A_760 = arith.constant 0 : index
    %get3A_761 = tpu.vector_load %arg13[%get3A_759, %get3A_760] {strides = array<i32>} : memref<16x128xf32, #tpu.memory_space<vmem>>, vector<1x16xf32>,
    %get3A_762 = vector.shape_cast %get3A_761 : vector<1x16xf32> to vector<16xf32>
    %add3A_763 = arith.addf %add3A_757, %get3A_762 : vector<16xf32>
    %get3A_764 = arith.constant 14 : i32
    %get3A_765 = arith.index_cast %get3A_764 : i32 to index
    %get3A_766 = arith.constant 0 : index
    %get3A_767 = tpu.vector_load %arg13[%get3A_765, %get3A_766] {strides = array<i32>} : memref<16x128xf32, #tpu.memory_space<vmem>>, vector<1x16xf32>,
    %get3A_768 = vector.shape_cast %get3A_767 : vector<1x16xf32> to vector<16xf32>
    %add3A_769 = arith.addf %add3A_763, %get3A_768 : vector<16xf32>
    %get3A_770 = arith.constant 15 : i32
    %get3A_771 = arith.index_cast %get3A_770 : i32 to index
    %get3A_772 = arith.constant 0 : index
    %get3A_773 = tpu.vector_load %arg13[%get3A_771, %get3A_772] {strides = array<i32>} : memref<16x128xf32, #tpu.memory_space<vmem>>, vector<1x16xf32>,
    %get3A_774 = vector.shape_cast %get3A_773 : vector<1x16xf32> to vector<16xf32>
    %add3A_775 = arith.addf %add3A_769, %get3A_774 : vector<16xf32>
    %swap3A_776 = arith.constant 0 : index
    %swap3A_777 = tpu.vector_load %arg12[%swap3A_776] {strides = array<i32>} : memref<128xf32, #tpu.memory_space<vmem>>, vector<16xf32>,
    %swap3A_778 = vector.shape_cast %swap3A_777 : vector<16xf32> to vector<16xf32>
    %swap3A_779 = vector.shape_cast %add3A_775 : vector<16xf32> to vector<16xf32>
    tpu.vector_store %arg12[%swap3A_776], %swap3A_779 {strides = array<i32>} : memref<128xf32, #tpu.memory_space<vmem>>, vector<16xf32>,
    %get3A_780 = arith.constant 0 : i32
    %get3A_781 = arith.index_cast %get3A_780 : i32 to index
    %get3A_782 = arith.constant 16 : index
    %get3A_783 = tpu.vector_load %arg13[%get3A_781, %get3A_782] {strides = array<i32>} : memref<16x128xf32, #tpu.memory_space<vmem>>, vector<1x16xf32>,
    %get3A_784 = vector.shape_cast %get3A_783 : vector<1x16xf32> to vector<16xf32>
    %get3A_785 = arith.constant 1 : i32
    %get3A_786 = arith.index_cast %get3A_785 : i32 to index
    %get3A_787 = arith.constant 16 : index
    %get3A_788 = tpu.vector_load %arg13[%get3A_786, %get3A_787] {strides = array<i32>} : memref<16x128xf32, #tpu.memory_space<vmem>>, vector<1x16xf32>,
    %get3A_789 = vector.shape_cast %get3A_788 : vector<1x16xf32> to vector<16xf32>
    %add3A_790 = arith.addf %get3A_784, %get3A_789 : vector<16xf32>
    %get3A_791 = arith.constant 2 : i32
    %get3A_792 = arith.index_cast %get3A_791 : i32 to index
    %get3A_793 = arith.constant 16 : index
    %get3A_794 = tpu.vector_load %arg13[%get3A_792, %get3A_793] {strides = array<i32>} : memref<16x128xf32, #tpu.memory_space<vmem>>, vector<1x16xf32>,
    %get3A_795 = vector.shape_cast %get3A_794 : vector<1x16xf32> to vector<16xf32>
    %add3A_796 = arith.addf %add3A_790, %get3A_795 : vector<16xf32>
    %get3A_797 = arith.constant 3 : i32
    %get3A_798 = arith.index_cast %get3A_797 : i32 to index
    %get3A_799 = arith.constant 16 : index
    %get3A_800 = tpu.vector_load %arg13[%get3A_798, %get3A_799] {strides = array<i32>} : memref<16x128xf32, #tpu.memory_space<vmem>>, vector<1x16xf32>,
    %get3A_801 = vector.shape_cast %get3A_800 : vector<1x16xf32> to vector<16xf32>
    %add3A_802 = arith.addf %add3A_796, %get3A_801 : vector<16xf32>
    %get3A_803 = arith.constant 4 : i32
    %get3A_804 = arith.index_cast %get3A_803 : i32 to index
    %get3A_805 = arith.constant 16 : index
    %get3A_806 = tpu.vector_load %arg13[%get3A_804, %get3A_805] {strides = array<i32>} : memref<16x128xf32, #tpu.memory_space<vmem>>, vector<1x16xf32>,
    %get3A_807 = vector.shape_cast %get3A_806 : vector<1x16xf32> to vector<16xf32>
    %add3A_808 = arith.addf %add3A_802, %get3A_807 : vector<16xf32>
    %get3A_809 = arith.constant 5 : i32
    %get3A_810 = arith.index_cast %get3A_809 : i32 to index
    %get3A_811 = arith.constant 16 : index
    %get3A_812 = tpu.vector_load %arg13[%get3A_810, %get3A_811] {strides = array<i32>} : memref<16x128xf32, #tpu.memory_space<vmem>>, vector<1x16xf32>,
    %get3A_813 = vector.shape_cast %get3A_812 : vector<1x16xf32> to vector<16xf32>
    %add3A_814 = arith.addf %add3A_808, %get3A_813 : vector<16xf32>
    %get3A_815 = arith.constant 6 : i32
    %get3A_816 = arith.index_cast %get3A_815 : i32 to index
    %get3A_817 = arith.constant 16 : index
    %get3A_818 = tpu.vector_load %arg13[%get3A_816, %get3A_817] {strides = array<i32>} : memref<16x128xf32, #tpu.memory_space<vmem>>, vector<1x16xf32>,
    %get3A_819 = vector.shape_cast %get3A_818 : vector<1x16xf32> to vector<16xf32>
    %add3A_820 = arith.addf %add3A_814, %get3A_819 : vector<16xf32>
    %get3A_821 = arith.constant 7 : i32
    %get3A_822 = arith.index_cast %get3A_821 : i32 to index
    %get3A_823 = arith.constant 16 : index
    %get3A_824 = tpu.vector_load %arg13[%get3A_822, %get3A_823] {strides = array<i32>} : memref<16x128xf32, #tpu.memory_space<vmem>>, vector<1x16xf32>,
    %get3A_825 = vector.shape_cast %get3A_824 : vector<1x16xf32> to vector<16xf32>
    %add3A_826 = arith.addf %add3A_820, %get3A_825 : vector<16xf32>
    %get3A_827 = arith.constant 8 : i32
    %get3A_828 = arith.index_cast %get3A_827 : i32 to index
    %get3A_829 = arith.constant 16 : index
    %get3A_830 = tpu.vector_load %arg13[%get3A_828, %get3A_829] {strides = array<i32>} : memref<16x128xf32, #tpu.memory_space<vmem>>, vector<1x16xf32>,
    %get3A_831 = vector.shape_cast %get3A_830 : vector<1x16xf32> to vector<16xf32>
    %add3A_832 = arith.addf %add3A_826, %get3A_831 : vector<16xf32>
    %get3A_833 = arith.constant 9 : i32
    %get3A_834 = arith.index_cast %get3A_833 : i32 to index
    %get3A_835 = arith.constant 16 : index
    %get3A_836 = tpu.vector_load %arg13[%get3A_834, %get3A_835] {strides = array<i32>} : memref<16x128xf32, #tpu.memory_space<vmem>>, vector<1x16xf32>,
    %get3A_837 = vector.shape_cast %get3A_836 : vector<1x16xf32> to vector<16xf32>
    %add3A_838 = arith.addf %add3A_832, %get3A_837 : vector<16xf32>
    %get3A_839 = arith.constant 10 : i32
    %get3A_840 = arith.index_cast %get3A_839 : i32 to index
    %get3A_841 = arith.constant 16 : index
    %get3A_842 = tpu.vector_load %arg13[%get3A_840, %get3A_841] {strides = array<i32>} : memref<16x128xf32, #tpu.memory_space<vmem>>, vector<1x16xf32>,
    %get3A_843 = vector.shape_cast %get3A_842 : vector<1x16xf32> to vector<16xf32>
    %add3A_844 = arith.addf %add3A_838, %get3A_843 : vector<16xf32>
    %get3A_845 = arith.constant 11 : i32
    %get3A_846 = arith.index_cast %get3A_845 : i32 to index
    %get3A_847 = arith.constant 16 : index
    %get3A_848 = tpu.vector_load %arg13[%get3A_846, %get3A_847] {strides = array<i32>} : memref<16x128xf32, #tpu.memory_space<vmem>>, vector<1x16xf32>,
    %get3A_849 = vector.shape_cast %get3A_848 : vector<1x16xf32> to vector<16xf32>
    %add3A_850 = arith.addf %add3A_844, %get3A_849 : vector<16xf32>
    %get3A_851 = arith.constant 12 : i32
    %get3A_852 = arith.index_cast %get3A_851 : i32 to index
    %get3A_853 = arith.constant 16 : index
    %get3A_854 = tpu.vector_load %arg13[%get3A_852, %get3A_853] {strides = array<i32>} : memref<16x128xf32, #tpu.memory_space<vmem>>, vector<1x16xf32>,
    %get3A_855 = vector.shape_cast %get3A_854 : vector<1x16xf32> to vector<16xf32>
    %add3A_856 = arith.addf %add3A_850, %get3A_855 : vector<16xf32>
    %get3A_857 = arith.constant 13 : i32
    %get3A_858 = arith.index_cast %get3A_857 : i32 to index
    %get3A_859 = arith.constant 16 : index
    %get3A_860 = tpu.vector_load %arg13[%get3A_858, %get3A_859] {strides = array<i32>} : memref<16x128xf32, #tpu.memory_space<vmem>>, vector<1x16xf32>,
    %get3A_861 = vector.shape_cast %get3A_860 : vector<1x16xf32> to vector<16xf32>
    %add3A_862 = arith.addf %add3A_856, %get3A_861 : vector<16xf32>
    %get3A_863 = arith.constant 14 : i32
    %get3A_864 = arith.index_cast %get3A_863 : i32 to index
    %get3A_865 = arith.constant 16 : index
    %get3A_866 = tpu.vector_load %arg13[%get3A_864, %get3A_865] {strides = array<i32>} : memref<16x128xf32, #tpu.memory_space<vmem>>, vector<1x16xf32>,
    %get3A_867 = vector.shape_cast %get3A_866 : vector<1x16xf32> to vector<16xf32>
    %add3A_868 = arith.addf %add3A_862, %get3A_867 : vector<16xf32>
    %get3A_869 = arith.constant 15 : i32
    %get3A_870 = arith.index_cast %get3A_869 : i32 to index
    %get3A_871 = arith.constant 16 : index
    %get3A_872 = tpu.vector_load %arg13[%get3A_870, %get3A_871] {strides = array<i32>} : memref<16x128xf32, #tpu.memory_space<vmem>>, vector<1x16xf32>,
    %get3A_873 = vector.shape_cast %get3A_872 : vector<1x16xf32> to vector<16xf32>
    %add3A_874 = arith.addf %add3A_868, %get3A_873 : vector<16xf32>
    %swap3A_875 = arith.constant 16 : index
    %swap3A_876 = tpu.vector_load %arg12[%swap3A_875] {strides = array<i32>} : memref<128xf32, #tpu.memory_space<vmem>>, vector<16xf32>,
    %swap3A_877 = vector.shape_cast %swap3A_876 : vector<16xf32> to vector<16xf32>
    %swap3A_878 = vector.shape_cast %add3A_874 : vector<16xf32> to vector<16xf32>
    tpu.vector_store %arg12[%swap3A_875], %swap3A_878 {strides = array<i32>} : memref<128xf32, #tpu.memory_space<vmem>>, vector<16xf32>,
    %get3A_879 = arith.constant 0 : i32
    %get3A_880 = arith.index_cast %get3A_879 : i32 to index
    %get3A_881 = arith.constant 32 : index
    %get3A_882 = tpu.vector_load %arg13[%get3A_880, %get3A_881] {strides = array<i32>} : memref<16x128xf32, #tpu.memory_space<vmem>>, vector<1x16xf32>,
    %get3A_883 = vector.shape_cast %get3A_882 : vector<1x16xf32> to vector<16xf32>
    %get3A_884 = arith.constant 1 : i32
    %get3A_885 = arith.index_cast %get3A_884 : i32 to index
    %get3A_886 = arith.constant 32 : index
    %get3A_887 = tpu.vector_load %arg13[%get3A_885, %get3A_886] {strides = array<i32>} : memref<16x128xf32, #tpu.memory_space<vmem>>, vector<1x16xf32>,
    %get3A_888 = vector.shape_cast %get3A_887 : vector<1x16xf32> to vector<16xf32>
    %add3A_889 = arith.addf %get3A_883, %get3A_888 : vector<16xf32>
    %get3A_890 = arith.constant 2 : i32
    %get3A_891 = arith.index_cast %get3A_890 : i32 to index
    %get3A_892 = arith.constant 32 : index
    %get3A_893 = tpu.vector_load %arg13[%get3A_891, %get3A_892] {strides = array<i32>} : memref<16x128xf32, #tpu.memory_space<vmem>>, vector<1x16xf32>,
    %get3A_894 = vector.shape_cast %get3A_893 : vector<1x16xf32> to vector<16xf32>
    %add3A_895 = arith.addf %add3A_889, %get3A_894 : vector<16xf32>
    %get3A_896 = arith.constant 3 : i32
    %get3A_897 = arith.index_cast %get3A_896 : i32 to index
    %get3A_898 = arith.constant 32 : index
    %get3A_899 = tpu.vector_load %arg13[%get3A_897, %get3A_898] {strides = array<i32>} : memref<16x128xf32, #tpu.memory_space<vmem>>, vector<1x16xf32>,
    %get3A_900 = vector.shape_cast %get3A_899 : vector<1x16xf32> to vector<16xf32>
    %add3A_901 = arith.addf %add3A_895, %get3A_900 : vector<16xf32>
    %get3A_902 = arith.constant 4 : i32
    %get3A_903 = arith.index_cast %get3A_902 : i32 to index
    %get3A_904 = arith.constant 32 : index
    %get3A_905 = tpu.vector_load %arg13[%get3A_903, %get3A_904] {strides = array<i32>} : memref<16x128xf32, #tpu.memory_space<vmem>>, vector<1x16xf32>,
    %get3A_906 = vector.shape_cast %get3A_905 : vector<1x16xf32> to vector<16xf32>
    %add3A_907 = arith.addf %add3A_901, %get3A_906 : vector<16xf32>
    %get3A_908 = arith.constant 5 : i32
    %get3A_909 = arith.index_cast %get3A_908 : i32 to index
    %get3A_910 = arith.constant 32 : index
    %get3A_911 = tpu.vector_load %arg13[%get3A_909, %get3A_910] {strides = array<i32>} : memref<16x128xf32, #tpu.memory_space<vmem>>, vector<1x16xf32>,
    %get3A_912 = vector.shape_cast %get3A_911 : vector<1x16xf32> to vector<16xf32>
    %add3A_913 = arith.addf %add3A_907, %get3A_912 : vector<16xf32>
    %get3A_914 = arith.constant 6 : i32
    %get3A_915 = arith.index_cast %get3A_914 : i32 to index
    %get3A_916 = arith.constant 32 : index
    %get3A_917 = tpu.vector_load %arg13[%get3A_915, %get3A_916] {strides = array<i32>} : memref<16x128xf32, #tpu.memory_space<vmem>>, vector<1x16xf32>,
    %get3A_918 = vector.shape_cast %get3A_917 : vector<1x16xf32> to vector<16xf32>
    %add3A_919 = arith.addf %add3A_913, %get3A_918 : vector<16xf32>
    %get3A_920 = arith.constant 7 : i32
    %get3A_921 = arith.index_cast %get3A_920 : i32 to index
    %get3A_922 = arith.constant 32 : index
    %get3A_923 = tpu.vector_load %arg13[%get3A_921, %get3A_922] {strides = array<i32>} : memref<16x128xf32, #tpu.memory_space<vmem>>, vector<1x16xf32>,
    %get3A_924 = vector.shape_cast %get3A_923 : vector<1x16xf32> to vector<16xf32>
    %add3A_925 = arith.addf %add3A_919, %get3A_924 : vector<16xf32>
    %get3A_926 = arith.constant 8 : i32
    %get3A_927 = arith.index_cast %get3A_926 : i32 to index
    %get3A_928 = arith.constant 32 : index
    %get3A_929 = tpu.vector_load %arg13[%get3A_927, %get3A_928] {strides = array<i32>} : memref<16x128xf32, #tpu.memory_space<vmem>>, vector<1x16xf32>,
    %get3A_930 = vector.shape_cast %get3A_929 : vector<1x16xf32> to vector<16xf32>
    %add3A_931 = arith.addf %add3A_925, %get3A_930 : vector<16xf32>
    %get3A_932 = arith.constant 9 : i32
    %get3A_933 = arith.index_cast %get3A_932 : i32 to index
    %get3A_934 = arith.constant 32 : index
    %get3A_935 = tpu.vector_load %arg13[%get3A_933, %get3A_934] {strides = array<i32>} : memref<16x128xf32, #tpu.memory_space<vmem>>, vector<1x16xf32>,
    %get3A_936 = vector.shape_cast %get3A_935 : vector<1x16xf32> to vector<16xf32>
    %add3A_937 = arith.addf %add3A_931, %get3A_936 : vector<16xf32>
    %get3A_938 = arith.constant 10 : i32
    %get3A_939 = arith.index_cast %get3A_938 : i32 to index
    %get3A_940 = arith.constant 32 : index
    %get3A_941 = tpu.vector_load %arg13[%get3A_939, %get3A_940] {strides = array<i32>} : memref<16x128xf32, #tpu.memory_space<vmem>>, vector<1x16xf32>,
    %get3A_942 = vector.shape_cast %get3A_941 : vector<1x16xf32> to vector<16xf32>
    %add3A_943 = arith.addf %add3A_937, %get3A_942 : vector<16xf32>
    %get3A_944 = arith.constant 11 : i32
    %get3A_945 = arith.index_cast %get3A_944 : i32 to index
    %get3A_946 = arith.constant 32 : index
    %get3A_947 = tpu.vector_load %arg13[%get3A_945, %get3A_946] {strides = array<i32>} : memref<16x128xf32, #tpu.memory_space<vmem>>, vector<1x16xf32>,
    %get3A_948 = vector.shape_cast %get3A_947 : vector<1x16xf32> to vector<16xf32>
    %add3A_949 = arith.addf %add3A_943, %get3A_948 : vector<16xf32>
    %get3A_950 = arith.constant 12 : i32
    %get3A_951 = arith.index_cast %get3A_950 : i32 to index
    %get3A_952 = arith.constant 32 : index
    %get3A_953 = tpu.vector_load %arg13[%get3A_951, %get3A_952] {strides = array<i32>} : memref<16x128xf32, #tpu.memory_space<vmem>>, vector<1x16xf32>,
    %get3A_954 = vector.shape_cast %get3A_953 : vector<1x16xf32> to vector<16xf32>
    %add3A_955 = arith.addf %add3A_949, %get3A_954 : vector<16xf32>
    %get3A_956 = arith.constant 13 : i32
    %get3A_957 = arith.index_cast %get3A_956 : i32 to index
    %get3A_958 = arith.constant 32 : index
    %get3A_959 = tpu.vector_load %arg13[%get3A_957, %get3A_958] {strides = array<i32>} : memref<16x128xf32, #tpu.memory_space<vmem>>, vector<1x16xf32>,
    %get3A_960 = vector.shape_cast %get3A_959 : vector<1x16xf32> to vector<16xf32>
    %add3A_961 = arith.addf %add3A_955, %get3A_960 : vector<16xf32>
    %get3A_962 = arith.constant 14 : i32
    %get3A_963 = arith.index_cast %get3A_962 : i32 to index
    %get3A_964 = arith.constant 32 : index
    %get3A_965 = tpu.vector_load %arg13[%get3A_963, %get3A_964] {strides = array<i32>} : memref<16x128xf32, #tpu.memory_space<vmem>>, vector<1x16xf32>,
    %get3A_966 = vector.shape_cast %get3A_965 : vector<1x16xf32> to vector<16xf32>
    %add3A_967 = arith.addf %add3A_961, %get3A_966 : vector<16xf32>
    %get3A_968 = arith.constant 15 : i32
    %get3A_969 = arith.index_cast %get3A_968 : i32 to index
    %get3A_970 = arith.constant 32 : index
    %get3A_971 = tpu.vector_load %arg13[%get3A_969, %get3A_970] {strides = array<i32>} : memref<16x128xf32, #tpu.memory_space<vmem>>, vector<1x16xf32>,
    %get3A_972 = vector.shape_cast %get3A_971 : vector<1x16xf32> to vector<16xf32>
    %add3A_973 = arith.addf %add3A_967, %get3A_972 : vector<16xf32>
    %swap3A_974 = arith.constant 32 : index
    %swap3A_975 = tpu.vector_load %arg12[%swap3A_974] {strides = array<i32>} : memref<128xf32, #tpu.memory_space<vmem>>, vector<16xf32>,
    %swap3A_976 = vector.shape_cast %swap3A_975 : vector<16xf32> to vector<16xf32>
    %swap3A_977 = vector.shape_cast %add3A_973 : vector<16xf32> to vector<16xf32>
    tpu.vector_store %arg12[%swap3A_974], %swap3A_977 {strides = array<i32>} : memref<128xf32, #tpu.memory_space<vmem>>, vector<16xf32>,
    %get3A_978 = arith.constant 0 : i32
    %get3A_979 = arith.index_cast %get3A_978 : i32 to index
    %get3A_980 = arith.constant 48 : index
    %get3A_981 = tpu.vector_load %arg13[%get3A_979, %get3A_980] {strides = array<i32>} : memref<16x128xf32, #tpu.memory_space<vmem>>, vector<1x16xf32>,
    %get3A_982 = vector.shape_cast %get3A_981 : vector<1x16xf32> to vector<16xf32>
    %get3A_983 = arith.constant 1 : i32
    %get3A_984 = arith.index_cast %get3A_983 : i32 to index
    %get3A_985 = arith.constant 48 : index
    %get3A_986 = tpu.vector_load %arg13[%get3A_984, %get3A_985] {strides = array<i32>} : memref<16x128xf32, #tpu.memory_space<vmem>>, vector<1x16xf32>,
    %get3A_987 = vector.shape_cast %get3A_986 : vector<1x16xf32> to vector<16xf32>
    %add3A_988 = arith.addf %get3A_982, %get3A_987 : vector<16xf32>
    %get3A_989 = arith.constant 2 : i32
    %get3A_990 = arith.index_cast %get3A_989 : i32 to index
    %get3A_991 = arith.constant 48 : index
    %get3A_992 = tpu.vector_load %arg13[%get3A_990, %get3A_991] {strides = array<i32>} : memref<16x128xf32, #tpu.memory_space<vmem>>, vector<1x16xf32>,
    %get3A_993 = vector.shape_cast %get3A_992 : vector<1x16xf32> to vector<16xf32>
    %add3A_994 = arith.addf %add3A_988, %get3A_993 : vector<16xf32>
    %get3A_995 = arith.constant 3 : i32
    %get3A_996 = arith.index_cast %get3A_995 : i32 to index
    %get3A_997 = arith.constant 48 : index
    %get3A_998 = tpu.vector_load %arg13[%get3A_996, %get3A_997] {strides = array<i32>} : memref<16x128xf32, #tpu.memory_space<vmem>>, vector<1x16xf32>,
    %get3A_999 = vector.shape_cast %get3A_998 : vector<1x16xf32> to vector<16xf32>
    %add3A_1000 = arith.addf %add3A_994, %get3A_999 : vector<16xf32>
    %get3A_1001 = arith.constant 4 : i32
    %get3A_1002 = arith.index_cast %get3A_1001 : i32 to index
    %get3A_1003 = arith.constant 48 : index
    %get3A_1004 = tpu.vector_load %arg13[%get3A_1002, %get3A_1003] {strides = array<i32>} : memref<16x128xf32, #tpu.memory_space<vmem>>, vector<1x16xf32>,
    %get3A_1005 = vector.shape_cast %get3A_1004 : vector<1x16xf32> to vector<16xf32>
    %add3A_1006 = arith.addf %add3A_1000, %get3A_1005 : vector<16xf32>
    %get3A_1007 = arith.constant 5 : i32
    %get3A_1008 = arith.index_cast %get3A_1007 : i32 to index
    %get3A_1009 = arith.constant 48 : index
    %get3A_1010 = tpu.vector_load %arg13[%get3A_1008, %get3A_1009] {strides = array<i32>} : memref<16x128xf32, #tpu.memory_space<vmem>>, vector<1x16xf32>,
    %get3A_1011 = vector.shape_cast %get3A_1010 : vector<1x16xf32> to vector<16xf32>
    %add3A_1012 = arith.addf %add3A_1006, %get3A_1011 : vector<16xf32>
    %get3A_1013 = arith.constant 6 : i32
    %get3A_1014 = arith.index_cast %get3A_1013 : i32 to index
    %get3A_1015 = arith.constant 48 : index
    %get3A_1016 = tpu.vector_load %arg13[%get3A_1014, %get3A_1015] {strides = array<i32>} : memref<16x128xf32, #tpu.memory_space<vmem>>, vector<1x16xf32>,
    %get3A_1017 = vector.shape_cast %get3A_1016 : vector<1x16xf32> to vector<16xf32>
    %add3A_1018 = arith.addf %add3A_1012, %get3A_1017 : vector<16xf32>
    %get3A_1019 = arith.constant 7 : i32
    %get3A_1020 = arith.index_cast %get3A_1019 : i32 to index
    %get3A_1021 = arith.constant 48 : index
    %get3A_1022 = tpu.vector_load %arg13[%get3A_1020, %get3A_1021] {strides = array<i32>} : memref<16x128xf32, #tpu.memory_space<vmem>>, vector<1x16xf32>,
    %get3A_1023 = vector.shape_cast %get3A_1022 : vector<1x16xf32> to vector<16xf32>
    %add3A_1024 = arith.addf %add3A_1018, %get3A_1023 : vector<16xf32>
    %get3A_1025 = arith.constant 8 : i32
    %get3A_1026 = arith.index_cast %get3A_1025 : i32 to index
    %get3A_1027 = arith.constant 48 : index
    %get3A_1028 = tpu.vector_load %arg13[%get3A_1026, %get3A_1027] {strides = array<i32>} : memref<16x128xf32, #tpu.memory_space<vmem>>, vector<1x16xf32>,
    %get3A_1029 = vector.shape_cast %get3A_1028 : vector<1x16xf32> to vector<16xf32>
    %add3A_1030 = arith.addf %add3A_1024, %get3A_1029 : vector<16xf32>
    %get3A_1031 = arith.constant 9 : i32
    %get3A_1032 = arith.index_cast %get3A_1031 : i32 to index
    %get3A_1033 = arith.constant 48 : index
    %get3A_1034 = tpu.vector_load %arg13[%get3A_1032, %get3A_1033] {strides = array<i32>} : memref<16x128xf32, #tpu.memory_space<vmem>>, vector<1x16xf32>,
    %get3A_1035 = vector.shape_cast %get3A_1034 : vector<1x16xf32> to vector<16xf32>
    %add3A_1036 = arith.addf %add3A_1030, %get3A_1035 : vector<16xf32>
    %get3A_1037 = arith.constant 10 : i32
    %get3A_1038 = arith.index_cast %get3A_1037 : i32 to index
    %get3A_1039 = arith.constant 48 : index
    %get3A_1040 = tpu.vector_load %arg13[%get3A_1038, %get3A_1039] {strides = array<i32>} : memref<16x128xf32, #tpu.memory_space<vmem>>, vector<1x16xf32>,
    %get3A_1041 = vector.shape_cast %get3A_1040 : vector<1x16xf32> to vector<16xf32>
    %add3A_1042 = arith.addf %add3A_1036, %get3A_1041 : vector<16xf32>
    %get3A_1043 = arith.constant 11 : i32
    %get3A_1044 = arith.index_cast %get3A_1043 : i32 to index
    %get3A_1045 = arith.constant 48 : index
    %get3A_1046 = tpu.vector_load %arg13[%get3A_1044, %get3A_1045] {strides = array<i32>} : memref<16x128xf32, #tpu.memory_space<vmem>>, vector<1x16xf32>,
    %get3A_1047 = vector.shape_cast %get3A_1046 : vector<1x16xf32> to vector<16xf32>
    %add3A_1048 = arith.addf %add3A_1042, %get3A_1047 : vector<16xf32>
    %get3A_1049 = arith.constant 12 : i32
    %get3A_1050 = arith.index_cast %get3A_1049 : i32 to index
    %get3A_1051 = arith.constant 48 : index
    %get3A_1052 = tpu.vector_load %arg13[%get3A_1050, %get3A_1051] {strides = array<i32>} : memref<16x128xf32, #tpu.memory_space<vmem>>, vector<1x16xf32>,
    %get3A_1053 = vector.shape_cast %get3A_1052 : vector<1x16xf32> to vector<16xf32>
    %add3A_1054 = arith.addf %add3A_1048, %get3A_1053 : vector<16xf32>
    %get3A_1055 = arith.constant 13 : i32
    %get3A_1056 = arith.index_cast %get3A_1055 : i32 to index
    %get3A_1057 = arith.constant 48 : index
    %get3A_1058 = tpu.vector_load %arg13[%get3A_1056, %get3A_1057] {strides = array<i32>} : memref<16x128xf32, #tpu.memory_space<vmem>>, vector<1x16xf32>,
    %get3A_1059 = vector.shape_cast %get3A_1058 : vector<1x16xf32> to vector<16xf32>
    %add3A_1060 = arith.addf %add3A_1054, %get3A_1059 : vector<16xf32>
    %get3A_1061 = arith.constant 14 : i32
    %get3A_1062 = arith.index_cast %get3A_1061 : i32 to index
    %get3A_1063 = arith.constant 48 : index
    %get3A_1064 = tpu.vector_load %arg13[%get3A_1062, %get3A_1063] {strides = array<i32>} : memref<16x128xf32, #tpu.memory_space<vmem>>, vector<1x16xf32>,
    %get3A_1065 = vector.shape_cast %get3A_1064 : vector<1x16xf32> to vector<16xf32>
    %add3A_1066 = arith.addf %add3A_1060, %get3A_1065 : vector<16xf32>
    %get3A_1067 = arith.constant 15 : i32
    %get3A_1068 = arith.index_cast %get3A_1067 : i32 to index
    %get3A_1069 = arith.constant 48 : index
    %get3A_1070 = tpu.vector_load %arg13[%get3A_1068, %get3A_1069] {strides = array<i32>} : memref<16x128xf32, #tpu.memory_space<vmem>>, vector<1x16xf32>,
    %get3A_1071 = vector.shape_cast %get3A_1070 : vector<1x16xf32> to vector<16xf32>
    %add3A_1072 = arith.addf %add3A_1066, %get3A_1071 : vector<16xf32>
    %swap3A_1073 = arith.constant 48 : index
    %swap3A_1074 = tpu.vector_load %arg12[%swap3A_1073] {strides = array<i32>} : memref<128xf32, #tpu.memory_space<vmem>>, vector<16xf32>,
    %swap3A_1075 = vector.shape_cast %swap3A_1074 : vector<16xf32> to vector<16xf32>
    %swap3A_1076 = vector.shape_cast %add3A_1072 : vector<16xf32> to vector<16xf32>
    tpu.vector_store %arg12[%swap3A_1073], %swap3A_1076 {strides = array<i32>} : memref<128xf32, #tpu.memory_space<vmem>>, vector<16xf32>,
    %get3A_1077 = arith.constant 0 : i32
    %get3A_1078 = arith.index_cast %get3A_1077 : i32 to index
    %get3A_1079 = arith.constant 64 : index
    %get3A_1080 = tpu.vector_load %arg13[%get3A_1078, %get3A_1079] {strides = array<i32>} : memref<16x128xf32, #tpu.memory_space<vmem>>, vector<1x16xf32>,
    %get3A_1081 = vector.shape_cast %get3A_1080 : vector<1x16xf32> to vector<16xf32>
    %get3A_1082 = arith.constant 1 : i32
    %get3A_1083 = arith.index_cast %get3A_1082 : i32 to index
    %get3A_1084 = arith.constant 64 : index
    %get3A_1085 = tpu.vector_load %arg13[%get3A_1083, %get3A_1084] {strides = array<i32>} : memref<16x128xf32, #tpu.memory_space<vmem>>, vector<1x16xf32>,
    %get3A_1086 = vector.shape_cast %get3A_1085 : vector<1x16xf32> to vector<16xf32>
    %add3A_1087 = arith.addf %get3A_1081, %get3A_1086 : vector<16xf32>
    %get3A_1088 = arith.constant 2 : i32
    %get3A_1089 = arith.index_cast %get3A_1088 : i32 to index
    %get3A_1090 = arith.constant 64 : index
    %get3A_1091 = tpu.vector_load %arg13[%get3A_1089, %get3A_1090] {strides = array<i32>} : memref<16x128xf32, #tpu.memory_space<vmem>>, vector<1x16xf32>,
    %get3A_1092 = vector.shape_cast %get3A_1091 : vector<1x16xf32> to vector<16xf32>
    %add3A_1093 = arith.addf %add3A_1087, %get3A_1092 : vector<16xf32>
    %get3A_1094 = arith.constant 3 : i32
    %get3A_1095 = arith.index_cast %get3A_1094 : i32 to index
    %get3A_1096 = arith.constant 64 : index
    %get3A_1097 = tpu.vector_load %arg13[%get3A_1095, %get3A_1096] {strides = array<i32>} : memref<16x128xf32, #tpu.memory_space<vmem>>, vector<1x16xf32>,
    %get3A_1098 = vector.shape_cast %get3A_1097 : vector<1x16xf32> to vector<16xf32>
    %add3A_1099 = arith.addf %add3A_1093, %get3A_1098 : vector<16xf32>
    %get3A_1100 = arith.constant 4 : i32
    %get3A_1101 = arith.index_cast %get3A_1100 : i32 to index
    %get3A_1102 = arith.constant 64 : index
    %get3A_1103 = tpu.vector_load %arg13[%get3A_1101, %get3A_1102] {strides = array<i32>} : memref<16x128xf32, #tpu.memory_space<vmem>>, vector<1x16xf32>,
    %get3A_1104 = vector.shape_cast %get3A_1103 : vector<1x16xf32> to vector<16xf32>
    %add3A_1105 = arith.addf %add3A_1099, %get3A_1104 : vector<16xf32>
    %get3A_1106 = arith.constant 5 : i32
    %get3A_1107 = arith.index_cast %get3A_1106 : i32 to index
    %get3A_1108 = arith.constant 64 : index
    %get3A_1109 = tpu.vector_load %arg13[%get3A_1107, %get3A_1108] {strides = array<i32>} : memref<16x128xf32, #tpu.memory_space<vmem>>, vector<1x16xf32>,
    %get3A_1110 = vector.shape_cast %get3A_1109 : vector<1x16xf32> to vector<16xf32>
    %add3A_1111 = arith.addf %add3A_1105, %get3A_1110 : vector<16xf32>
    %get3A_1112 = arith.constant 6 : i32
    %get3A_1113 = arith.index_cast %get3A_1112 : i32 to index
    %get3A_1114 = arith.constant 64 : index
    %get3A_1115 = tpu.vector_load %arg13[%get3A_1113, %get3A_1114] {strides = array<i32>} : memref<16x128xf32, #tpu.memory_space<vmem>>, vector<1x16xf32>,
    %get3A_1116 = vector.shape_cast %get3A_1115 : vector<1x16xf32> to vector<16xf32>
    %add3A_1117 = arith.addf %add3A_1111, %get3A_1116 : vector<16xf32>
    %get3A_1118 = arith.constant 7 : i32
    %get3A_1119 = arith.index_cast %get3A_1118 : i32 to index
    %get3A_1120 = arith.constant 64 : index
    %get3A_1121 = tpu.vector_load %arg13[%get3A_1119, %get3A_1120] {strides = array<i32>} : memref<16x128xf32, #tpu.memory_space<vmem>>, vector<1x16xf32>,
    %get3A_1122 = vector.shape_cast %get3A_1121 : vector<1x16xf32> to vector<16xf32>
    %add3A_1123 = arith.addf %add3A_1117, %get3A_1122 : vector<16xf32>
    %get3A_1124 = arith.constant 8 : i32
    %get3A_1125 = arith.index_cast %get3A_1124 : i32 to index
    %get3A_1126 = arith.constant 64 : index
    %get3A_1127 = tpu.vector_load %arg13[%get3A_1125, %get3A_1126] {strides = array<i32>} : memref<16x128xf32, #tpu.memory_space<vmem>>, vector<1x16xf32>,
    %get3A_1128 = vector.shape_cast %get3A_1127 : vector<1x16xf32> to vector<16xf32>
    %add3A_1129 = arith.addf %add3A_1123, %get3A_1128 : vector<16xf32>
    %get3A_1130 = arith.constant 9 : i32
    %get3A_1131 = arith.index_cast %get3A_1130 : i32 to index
    %get3A_1132 = arith.constant 64 : index
    %get3A_1133 = tpu.vector_load %arg13[%get3A_1131, %get3A_1132] {strides = array<i32>} : memref<16x128xf32, #tpu.memory_space<vmem>>, vector<1x16xf32>,
    %get3A_1134 = vector.shape_cast %get3A_1133 : vector<1x16xf32> to vector<16xf32>
    %add3A_1135 = arith.addf %add3A_1129, %get3A_1134 : vector<16xf32>
    %get3A_1136 = arith.constant 10 : i32
    %get3A_1137 = arith.index_cast %get3A_1136 : i32 to index
    %get3A_1138 = arith.constant 64 : index
    %get3A_1139 = tpu.vector_load %arg13[%get3A_1137, %get3A_1138] {strides = array<i32>} : memref<16x128xf32, #tpu.memory_space<vmem>>, vector<1x16xf32>,
    %get3A_1140 = vector.shape_cast %get3A_1139 : vector<1x16xf32> to vector<16xf32>
    %add3A_1141 = arith.addf %add3A_1135, %get3A_1140 : vector<16xf32>
    %get3A_1142 = arith.constant 11 : i32
    %get3A_1143 = arith.index_cast %get3A_1142 : i32 to index
    %get3A_1144 = arith.constant 64 : index
    %get3A_1145 = tpu.vector_load %arg13[%get3A_1143, %get3A_1144] {strides = array<i32>} : memref<16x128xf32, #tpu.memory_space<vmem>>, vector<1x16xf32>,
    %get3A_1146 = vector.shape_cast %get3A_1145 : vector<1x16xf32> to vector<16xf32>
    %add3A_1147 = arith.addf %add3A_1141, %get3A_1146 : vector<16xf32>
    %get3A_1148 = arith.constant 12 : i32
    %get3A_1149 = arith.index_cast %get3A_1148 : i32 to index
    %get3A_1150 = arith.constant 64 : index
    %get3A_1151 = tpu.vector_load %arg13[%get3A_1149, %get3A_1150] {strides = array<i32>} : memref<16x128xf32, #tpu.memory_space<vmem>>, vector<1x16xf32>,
    %get3A_1152 = vector.shape_cast %get3A_1151 : vector<1x16xf32> to vector<16xf32>
    %add3A_1153 = arith.addf %add3A_1147, %get3A_1152 : vector<16xf32>
    %get3A_1154 = arith.constant 13 : i32
    %get3A_1155 = arith.index_cast %get3A_1154 : i32 to index
    %get3A_1156 = arith.constant 64 : index
    %get3A_1157 = tpu.vector_load %arg13[%get3A_1155, %get3A_1156] {strides = array<i32>} : memref<16x128xf32, #tpu.memory_space<vmem>>, vector<1x16xf32>,
    %get3A_1158 = vector.shape_cast %get3A_1157 : vector<1x16xf32> to vector<16xf32>
    %add3A_1159 = arith.addf %add3A_1153, %get3A_1158 : vector<16xf32>
    %get3A_1160 = arith.constant 14 : i32
    %get3A_1161 = arith.index_cast %get3A_1160 : i32 to index
    %get3A_1162 = arith.constant 64 : index
    %get3A_1163 = tpu.vector_load %arg13[%get3A_1161, %get3A_1162] {strides = array<i32>} : memref<16x128xf32, #tpu.memory_space<vmem>>, vector<1x16xf32>,
    %get3A_1164 = vector.shape_cast %get3A_1163 : vector<1x16xf32> to vector<16xf32>
    %add3A_1165 = arith.addf %add3A_1159, %get3A_1164 : vector<16xf32>
    %get3A_1166 = arith.constant 15 : i32
    %get3A_1167 = arith.index_cast %get3A_1166 : i32 to index
    %get3A_1168 = arith.constant 64 : index
    %get3A_1169 = tpu.vector_load %arg13[%get3A_1167, %get3A_1168] {strides = array<i32>} : memref<16x128xf32, #tpu.memory_space<vmem>>, vector<1x16xf32>,
    %get3A_1170 = vector.shape_cast %get3A_1169 : vector<1x16xf32> to vector<16xf32>
    %add3A_1171 = arith.addf %add3A_1165, %get3A_1170 : vector<16xf32>
    %swap3A_1172 = arith.constant 64 : index
    %swap3A_1173 = tpu.vector_load %arg12[%swap3A_1172] {strides = array<i32>} : memref<128xf32, #tpu.memory_space<vmem>>, vector<16xf32>,
    %swap3A_1174 = vector.shape_cast %swap3A_1173 : vector<16xf32> to vector<16xf32>
    %swap3A_1175 = vector.shape_cast %add3A_1171 : vector<16xf32> to vector<16xf32>
    tpu.vector_store %arg12[%swap3A_1172], %swap3A_1175 {strides = array<i32>} : memref<128xf32, #tpu.memory_space<vmem>>, vector<16xf32>,
    %get3A_1176 = arith.constant 0 : i32
    %get3A_1177 = arith.index_cast %get3A_1176 : i32 to index
    %get3A_1178 = arith.constant 80 : index
    %get3A_1179 = tpu.vector_load %arg13[%get3A_1177, %get3A_1178] {strides = array<i32>} : memref<16x128xf32, #tpu.memory_space<vmem>>, vector<1x16xf32>,
    %get3A_1180 = vector.shape_cast %get3A_1179 : vector<1x16xf32> to vector<16xf32>
    %get3A_1181 = arith.constant 1 : i32
    %get3A_1182 = arith.index_cast %get3A_1181 : i32 to index
    %get3A_1183 = arith.constant 80 : index
    %get3A_1184 = tpu.vector_load %arg13[%get3A_1182, %get3A_1183] {strides = array<i32>} : memref<16x128xf32, #tpu.memory_space<vmem>>, vector<1x16xf32>,
    %get3A_1185 = vector.shape_cast %get3A_1184 : vector<1x16xf32> to vector<16xf32>
    %add3A_1186 = arith.addf %get3A_1180, %get3A_1185 : vector<16xf32>
    %get3A_1187 = arith.constant 2 : i32
    %get3A_1188 = arith.index_cast %get3A_1187 : i32 to index
    %get3A_1189 = arith.constant 80 : index
    %get3A_1190 = tpu.vector_load %arg13[%get3A_1188, %get3A_1189] {strides = array<i32>} : memref<16x128xf32, #tpu.memory_space<vmem>>, vector<1x16xf32>,
    %get3A_1191 = vector.shape_cast %get3A_1190 : vector<1x16xf32> to vector<16xf32>
    %add3A_1192 = arith.addf %add3A_1186, %get3A_1191 : vector<16xf32>
    %get3A_1193 = arith.constant 3 : i32
    %get3A_1194 = arith.index_cast %get3A_1193 : i32 to index
    %get3A_1195 = arith.constant 80 : index
    %get3A_1196 = tpu.vector_load %arg13[%get3A_1194, %get3A_1195] {strides = array<i32>} : memref<16x128xf32, #tpu.memory_space<vmem>>, vector<1x16xf32>,
    %get3A_1197 = vector.shape_cast %get3A_1196 : vector<1x16xf32> to vector<16xf32>
    %add3A_1198 = arith.addf %add3A_1192, %get3A_1197 : vector<16xf32>
    %get3A_1199 = arith.constant 4 : i32
    %get3A_1200 = arith.index_cast %get3A_1199 : i32 to index
    %get3A_1201 = arith.constant 80 : index
    %get3A_1202 = tpu.vector_load %arg13[%get3A_1200, %get3A_1201] {strides = array<i32>} : memref<16x128xf32, #tpu.memory_space<vmem>>, vector<1x16xf32>,
    %get3A_1203 = vector.shape_cast %get3A_1202 : vector<1x16xf32> to vector<16xf32>
    %add3A_1204 = arith.addf %add3A_1198, %get3A_1203 : vector<16xf32>
    %get3A_1205 = arith.constant 5 : i32
    %get3A_1206 = arith.index_cast %get3A_1205 : i32 to index
    %get3A_1207 = arith.constant 80 : index
    %get3A_1208 = tpu.vector_load %arg13[%get3A_1206, %get3A_1207] {strides = array<i32>} : memref<16x128xf32, #tpu.memory_space<vmem>>, vector<1x16xf32>,
    %get3A_1209 = vector.shape_cast %get3A_1208 : vector<1x16xf32> to vector<16xf32>
    %add3A_1210 = arith.addf %add3A_1204, %get3A_1209 : vector<16xf32>
    %get3A_1211 = arith.constant 6 : i32
    %get3A_1212 = arith.index_cast %get3A_1211 : i32 to index
    %get3A_1213 = arith.constant 80 : index
    %get3A_1214 = tpu.vector_load %arg13[%get3A_1212, %get3A_1213] {strides = array<i32>} : memref<16x128xf32, #tpu.memory_space<vmem>>, vector<1x16xf32>,
    %get3A_1215 = vector.shape_cast %get3A_1214 : vector<1x16xf32> to vector<16xf32>
    %add3A_1216 = arith.addf %add3A_1210, %get3A_1215 : vector<16xf32>
    %get3A_1217 = arith.constant 7 : i32
    %get3A_1218 = arith.index_cast %get3A_1217 : i32 to index
    %get3A_1219 = arith.constant 80 : index
    %get3A_1220 = tpu.vector_load %arg13[%get3A_1218, %get3A_1219] {strides = array<i32>} : memref<16x128xf32, #tpu.memory_space<vmem>>, vector<1x16xf32>,
    %get3A_1221 = vector.shape_cast %get3A_1220 : vector<1x16xf32> to vector<16xf32>
    %add3A_1222 = arith.addf %add3A_1216, %get3A_1221 : vector<16xf32>
    %get3A_1223 = arith.constant 8 : i32
    %get3A_1224 = arith.index_cast %get3A_1223 : i32 to index
    %get3A_1225 = arith.constant 80 : index
    %get3A_1226 = tpu.vector_load %arg13[%get3A_1224, %get3A_1225] {strides = array<i32>} : memref<16x128xf32, #tpu.memory_space<vmem>>, vector<1x16xf32>,
    %get3A_1227 = vector.shape_cast %get3A_1226 : vector<1x16xf32> to vector<16xf32>
    %add3A_1228 = arith.addf %add3A_1222, %get3A_1227 : vector<16xf32>
    %get3A_1229 = arith.constant 9 : i32
    %get3A_1230 = arith.index_cast %get3A_1229 : i32 to index
    %get3A_1231 = arith.constant 80 : index
    %get3A_1232 = tpu.vector_load %arg13[%get3A_1230, %get3A_1231] {strides = array<i32>} : memref<16x128xf32, #tpu.memory_space<vmem>>, vector<1x16xf32>,
    %get3A_1233 = vector.shape_cast %get3A_1232 : vector<1x16xf32> to vector<16xf32>
    %add3A_1234 = arith.addf %add3A_1228, %get3A_1233 : vector<16xf32>
    %get3A_1235 = arith.constant 10 : i32
    %get3A_1236 = arith.index_cast %get3A_1235 : i32 to index
    %get3A_1237 = arith.constant 80 : index
    %get3A_1238 = tpu.vector_load %arg13[%get3A_1236, %get3A_1237] {strides = array<i32>} : memref<16x128xf32, #tpu.memory_space<vmem>>, vector<1x16xf32>,
    %get3A_1239 = vector.shape_cast %get3A_1238 : vector<1x16xf32> to vector<16xf32>
    %add3A_1240 = arith.addf %add3A_1234, %get3A_1239 : vector<16xf32>
    %get3A_1241 = arith.constant 11 : i32
    %get3A_1242 = arith.index_cast %get3A_1241 : i32 to index
    %get3A_1243 = arith.constant 80 : index
    %get3A_1244 = tpu.vector_load %arg13[%get3A_1242, %get3A_1243] {strides = array<i32>} : memref<16x128xf32, #tpu.memory_space<vmem>>, vector<1x16xf32>,
    %get3A_1245 = vector.shape_cast %get3A_1244 : vector<1x16xf32> to vector<16xf32>
    %add3A_1246 = arith.addf %add3A_1240, %get3A_1245 : vector<16xf32>
    %get3A_1247 = arith.constant 12 : i32
    %get3A_1248 = arith.index_cast %get3A_1247 : i32 to index
    %get3A_1249 = arith.constant 80 : index
    %get3A_1250 = tpu.vector_load %arg13[%get3A_1248, %get3A_1249] {strides = array<i32>} : memref<16x128xf32, #tpu.memory_space<vmem>>, vector<1x16xf32>,
    %get3A_1251 = vector.shape_cast %get3A_1250 : vector<1x16xf32> to vector<16xf32>
    %add3A_1252 = arith.addf %add3A_1246, %get3A_1251 : vector<16xf32>
    %get3A_1253 = arith.constant 13 : i32
    %get3A_1254 = arith.index_cast %get3A_1253 : i32 to index
    %get3A_1255 = arith.constant 80 : index
    %get3A_1256 = tpu.vector_load %arg13[%get3A_1254, %get3A_1255] {strides = array<i32>} : memref<16x128xf32, #tpu.memory_space<vmem>>, vector<1x16xf32>,
    %get3A_1257 = vector.shape_cast %get3A_1256 : vector<1x16xf32> to vector<16xf32>
    %add3A_1258 = arith.addf %add3A_1252, %get3A_1257 : vector<16xf32>
    %get3A_1259 = arith.constant 14 : i32
    %get3A_1260 = arith.index_cast %get3A_1259 : i32 to index
    %get3A_1261 = arith.constant 80 : index
    %get3A_1262 = tpu.vector_load %arg13[%get3A_1260, %get3A_1261] {strides = array<i32>} : memref<16x128xf32, #tpu.memory_space<vmem>>, vector<1x16xf32>,
    %get3A_1263 = vector.shape_cast %get3A_1262 : vector<1x16xf32> to vector<16xf32>
    %add3A_1264 = arith.addf %add3A_1258, %get3A_1263 : vector<16xf32>
    %get3A_1265 = arith.constant 15 : i32
    %get3A_1266 = arith.index_cast %get3A_1265 : i32 to index
    %get3A_1267 = arith.constant 80 : index
    %get3A_1268 = tpu.vector_load %arg13[%get3A_1266, %get3A_1267] {strides = array<i32>} : memref<16x128xf32, #tpu.memory_space<vmem>>, vector<1x16xf32>,
    %get3A_1269 = vector.shape_cast %get3A_1268 : vector<1x16xf32> to vector<16xf32>
    %add3A_1270 = arith.addf %add3A_1264, %get3A_1269 : vector<16xf32>
    %swap3A_1271 = arith.constant 80 : index
    %swap3A_1272 = tpu.vector_load %arg12[%swap3A_1271] {strides = array<i32>} : memref<128xf32, #tpu.memory_space<vmem>>, vector<16xf32>,
    %swap3A_1273 = vector.shape_cast %swap3A_1272 : vector<16xf32> to vector<16xf32>
    %swap3A_1274 = vector.shape_cast %add3A_1270 : vector<16xf32> to vector<16xf32>
    tpu.vector_store %arg12[%swap3A_1271], %swap3A_1274 {strides = array<i32>} : memref<128xf32, #tpu.memory_space<vmem>>, vector<16xf32>,
    %get3A_1275 = arith.constant 0 : i32
    %get3A_1276 = arith.index_cast %get3A_1275 : i32 to index
    %get3A_1277 = arith.constant 96 : index
    %get3A_1278 = tpu.vector_load %arg13[%get3A_1276, %get3A_1277] {strides = array<i32>} : memref<16x128xf32, #tpu.memory_space<vmem>>, vector<1x16xf32>,
    %get3A_1279 = vector.shape_cast %get3A_1278 : vector<1x16xf32> to vector<16xf32>
    %get3A_1280 = arith.constant 1 : i32
    %get3A_1281 = arith.index_cast %get3A_1280 : i32 to index
    %get3A_1282 = arith.constant 96 : index
    %get3A_1283 = tpu.vector_load %arg13[%get3A_1281, %get3A_1282] {strides = array<i32>} : memref<16x128xf32, #tpu.memory_space<vmem>>, vector<1x16xf32>,
    %get3A_1284 = vector.shape_cast %get3A_1283 : vector<1x16xf32> to vector<16xf32>
    %add3A_1285 = arith.addf %get3A_1279, %get3A_1284 : vector<16xf32>
    %get3A_1286 = arith.constant 2 : i32
    %get3A_1287 = arith.index_cast %get3A_1286 : i32 to index
    %get3A_1288 = arith.constant 96 : index
    %get3A_1289 = tpu.vector_load %arg13[%get3A_1287, %get3A_1288] {strides = array<i32>} : memref<16x128xf32, #tpu.memory_space<vmem>>, vector<1x16xf32>,
    %get3A_1290 = vector.shape_cast %get3A_1289 : vector<1x16xf32> to vector<16xf32>
    %add3A_1291 = arith.addf %add3A_1285, %get3A_1290 : vector<16xf32>
    %get3A_1292 = arith.constant 3 : i32
    %get3A_1293 = arith.index_cast %get3A_1292 : i32 to index
    %get3A_1294 = arith.constant 96 : index
    %get3A_1295 = tpu.vector_load %arg13[%get3A_1293, %get3A_1294] {strides = array<i32>} : memref<16x128xf32, #tpu.memory_space<vmem>>, vector<1x16xf32>,
    %get3A_1296 = vector.shape_cast %get3A_1295 : vector<1x16xf32> to vector<16xf32>
    %add3A_1297 = arith.addf %add3A_1291, %get3A_1296 : vector<16xf32>
    %get3A_1298 = arith.constant 4 : i32
    %get3A_1299 = arith.index_cast %get3A_1298 : i32 to index
    %get3A_1300 = arith.constant 96 : index
    %get3A_1301 = tpu.vector_load %arg13[%get3A_1299, %get3A_1300] {strides = array<i32>} : memref<16x128xf32, #tpu.memory_space<vmem>>, vector<1x16xf32>,
    %get3A_1302 = vector.shape_cast %get3A_1301 : vector<1x16xf32> to vector<16xf32>
    %add3A_1303 = arith.addf %add3A_1297, %get3A_1302 : vector<16xf32>
    %get3A_1304 = arith.constant 5 : i32
    %get3A_1305 = arith.index_cast %get3A_1304 : i32 to index
    %get3A_1306 = arith.constant 96 : index
    %get3A_1307 = tpu.vector_load %arg13[%get3A_1305, %get3A_1306] {strides = array<i32>} : memref<16x128xf32, #tpu.memory_space<vmem>>, vector<1x16xf32>,
    %get3A_1308 = vector.shape_cast %get3A_1307 : vector<1x16xf32> to vector<16xf32>
    %add3A_1309 = arith.addf %add3A_1303, %get3A_1308 : vector<16xf32>
    %get3A_1310 = arith.constant 6 : i32
    %get3A_1311 = arith.index_cast %get3A_1310 : i32 to index
    %get3A_1312 = arith.constant 96 : index
    %get3A_1313 = tpu.vector_load %arg13[%get3A_1311, %get3A_1312] {strides = array<i32>} : memref<16x128xf32, #tpu.memory_space<vmem>>, vector<1x16xf32>,
    %get3A_1314 = vector.shape_cast %get3A_1313 : vector<1x16xf32> to vector<16xf32>
    %add3A_1315 = arith.addf %add3A_1309, %get3A_1314 : vector<16xf32>
    %get3A_1316 = arith.constant 7 : i32
    %get3A_1317 = arith.index_cast %get3A_1316 : i32 to index
    %get3A_1318 = arith.constant 96 : index
    %get3A_1319 = tpu.vector_load %arg13[%get3A_1317, %get3A_1318] {strides = array<i32>} : memref<16x128xf32, #tpu.memory_space<vmem>>, vector<1x16xf32>,
    %get3A_1320 = vector.shape_cast %get3A_1319 : vector<1x16xf32> to vector<16xf32>
    %add3A_1321 = arith.addf %add3A_1315, %get3A_1320 : vector<16xf32>
    %get3A_1322 = arith.constant 8 : i32
    %get3A_1323 = arith.index_cast %get3A_1322 : i32 to index
    %get3A_1324 = arith.constant 96 : index
    %get3A_1325 = tpu.vector_load %arg13[%get3A_1323, %get3A_1324] {strides = array<i32>} : memref<16x128xf32, #tpu.memory_space<vmem>>, vector<1x16xf32>,
    %get3A_1326 = vector.shape_cast %get3A_1325 : vector<1x16xf32> to vector<16xf32>
    %add3A_1327 = arith.addf %add3A_1321, %get3A_1326 : vector<16xf32>
    %get3A_1328 = arith.constant 9 : i32
    %get3A_1329 = arith.index_cast %get3A_1328 : i32 to index
    %get3A_1330 = arith.constant 96 : index
    %get3A_1331 = tpu.vector_load %arg13[%get3A_1329, %get3A_1330] {strides = array<i32>} : memref<16x128xf32, #tpu.memory_space<vmem>>, vector<1x16xf32>,
    %get3A_1332 = vector.shape_cast %get3A_1331 : vector<1x16xf32> to vector<16xf32>
    %add3A_1333 = arith.addf %add3A_1327, %get3A_1332 : vector<16xf32>
    %get3A_1334 = arith.constant 10 : i32
    %get3A_1335 = arith.index_cast %get3A_1334 : i32 to index
    %get3A_1336 = arith.constant 96 : index
    %get3A_1337 = tpu.vector_load %arg13[%get3A_1335, %get3A_1336] {strides = array<i32>} : memref<16x128xf32, #tpu.memory_space<vmem>>, vector<1x16xf32>,
    %get3A_1338 = vector.shape_cast %get3A_1337 : vector<1x16xf32> to vector<16xf32>
    %add3A_1339 = arith.addf %add3A_1333, %get3A_1338 : vector<16xf32>
    %get3A_1340 = arith.constant 11 : i32
    %get3A_1341 = arith.index_cast %get3A_1340 : i32 to index
    %get3A_1342 = arith.constant 96 : index
    %get3A_1343 = tpu.vector_load %arg13[%get3A_1341, %get3A_1342] {strides = array<i32>} : memref<16x128xf32, #tpu.memory_space<vmem>>, vector<1x16xf32>,
    %get3A_1344 = vector.shape_cast %get3A_1343 : vector<1x16xf32> to vector<16xf32>
    %add3A_1345 = arith.addf %add3A_1339, %get3A_1344 : vector<16xf32>
    %get3A_1346 = arith.constant 12 : i32
    %get3A_1347 = arith.index_cast %get3A_1346 : i32 to index
    %get3A_1348 = arith.constant 96 : index
    %get3A_1349 = tpu.vector_load %arg13[%get3A_1347, %get3A_1348] {strides = array<i32>} : memref<16x128xf32, #tpu.memory_space<vmem>>, vector<1x16xf32>,
    %get3A_1350 = vector.shape_cast %get3A_1349 : vector<1x16xf32> to vector<16xf32>
    %add3A_1351 = arith.addf %add3A_1345, %get3A_1350 : vector<16xf32>
    %get3A_1352 = arith.constant 13 : i32
    %get3A_1353 = arith.index_cast %get3A_1352 : i32 to index
    %get3A_1354 = arith.constant 96 : index
    %get3A_1355 = tpu.vector_load %arg13[%get3A_1353, %get3A_1354] {strides = array<i32>} : memref<16x128xf32, #tpu.memory_space<vmem>>, vector<1x16xf32>,
    %get3A_1356 = vector.shape_cast %get3A_1355 : vector<1x16xf32> to vector<16xf32>
    %add3A_1357 = arith.addf %add3A_1351, %get3A_1356 : vector<16xf32>
    %get3A_1358 = arith.constant 14 : i32
    %get3A_1359 = arith.index_cast %get3A_1358 : i32 to index
    %get3A_1360 = arith.constant 96 : index
    %get3A_1361 = tpu.vector_load %arg13[%get3A_1359, %get3A_1360] {strides = array<i32>} : memref<16x128xf32, #tpu.memory_space<vmem>>, vector<1x16xf32>,
    %get3A_1362 = vector.shape_cast %get3A_1361 : vector<1x16xf32> to vector<16xf32>
    %add3A_1363 = arith.addf %add3A_1357, %get3A_1362 : vector<16xf32>
    %get3A_1364 = arith.constant 15 : i32
    %get3A_1365 = arith.index_cast %get3A_1364 : i32 to index
    %get3A_1366 = arith.constant 96 : index
    %get3A_1367 = tpu.vector_load %arg13[%get3A_1365, %get3A_1366] {strides = array<i32>} : memref<16x128xf32, #tpu.memory_space<vmem>>, vector<1x16xf32>,
    %get3A_1368 = vector.shape_cast %get3A_1367 : vector<1x16xf32> to vector<16xf32>
    %add3A_1369 = arith.addf %add3A_1363, %get3A_1368 : vector<16xf32>
    %swap3A_1370 = arith.constant 96 : index
    %swap3A_1371 = tpu.vector_load %arg12[%swap3A_1370] {strides = array<i32>} : memref<128xf32, #tpu.memory_space<vmem>>, vector<16xf32>,
    %swap3A_1372 = vector.shape_cast %swap3A_1371 : vector<16xf32> to vector<16xf32>
    %swap3A_1373 = vector.shape_cast %add3A_1369 : vector<16xf32> to vector<16xf32>
    tpu.vector_store %arg12[%swap3A_1370], %swap3A_1373 {strides = array<i32>} : memref<128xf32, #tpu.memory_space<vmem>>, vector<16xf32>,
    %get3A_1374 = arith.constant 0 : i32
    %get3A_1375 = arith.index_cast %get3A_1374 : i32 to index
    %get3A_1376 = arith.constant 112 : index
    %get3A_1377 = tpu.vector_load %arg13[%get3A_1375, %get3A_1376] {strides = array<i32>} : memref<16x128xf32, #tpu.memory_space<vmem>>, vector<1x16xf32>,
    %get3A_1378 = vector.shape_cast %get3A_1377 : vector<1x16xf32> to vector<16xf32>
    %get3A_1379 = arith.constant 1 : i32
    %get3A_1380 = arith.index_cast %get3A_1379 : i32 to index
    %get3A_1381 = arith.constant 112 : index
    %get3A_1382 = tpu.vector_load %arg13[%get3A_1380, %get3A_1381] {strides = array<i32>} : memref<16x128xf32, #tpu.memory_space<vmem>>, vector<1x16xf32>,
    %get3A_1383 = vector.shape_cast %get3A_1382 : vector<1x16xf32> to vector<16xf32>
    %add3A_1384 = arith.addf %get3A_1378, %get3A_1383 : vector<16xf32>
    %get3A_1385 = arith.constant 2 : i32
    %get3A_1386 = arith.index_cast %get3A_1385 : i32 to index
    %get3A_1387 = arith.constant 112 : index
    %get3A_1388 = tpu.vector_load %arg13[%get3A_1386, %get3A_1387] {strides = array<i32>} : memref<16x128xf32, #tpu.memory_space<vmem>>, vector<1x16xf32>,
    %get3A_1389 = vector.shape_cast %get3A_1388 : vector<1x16xf32> to vector<16xf32>
    %add3A_1390 = arith.addf %add3A_1384, %get3A_1389 : vector<16xf32>
    %get3A_1391 = arith.constant 3 : i32
    %get3A_1392 = arith.index_cast %get3A_1391 : i32 to index
    %get3A_1393 = arith.constant 112 : index
    %get3A_1394 = tpu.vector_load %arg13[%get3A_1392, %get3A_1393] {strides = array<i32>} : memref<16x128xf32, #tpu.memory_space<vmem>>, vector<1x16xf32>,
    %get3A_1395 = vector.shape_cast %get3A_1394 : vector<1x16xf32> to vector<16xf32>
    %add3A_1396 = arith.addf %add3A_1390, %get3A_1395 : vector<16xf32>
    %get3A_1397 = arith.constant 4 : i32
    %get3A_1398 = arith.index_cast %get3A_1397 : i32 to index
    %get3A_1399 = arith.constant 112 : index
    %get3A_1400 = tpu.vector_load %arg13[%get3A_1398, %get3A_1399] {strides = array<i32>} : memref<16x128xf32, #tpu.memory_space<vmem>>, vector<1x16xf32>,
    %get3A_1401 = vector.shape_cast %get3A_1400 : vector<1x16xf32> to vector<16xf32>
    %add3A_1402 = arith.addf %add3A_1396, %get3A_1401 : vector<16xf32>
    %get3A_1403 = arith.constant 5 : i32
    %get3A_1404 = arith.index_cast %get3A_1403 : i32 to index
    %get3A_1405 = arith.constant 112 : index
    %get3A_1406 = tpu.vector_load %arg13[%get3A_1404, %get3A_1405] {strides = array<i32>} : memref<16x128xf32, #tpu.memory_space<vmem>>, vector<1x16xf32>,
    %get3A_1407 = vector.shape_cast %get3A_1406 : vector<1x16xf32> to vector<16xf32>
    %add3A_1408 = arith.addf %add3A_1402, %get3A_1407 : vector<16xf32>
    %get3A_1409 = arith.constant 6 : i32
    %get3A_1410 = arith.index_cast %get3A_1409 : i32 to index
    %get3A_1411 = arith.constant 112 : index
    %get3A_1412 = tpu.vector_load %arg13[%get3A_1410, %get3A_1411] {strides = array<i32>} : memref<16x128xf32, #tpu.memory_space<vmem>>, vector<1x16xf32>,
    %get3A_1413 = vector.shape_cast %get3A_1412 : vector<1x16xf32> to vector<16xf32>
    %add3A_1414 = arith.addf %add3A_1408, %get3A_1413 : vector<16xf32>
    %get3A_1415 = arith.constant 7 : i32
    %get3A_1416 = arith.index_cast %get3A_1415 : i32 to index
    %get3A_1417 = arith.constant 112 : index
    %get3A_1418 = tpu.vector_load %arg13[%get3A_1416, %get3A_1417] {strides = array<i32>} : memref<16x128xf32, #tpu.memory_space<vmem>>, vector<1x16xf32>,
    %get3A_1419 = vector.shape_cast %get3A_1418 : vector<1x16xf32> to vector<16xf32>
    %add3A_1420 = arith.addf %add3A_1414, %get3A_1419 : vector<16xf32>
    %get3A_1421 = arith.constant 8 : i32
    %get3A_1422 = arith.index_cast %get3A_1421 : i32 to index
    %get3A_1423 = arith.constant 112 : index
    %get3A_1424 = tpu.vector_load %arg13[%get3A_1422, %get3A_1423] {strides = array<i32>} : memref<16x128xf32, #tpu.memory_space<vmem>>, vector<1x16xf32>,
    %get3A_1425 = vector.shape_cast %get3A_1424 : vector<1x16xf32> to vector<16xf32>
    %add3A_1426 = arith.addf %add3A_1420, %get3A_1425 : vector<16xf32>
    %get3A_1427 = arith.constant 9 : i32
    %get3A_1428 = arith.index_cast %get3A_1427 : i32 to index
    %get3A_1429 = arith.constant 112 : index
    %get3A_1430 = tpu.vector_load %arg13[%get3A_1428, %get3A_1429] {strides = array<i32>} : memref<16x128xf32, #tpu.memory_space<vmem>>, vector<1x16xf32>,
    %get3A_1431 = vector.shape_cast %get3A_1430 : vector<1x16xf32> to vector<16xf32>
    %add3A_1432 = arith.addf %add3A_1426, %get3A_1431 : vector<16xf32>
    %get3A_1433 = arith.constant 10 : i32
    %get3A_1434 = arith.index_cast %get3A_1433 : i32 to index
    %get3A_1435 = arith.constant 112 : index
    %get3A_1436 = tpu.vector_load %arg13[%get3A_1434, %get3A_1435] {strides = array<i32>} : memref<16x128xf32, #tpu.memory_space<vmem>>, vector<1x16xf32>,
    %get3A_1437 = vector.shape_cast %get3A_1436 : vector<1x16xf32> to vector<16xf32>
    %add3A_1438 = arith.addf %add3A_1432, %get3A_1437 : vector<16xf32>
    %get3A_1439 = arith.constant 11 : i32
    %get3A_1440 = arith.index_cast %get3A_1439 : i32 to index
    %get3A_1441 = arith.constant 112 : index
    %get3A_1442 = tpu.vector_load %arg13[%get3A_1440, %get3A_1441] {strides = array<i32>} : memref<16x128xf32, #tpu.memory_space<vmem>>, vector<1x16xf32>,
    %get3A_1443 = vector.shape_cast %get3A_1442 : vector<1x16xf32> to vector<16xf32>
    %add3A_1444 = arith.addf %add3A_1438, %get3A_1443 : vector<16xf32>
    %get3A_1445 = arith.constant 12 : i32
    %get3A_1446 = arith.index_cast %get3A_1445 : i32 to index
    %get3A_1447 = arith.constant 112 : index
    %get3A_1448 = tpu.vector_load %arg13[%get3A_1446, %get3A_1447] {strides = array<i32>} : memref<16x128xf32, #tpu.memory_space<vmem>>, vector<1x16xf32>,
    %get3A_1449 = vector.shape_cast %get3A_1448 : vector<1x16xf32> to vector<16xf32>
    %add3A_1450 = arith.addf %add3A_1444, %get3A_1449 : vector<16xf32>
    %get3A_1451 = arith.constant 13 : i32
    %get3A_1452 = arith.index_cast %get3A_1451 : i32 to index
    %get3A_1453 = arith.constant 112 : index
    %get3A_1454 = tpu.vector_load %arg13[%get3A_1452, %get3A_1453] {strides = array<i32>} : memref<16x128xf32, #tpu.memory_space<vmem>>, vector<1x16xf32>,
    %get3A_1455 = vector.shape_cast %get3A_1454 : vector<1x16xf32> to vector<16xf32>
    %add3A_1456 = arith.addf %add3A_1450, %get3A_1455 : vector<16xf32>
    %get3A_1457 = arith.constant 14 : i32
    %get3A_1458 = arith.index_cast %get3A_1457 : i32 to index
    %get3A_1459 = arith.constant 112 : index
    %get3A_1460 = tpu.vector_load %arg13[%get3A_1458, %get3A_1459] {strides = array<i32>} : memref<16x128xf32, #tpu.memory_space<vmem>>, vector<1x16xf32>,
    %get3A_1461 = vector.shape_cast %get3A_1460 : vector<1x16xf32> to vector<16xf32>
    %add3A_1462 = arith.addf %add3A_1456, %get3A_1461 : vector<16xf32>
    %get3A_1463 = arith.constant 15 : i32
    %get3A_1464 = arith.index_cast %get3A_1463 : i32 to index
    %get3A_1465 = arith.constant 112 : index
    %get3A_1466 = tpu.vector_load %arg13[%get3A_1464, %get3A_1465] {strides = array<i32>} : memref<16x128xf32, #tpu.memory_space<vmem>>, vector<1x16xf32>,
    %get3A_1467 = vector.shape_cast %get3A_1466 : vector<1x16xf32> to vector<16xf32>
    %add3A_1468 = arith.addf %add3A_1462, %get3A_1467 : vector<16xf32>
    %swap3A_1469 = arith.constant 112 : index
    %swap3A_1470 = tpu.vector_load %arg12[%swap3A_1469] {strides = array<i32>} : memref<128xf32, #tpu.memory_space<vmem>>, vector<16xf32>,
    %swap3A_1471 = vector.shape_cast %swap3A_1470 : vector<16xf32> to vector<16xf32>
    %swap3A_1472 = vector.shape_cast %add3A_1468 : vector<16xf32> to vector<16xf32>
    tpu.vector_store %arg12[%swap3A_1469], %swap3A_1472 {strides = array<i32>} : memref<128xf32, #tpu.memory_space<vmem>>, vector<16xf32>,
    "tpu.region"() ({
      %run_scoped3A = tpu.sem_alloc : memref<!tpu.dma_semaphore, #tpu.memory_space<semaphore_mem>>
      %dma_start3A = tpu.memref_slice %arg6[%arg0, %mul3A_680] : memref<2x2048xf32, #tpu.memory_space<hbm>> -> memref<1x128xf32, #tpu.memory_space<hbm>>
      %dma_start3A_1473 = tpu.memref_squeeze %dma_start3A : memref<1x128xf32, #tpu.memory_space<hbm>> -> memref<128xf32, #tpu.memory_space<hbm>>
      %dma_start3A_1474 = tpu.memref_slice %arg6[%arg0, %mul3A_680] : memref<2x2048xf32, #tpu.memory_space<hbm>> -> memref<1x128xf32, #tpu.memory_space<hbm>>
      %dma_start3A_1475 = tpu.memref_squeeze %dma_start3A_1474 : memref<1x128xf32, #tpu.memory_space<hbm>> -> memref<128xf32, #tpu.memory_space<hbm>>
      tpu.enqueue_dma source(%arg12 : memref<128xf32, #tpu.memory_space<vmem>>) target(%dma_start3A_1475 : memref<128xf32, #tpu.memory_space<hbm>>) target_semaphore(%run_scoped3A : memref<!tpu.dma_semaphore, #tpu.memory_space<semaphore_mem>>)
      %dma_wait3A = tpu.memref_slice %arg6[%arg0, %mul3A_680] : memref<2x2048xf32, #tpu.memory_space<hbm>> -> memref<1x128xf32, #tpu.memory_space<hbm>>
      %dma_wait3A_1476 = tpu.memref_squeeze %dma_wait3A : memref<1x128xf32, #tpu.memory_space<hbm>> -> memref<128xf32, #tpu.memory_space<hbm>>
      %dma_wait3A_1477 = tpu.memref_slice %arg6[%arg0, %mul3A_680] : memref<2x2048xf32, #tpu.memory_space<hbm>> -> memref<1x128xf32, #tpu.memory_space<hbm>>
      %dma_wait3A_1478 = tpu.memref_squeeze %dma_wait3A_1477 : memref<1x128xf32, #tpu.memory_space<hbm>> -> memref<128xf32, #tpu.memory_space<hbm>>
      tpu.wait_dma2 semaphore(%run_scoped3A : memref<!tpu.dma_semaphore, #tpu.memory_space<semaphore_mem>>) src(%arg12 : memref<128xf32, #tpu.memory_space<vmem>>) dst(%dma_wait3A_1478 : memref<128xf32, #tpu.memory_space<hbm>>)
      tpu.yield
    }) : () -> ()
    return
  }
}

</mosaic_0001>

<sc_bundles>
// kernel: kernel.3.cloned.1.call-start
scs
__scs_entry_jumppad:
0x0: {  	(pc) =	sbr.rel $0x88, $3  }
0x1: {  	(tag) =	ssettag $0x0;
	lr =	simm.s32 $0x1  }
0x2: {  	[smem:$0x3F9D] =	sst lr;
	_ =	strace $0xD0000000  }
0x3: {  	_ = 	snop  }
0x4: {  	_ = 	snop  }
0x5: {  	_ = 	snop  }
0x6: {  	_ = 	snop  }
0x7: {  	_ = 	snop  }
__scs_overlays_trampoline_lowered:
0x8: {  	[smem:$0x3FAC] =	sst s0  }
0x9: {  	[smem:$0x3FAD] =	sst s1  }
0xa: {  	[smem:$0x3FAE] =	sst s2  }
0xb: {  	[smem:$0x3FAF] =	sst s3  }
0xc: {  	[smem:$0x3FB0] =	sst s4  }
0xd: {  	[smem:$0x3FB1] =	sst s5  }
0xe: {  	[smem:$0x3FB2] =	sst s6  }
0xf: {  	[smem:$0x3FB3] =	sst s7  }
0x10: {  	[smem:$0x3FB4] =	sst s8  }
0x11: {  	[smem:$0x3FB5] =	sst s9;
	s0 =	simm.s32 @!p0 $0x0  }
0x12: {  	s1 =	sld [smem:$0x3F9B];
	s0 =	simm.s32 @p0 $0x1  }
0x13: {  	[smem:$0x3FB6] =	sst s0;
	s0 =	simm.s32 @!p1 $0x0  }
0x14: {  	s2 =	sld [smem:$0x3F9A];
	s0 =	simm.s32 @p1 $0x1  }
0x15: {  	[smem:$0x3FB7] =	sst s0;
	s0 =	simm.s32 @!p2 $0x0  }
0x16: {  	s3 =	sld [smem:$0x3FDB];
	s0 =	simm.s32 @p2 $0x1  }
0x17: {  	s4 =	simm.s32 $0x1BF5;
	[smem:$0x3FB9] =	sst s0  }
0x18: {  	s0 =	sld [smem:$0x3F9C];
	_ =	swait.ge [sflag:s4], $0x0  }
0x19: {  	s7 =	sld [smem:$0x3F9D]  }
0x1a: {  	s8 =	sadd.s32 $0xFFFFE003, lr  }
0x1b: {  	s9 =	sadd.s32 $0xFFFFFEF7, lr;
	s5 =	simm.s32 $0xFFFFFFFF;
	p2 =	slt.u32 s8, $0xFFFFF086  }
0x1c: {  	p1 =	slt.u32 s9, $0xF7A;
	s5 =	simm.s32 @!p2 $0x0  }
0x1d: {  	s5 =	simm.s32 @p1 $0x1;
	p0 =	seq.s32 s7, s2  }
0x1e: {  	s7 =	smul.u32 @!p0 $0xF7A, s2;
	p2 =	seq.s32 @!p0 s5, $0x0  }
0x1f: {  	s9 =	smul.u32 $0xF7A, s1;
	s8 =	simm.s32 @!p0 $0x1BF5;
	p2 =	por !p2, p0  }
0x20: {  	[sflag:s8] =	ssyncset.s32 @!p0 $0xFFFFF086;
	s6 =	sadd.s32 @!p0 s3, s7;
	s7 =	simm.s32 @!p0 $0x108  }
0x21: {  	s3 =	sadd.s32 s3, s9;
	s6 =	sadd.s32 @!p0 $0x88, s6;
	s7 =	simm.s32 @p2 $0x1082  }
0x22: {  	[simem:s7], [sflag:s8] =	dma.local @!p0 [hbm:s6], $0xF7A  }
0x23: {  	s9 =	sor.u32 $0xD0000000, s2;
	s6 =	simm.s32 $0x108;
	_ =	swait.ge @!p0 [sflag:s8], $0x0  }
0x24: {  	s3 =	sadd.s32 $0x88, s3;
	s6 =	simm.s32 @!p1 $0x1082;
	[sflag:s4] =	ssyncset.s32 $0xFFFFF086  }
0x25: {  	[simem:s6], [sflag:s4] =	dma.local [hbm:s3], $0xF7A  }
0x26: {  	[smem:$0x3F9D] =	sst s1;
	(tag) =	ssettag s2;
	_ =	strace s9  }
0x27: {  	s1 =	sld [smem:$0x3FAD]  }
0x28: {  	s2 =	sld [smem:$0x3FAE]  }
0x29: {  	s4 =	sld [smem:$0x3FB0]  }
0x2a: {  	p0 =	seq.s32 s5, $0x0;
	s5 =	sld [smem:$0x3FB1]  }
0x2b: {  	s6 =	sld [smem:$0x3FB2]  }
0x2c: {  	s7 =	sld [smem:$0x3FB3]  }
0x2d: {  	s3 =	simm.s32 $0x108;
	s8 =	sld [smem:$0x3FB4]  }
0x2e: {  	s3 =	simm.s32 @!p0 $0x1082;
	s9 =	sld [smem:$0x3FB5]  }
0x2f: {  	lr =	sadd.s32 s0, s3;
	s0 =	sld [smem:$0x3FAC]  }
0x30: {  	s3 =	sld [smem:$0x3FAF]  }
0x31: {  	[smem:$0x3FB8] =	sst s10  }
0x32: {  	s10 =	sld [smem:$0x3FB6];
	_ =	sdelay $0x3  }
0x33: {  	p0 =	seq.s32 s10, $0x1;
	s10 =	sld [smem:$0x3FB8];
	_ =	sdelay $0x3  }
0x34: {  	[smem:$0x3FB8] =	sst s10  }
0x35: {  	s10 =	sld [smem:$0x3FB7];
	_ =	sdelay $0x3  }
0x36: {  	p1 =	seq.s32 s10, $0x1;
	s10 =	sld [smem:$0x3FB8];
	_ =	sdelay $0x3  }
0x37: {  	[smem:$0x3FB8] =	sst s10  }
0x38: {  	s10 =	sld [smem:$0x3FB9]  }
0x39: {  	_ = 	snop;
	(pc) =	sbr.ind lr, $3  }
0x3a: {  	_ = 	snop  }
0x3b: {  	_ = 	snop  }
0x3c: {  	p2 =	seq.s32 s10, $0x1;
	s10 =	sld [smem:$0x3FB8]  }
0x3d: {  	_ =	shalt  }
0x3e: {  	_ =	shalt  }
0x3f: {  	_ =	shalt  }
0x40: {  	_ =	shalt  }
0x41: {  	_ =	shalt  }
0x42: {  	_ =	shalt  }
0x43: {  	_ =	shalt  }
0x44: {  	_ =	shalt  }
0x45: {  	_ =	shalt  }
0x46: {  	_ =	shalt  }
0x47: {  	_ =	shalt  }
0x48: {  	_ =	shalt  }
0x49: {  	_ =	shalt  }
0x4a: {  	_ =	shalt  }
0x4b: {  	_ =	shalt  }
0x4c: {  	_ =	shalt  }
0x4d: {  	_ =	shalt  }
0x4e: {  	_ =	shalt  }
0x4f: {  	_ =	shalt  }
0x50: {  	_ =	shalt  }
0x51: {  	_ =	shalt  }
0x52: {  	_ =	shalt  }
0x53: {  	_ =	shalt  }
0x54: {  	_ =	shalt  }
0x55: {  	_ =	shalt  }
0x56: {  	_ =	shalt  }
0x57: {  	_ =	shalt  }
0x58: {  	_ =	shalt  }
0x59: {  	_ =	shalt  }
0x5a: {  	_ =	shalt  }
0x5b: {  	_ =	shalt  }
0x5c: {  	_ =	shalt  }
0x5d: {  	_ =	shalt  }
0x5e: {  	_ =	shalt  }
0x5f: {  	_ =	shalt  }
0x60: {  	_ =	shalt  }
0x61: {  	_ =	shalt  }
0x62: {  	_ =	shalt  }
0x63: {  	_ =	shalt  }
0x64: {  	_ =	shalt  }
0x65: {  	_ =	shalt  }
0x66: {  	_ =	shalt  }
0x67: {  	_ =	shalt  }
0x68: {  	_ =	shalt  }
0x69: {  	_ =	shalt  }
0x6a: {  	_ =	shalt  }
0x6b: {  	_ =	shalt  }
0x6c: {  	_ =	shalt  }
0x6d: {  	_ =	shalt  }
0x6e: {  	_ =	shalt  }
0x6f: {  	_ =	shalt  }
0x70: {  	_ =	shalt  }
0x71: {  	_ =	shalt  }
0x72: {  	_ =	shalt  }
0x73: {  	_ =	shalt  }
0x74: {  	_ =	shalt  }
0x75: {  	_ =	shalt  }
0x76: {  	_ =	shalt  }
0x77: {  	_ =	shalt  }
0x78: {  	_ =	shalt  }
0x79: {  	_ =	shalt  }
0x7a: {  	_ =	shalt  }
0x7b: {  	_ =	shalt  }
0x7c: {  	_ =	shalt  }
0x7d: {  	_ =	shalt  }
0x7e: {  	_ =	shalt  }
0x7f: {  	_ =	shalt  }
0x80: {  	_ =	shalt  }
0x81: {  	_ =	shalt  }
0x82: {  	_ =	shalt  }
0x83: {  	_ =	shalt  }
0x84: {  	_ =	shalt  }
0x85: {  	_ =	shalt  }
0x86: {  	_ =	shalt  }
0x87: {  	_ =	shalt  }
.Lfunc_end0:
.L_simem_size_0:
called_computation_lowered:
.L_overlay_start_0:
0x88: {  	s2 =	sld [smem:$0x3FD9]  }
0x89: {  	s3 =	sld [smem:$0x3FFE];
	_ =	sdelay $0x1  }
0x8a: {  	s1 =	srdreg.scid  }
0x8b: {  	s0 =	sand.u32 $0x1, s1  }
0x8c: {  	s17 =	sshll.u32 s0, $0xA;
	s2 =	sadd.s32 s3, s2  }
0x8d: {  	s2 =	sadd.s32 s2, s17  }
0x8e: {  	[smem:$0x3FC4] =	sst s2  }
0x8f: {  	_ = 	snop  }
0x90: {  	s2 =	sld [smem:$0x3FD0];
	(tm) =	ssettm $0x1  }
0x91: {  	s18 =	sld [smem:$0x3FFB];
	_ =	sdelay $0x3  }
0x92: {  	_ =	strace s18  }
0x93: {  	s3 =	sld [smem:$0x3FFC];
	_ =	sdelay $0x3  }
0x94: {  	_ =	strace s3  }
0x95: {  	s3 =	sld [smem:$0x3FFD];
	_ =	sdelay $0x3  }
0x96: {  	_ =	strace s3  }
0x97: {  	_ =	strace $0x8FFFFFFF  }
0x98: {  	s19 =	sld [smem:$0x3FDB];
	_ =	sdelay $0x1  }
0x99: {  	s4 =	simm.s32 $_scs_section_size  }
0x9a: {  	s5 =	simm.s32 $_size__tile_overlayer_lowered;
	s6 =	simm.s32 $_tile_overlayer_lowered  }
0x9b: {  	s22 =	simm.s32 $0x1BFF;
	s21 =	sshll.u32 s6, $0x1;
	s3 =	sadd.s32 s4, s19  }
0x9c: {  	s7 =	simm.s32 $0x0;
	s20 =	sshll.u32 s5, $0x1;
	s5 =	sadd.s32 s21, s3  }
0x9d: {  	[timem:s7], [sflag:s22] =	dma.local [hbm:s5], s20  }
0x9e: {  	_ =	swait.ge [sflag:s22], s20  }
0x9f: {  	s4 =	ssub.s32 $0x0, s20;
	[sflag:s22] =	ssyncset.done $0x0  }
0xa0: {  	[sflag:s22] =	ssyncadd.s32 s4;
	_ =	sdelay $0x1  }
0xa1: {  	s23 =	simm.s32 $0x1B8B  }
0xa2: {  	_ =	swait.ge [sflag:s23], $0x1  }
0xa3: {  	[sflag:s23] =	ssyncset.done $0x0  }
0xa4: {  	s25 =	simm.s32 $0x1B8E;
	s24 =	sld [smem:$0x3FFE];
	[sflag:s23] =	ssyncadd.s32 $0xFFFFFFFF  }
0xa5: {  	s26 =	simm.s32 $execute0_lowered;
	[smem:$0x3FD2] =	sst s25  }
0xa6: {  	s5 =	sshll.u32 s26, $0x1;
	_ =	strace $0x80000046;
	[dreg:$0x1] =	wrdreg $0xFFFFFFFF  }
0xa7: {  	s28 =	simm.s32 $_size_execute0_lowered;
	s3 =	sadd.s32 s3, s5;
	[dreg:$0x0] =	wrdreg $0x0  }
0xa8: {  	s5 =	sshll.u32 s28, $0x1;
	[dreg:$0x2] =	wrdreg s3  }
0xa9: {  	[dreg:$0x3] =	wrdreg s5  }
0xaa: {  	[dreg:$0x4] =	wrdreg $0xC0  }
0xab: {  	_ =	task [dreg:s7], $0x5FFFF  }
0xac: {  	[dreg:$0x1] =	wrdreg $0xFFFFFFFF  }
0xad: {  	[dreg:$0x0] =	wrdreg $0x60  }
0xae: {  	[dreg:$0x2] =	wrdreg s24  }
0xaf: {  	[dreg:$0x3] =	wrdreg s2  }
0xb0: {  	[dreg:$0x4] =	wrdreg $0x1C000  }
0xb1: {  	[dreg:$0x5] =	wrdreg $0x9  }
0xb2: {  	_ =	task.clear_ibuf [dreg:s7], $0x6FFFF;
	_ =	strace $0x90000046  }
0xb3: {  	s29 =	simm.s32 $0x9;
	_ =	strace $0x80000048  }
0xb4: {  	_ =	swait.ge [sflag:s29], $0x1  }
0xb5: {  	[sflag:s29] =	ssyncadd.s32 $0xFFFFFFFF  }
0xb6: {  	_ =	strace $0x90000048  }
0xb7: {  	_ =	sfence  }
0xb8: {  	s30 =	sld [smem:$0x0];
	_ =	sdelay $0x2  }
0xb9: {  	s31 =	sshll.u32 s1, $0xD;
	s1 =	sshrl.u32 s1, $0x2  }
0xba: {  	s3 =	sand.u32 $0x4000, s31;
	s1 =	sadd.s32 s1, s30  }
0xbb: {  	s0 =	sor.u32 s3, s0;
	s1 =	sshll.u32 s1, $0x11  }
0xbc: {  	s0 =	sor.u32 s1, s0  }
0xbd: {  	s0 =	sadd.s32 $0x8F2B, s0  }
0xbe: {  	[sflag:s0] =	ssyncadd.remote.s32 $0x1  }
0xbf: {  	_ =	sfence.sel $0xFFFF  }
0xc0: {  	[dreg:$0x0] =	wrdreg $0xFFFFFFFF;
	(pc) =	sbr.abs _section_cstart, $3  }
0xc1: {  	[dreg:$0x1] =	wrdreg $0xFFFFFFFF  }
0xc2: {  	_ =	task.clear_ibuf [dreg:s7], $0x2FFFF;
	_ =	strace $0x9FFFFFFF  }
0xc3: {  	(tm) =	ssettm $0x7FFFFFFF  }
tec
execute0_lowered:
.L_overlay_start_1:
0x0: {  	(tag) =	ssettag $0x1  }
0x1: {  	s4 =	rddreg [dreg:$0x0]  }
0x2: {  	s1 =	rddreg [dreg:$0x1]  }
0x3: {  	s8 =	rddreg [dreg:$0x2]  }
0x4: {  	s0 =	rddreg [dreg:$0x3];
	s5 =	srdreg.scid  }
0x5: {  	s3 =	simm.s32 $0x0;
	s2 =	stileid.u32;
	s14 =	simm.s32 $0xB00  }
0x6: {  	s15 =	simm.s32 $0x80;
	s16 =	simm.s32 $0x400;
	s17 =	simm.s32 $0xB80  }
0x7: {  	s18 =	simm.s32 $0x4000;
	s19 =	simm.s32 $0x1400;
	s20 =	simm.s32 $0x1380  }
0x8: {  	s21 =	simm.s32 $0x0;
	s5 =	sand.u32 $0x1, s5;
	[smem:$0x7FF] =	sst s3  }
0x9: {  	s7 =	sshll.u32 s2, $0x7;
	s30 =	sshll.u32 s2, $0xB;
	s31 =	sshll.u32 s2, $0x5  }
0xa: {  	s13 =	sshll.u32 s2, $0xA;
	s6 =	sshll.u32 s5, $0xB;
	_ =	strace $0x80000047  }
0xb: {  	s10 =	ssub.s32 $0x2, s5;
	s5 =	sshll.u32 s5, $0x4;
	s6 =	sor.u32 s7, s6  }
0xc: {  	s11 =	sshrl.u32 s10, $0x1;
	s12 =	sadd.s32 s5, s4;
	s7 =	sand.u32 $0x380, s7  }
0xd: {  	s9 =	sadd.s32 s6, s4;
	s6 =	sshrl.u32 s6, $0x3;
	s10 =	ssub.s32 s10, s11  }
.Ltmp0:
0xe: {  	s11 =	sadd.s32 s31, s12;
	s12 =	simm.s32 $0x480;
	(pc) =	sbr.rel .LBB2_1-.Ltmp0, $4  }
0xf: {  	s6 =	sadd.s32 s6, s4;
	s4 =	sadd.s32 $0x2200, s9;
	s5 =	sadd.s32 $0x1200, s9  }
0x10: {  	s9 =	sand.u32 $0x4000, s30;
	s10 =	smax.u32 s10, $0x1;
	s6 =	sadd.s32 $0x3200, s6  }
0x11: {  	s9 =	sadd.s32 s9, s8;
	s8 =	sadd.s32 s13, s8;
	s13 =	simm.s32 $0x900  }
0x12: {  	s7 =	sadd.s32 s7, s9;
	s9 =	sadd.s32 $0x3400, s11;
	s11 =	simm.s32 $0x1  }
.LBB2_11:
0x13: {  	[spmem:s7] =	stream.strided.scatter [tilespmem:s17], [sflag:$0x1], $0x800, s16, s15, $0x38;
	[tilespmem:$0x2400] =	vst v63  }
0x14: {  	_ =	swait.ge [sflag:s11], $0x800  }
0x15: {  	[sflag:s11] =	ssyncset.done $0x0  }
0x16: {  	[sflag:s11] =	ssyncadd.s32 $0xFFFFF800  }
0x17: {  	[bflag:$0x0] =	sbarrier.arrive $0xFFFF  }
0x18: {  	[tilespmem:s19], [sflag:$0x1] =	stream.strided.gather [spmem:s8], $0x800, s18, s16, $0x38;
	[tilespmem:$0x2400] =	vst v63  }
0x19: {  	_ =	swait.ge [sflag:s11], $0x800  }
0x1a: {  	[sflag:s11] =	ssyncset.done $0x0  }
0x1b: {  	[sflag:s11] =	ssyncadd.s32 $0xFFFFF800  }
0x1c: {  	v0 =	vld [tilespmem:$0x1400]  }
0x1d: {  	v1 =	vld [tilespmem:$0x1480]  }
0x1e: {  	v2 =	vld [tilespmem:$0x1500]  }
0x1f: {  	v3 =	vld [tilespmem:$0x1580]  }
0x20: {  	v10 =	vld [tilespmem:$0x1600]  }
0x21: {  	v11 =	vld [tilespmem:$0x1680]  }
0x22: {  	v12 =	vld [tilespmem:$0x1700]  }
0x23: {  	v13 =	vld [tilespmem:$0x1780]  }
0x24: {  	v15 =	vld [tilespmem:$0x1800]  }
0x25: {  	v17 =	vld [tilespmem:$0x1880]  }
0x26: {  	v19 =	vld [tilespmem:$0x1900]  }
0x27: {  	v4 =	vld [tilespmem:$0x1980]  }
0x28: {  	v28 =	vld [tilespmem:$0x1A00]  }
0x29: {  	v29 =	vld [tilespmem:$0x1A80]  }
0x2a: {  	v30 =	vld [tilespmem:$0x1B00]  }
0x2b: {  	v31 =	vld [tilespmem:$0x1B80]  }
0x2c: {  	v6 =	vld [tilespmem:$0x1490]  }
0x2d: {  	v8 =	vld [tilespmem:$0x1510]  }
0x2e: {  	v20 =	vld [tilespmem:$0x1590]  }
0x2f: {  	v21 =	vld [tilespmem:$0x1610]  }
0x30: {  	v22 =	vld [tilespmem:$0x1690]  }
0x31: {  	v23 =	vld [tilespmem:$0x1710]  }
0x32: {  	v24 =	vld [tilespmem:$0x1790]  }
0x33: {  	v25 =	vld [tilespmem:$0x1810]  }
0x34: {  	v26 =	vld [tilespmem:$0x1890]  }
0x35: {  	v27 =	vld [tilespmem:$0x1910]  }
0x36: {  	v5 =	vld [tilespmem:$0x1B10]  }
0x37: {  	v32 =	vld [tilespmem:$0x1B90]  }
0x38: {  	v9 =	vld [tilespmem:$0x1420]  }
0x39: {  	v33 =	vld [tilespmem:$0x14A0]  }
0x3a: {  	v34 =	vld [tilespmem:$0x1520]  }
0x3b: {  	v35 =	vld [tilespmem:$0x15A0]  }
0x3c: {  	v36 =	vld [tilespmem:$0x1620]  }
0x3d: {  	v37 =	vld [tilespmem:$0x16A0]  }
0x3e: {  	v38 =	vld [tilespmem:$0x1720]  }
0x3f: {  	v39 =	vld [tilespmem:$0x17A0]  }
0x40: {  	v40 =	vld [tilespmem:$0x1820]  }
0x41: {  	v41 =	vld [tilespmem:$0x18A0]  }
0x42: {  	v42 =	vld [tilespmem:$0x1920]  }
0x43: {  	v43 =	vld [tilespmem:$0x19A0]  }
0x44: {  	v44 =	vld [tilespmem:$0x1A20]  }
0x45: {  	v45 =	vld [tilespmem:$0x1AA0]  }
0x46: {  	v46 =	vld [tilespmem:$0x1B20]  }
0x47: {  	v47 =	vld [tilespmem:$0x1BA0]  }
0x48: {  	v48 =	vld [tilespmem:$0x1430]  }
0x49: {  	v49 =	vld [tilespmem:$0x14B0]  }
0x4a: {  	v50 =	vld [tilespmem:$0x1530]  }
0x4b: {  	v51 =	vld [tilespmem:$0x15B0]  }
0x4c: {  	v52 =	vld [tilespmem:$0x1630]  }
0x4d: {  	v53 =	vld [tilespmem:$0x16B0]  }
0x4e: {  	v54 =	vld [tilespmem:$0x1730]  }
0x4f: {  	v55 =	vld [tilespmem:$0x17B0]  }
0x50: {  	v56 =	vld [tilespmem:$0x1830]  }
0x51: {  	v57 =	vld [tilespmem:$0x18B0]  }
0x52: {  	v58 =	vld [tilespmem:$0x1930]  }
0x53: {  	v59 =	vld [tilespmem:$0x19B0]  }
0x54: {  	v60 =	vld [tilespmem:$0x1A30]  }
0x55: {  	v61 =	vld [tilespmem:$0x1AB0]  }
0x56: {  	v62 =	vld [tilespmem:$0x1B30]  }
0x57: {  	v63 =	vld [tilespmem:$0x1BB0]  }
0x58: {  	v7 =	vld [tilespmem:$0x1440]  }
0x59: {  	v14 =	vld [tilespmem:$0x1540]  }
0x5a: {  	v16 =	vld [tilespmem:$0x15C0]  }
0x5b: {  	v18 =	vld [tilespmem:$0x1640]  }
0x5c: {  	[tilespmem:$0x1FEE0] =	vst v4;
	v4 =	vld [tilespmem:$0x1410]  }
0x5d: {  	[tilespmem:$0x1FEF0] =	vst v28;
	v28 =	vld [tilespmem:$0x1990]  }
0x5e: {  	[tilespmem:$0x1FF00] =	vst v29;
	v29 =	vld [tilespmem:$0x1A10]  }
0x5f: {  	[tilespmem:$0x1FF30] =	vst v31;
	v31 =	vld [tilespmem:$0x1A90]  }
0x60: {  	[tilespmem:$0x1FF20] =	vst v5;
	v5 =	vld [tilespmem:$0x14C0]  }
0x61: {  	[tilespmem:$0x1FF10] =	vst v30;
	v30 =	vld [tilespmem:$0x16C0]  }
0x62: {  	[tilespmem:$0x1FF40] =	vst v32;
	v32 =	vld [tilespmem:$0x1740]  }
0x63: {  	v0 =	vadd.f32 v1, v0;
	v1 =	vld [tilespmem:$0x17C0]  }
0x64: {  	v33 =	vadd.f32 v33, v9;
	v9 =	vld [tilespmem:$0x18C0]  }
0x65: {  	v48 =	vadd.f32 v49, v48;
	v49 =	vld [tilespmem:$0x1FF20]  }
0x66: {  	v0 =	vadd.f32 v2, v0;
	v2 =	vadd.f32 v34, v33;
	v33 =	vld [tilespmem:$0x19C0]  }
0x67: {  	v34 =	vld [tilespmem:$0x1AD0]  }
0x68: {  	v50 =	vadd.f32 v50, v48;
	v48 =	vld [tilespmem:$0x14E0]  }
0x69: {  	v0 =	vadd.f32 v3, v0;
	v3 =	vld [tilespmem:$0x1AC0]  }
0x6a: {  	v4 =	vadd.f32 v6, v4;
	v6 =	vld [tilespmem:$0x1840]  }
0x6b: {  	[tilespmem:$0x1FF50] =	vst v32;
	v32 =	vadd.f32 v35, v2;
	v2 =	vld [tilespmem:$0x1B40]  }
0x6c: {  	v35 =	vadd.f32 v51, v50;
	v50 =	vld [tilespmem:$0x1470]  }
0x6d: {  	v51 =	vld [tilespmem:$0x1FF30]  }
0x6e: {  	v4 =	vadd.f32 v8, v4;
	v8 =	vld [tilespmem:$0x1940]  }
0x6f: {  	v0 =	vadd.f32 v10, v0;
	v10 =	vadd.f32 v36, v32;
	v32 =	vld [tilespmem:$0x19D0]  }
0x70: {  	v5 =	vadd.f32 v5, v7;
	v36 =	vld [tilespmem:$0x17E0]  }
0x71: {  	v11 =	vadd.f32 v11, v0;
	v0 =	vld [tilespmem:$0x1BC0]  }
0x72: {  	v5 =	vadd.f32 v14, v5;
	v20 =	vadd.f32 v20, v4;
	v4 =	vld [tilespmem:$0x1A40]  }
0x73: {  	v10 =	vadd.f32 v37, v10;
	v37 =	vld [tilespmem:$0x1FF50]  }
0x74: {  	v5 =	vadd.f32 v16, v5;
	v11 =	vadd.f32 v12, v11;
	v12 =	vld [tilespmem:$0x14D0]  }
0x75: {  	v20 =	vadd.f32 v21, v20;
	v21 =	vadd.f32 v52, v35;
	v35 =	vld [tilespmem:$0x1BD0]  }
0x76: {  	v52 =	vld [tilespmem:$0x14F0]  }
0x77: {  	v10 =	vadd.f32 v38, v10;
	v5 =	vadd.f32 v18, v5;
	v38 =	vld [tilespmem:$0x17F0]  }
0x78: {  	v11 =	vadd.f32 v13, v11;
	v13 =	vld [tilespmem:$0x15D0];
	v20 =	vadd.f32 v22, v20  }
0x79: {  	v22 =	vld [tilespmem:$0x1450];
	v21 =	vadd.f32 v53, v21;
	v10 =	vadd.f32 v39, v10  }
0x7a: {  	v53 =	vld [tilespmem:$0x1FF40];
	v5 =	vadd.f32 v30, v5;
	v11 =	vadd.f32 v15, v11  }
0x7b: {  	v39 =	vld [tilespmem:$0x1860];
	v20 =	vadd.f32 v23, v20;
	v21 =	vadd.f32 v54, v21  }
0x7c: {  	v15 =	vld [tilespmem:$0x16D0];
	v10 =	vadd.f32 v40, v10;
	v5 =	vadd.f32 v37, v5  }
0x7d: {  	v40 =	vld [tilespmem:$0x1FEE0];
	v11 =	vadd.f32 v17, v11;
	v20 =	vadd.f32 v24, v20  }
0x7e: {  	v23 =	vld [tilespmem:$0x1550];
	v21 =	vadd.f32 v55, v21;
	v10 =	vadd.f32 v41, v10  }
0x7f: {  	v54 =	vld [tilespmem:$0x1560];
	v1 =	vadd.f32 v1, v5;
	v11 =	vadd.f32 v19, v11  }
0x80: {  	v17 =	vld [tilespmem:$0x17D0];
	v12 =	vadd.f32 v12, v22;
	v20 =	vadd.f32 v25, v20  }
0x81: {  	v41 =	vld [tilespmem:$0x1FEF0];
	v21 =	vadd.f32 v56, v21;
	v10 =	vadd.f32 v42, v10  }
0x82: {  	v24 =	vld [tilespmem:$0x1650];
	v1 =	vadd.f32 v6, v1;
	v11 =	vadd.f32 v40, v11  }
0x83: {  	v55 =	vld [tilespmem:$0x1570];
	v12 =	vadd.f32 v23, v12;
	v21 =	vadd.f32 v57, v21  }
0x84: {  	v42 =	vld [tilespmem:$0x1FF00];
	v20 =	vadd.f32 v26, v20;
	v10 =	vadd.f32 v43, v10  }
0x85: {  	v19 =	vld [tilespmem:$0x18D0];
	v1 =	vadd.f32 v9, v1;
	v21 =	vadd.f32 v58, v21  }
0x86: {  	v43 =	vld [tilespmem:$0x1460];
	v11 =	vadd.f32 v41, v11;
	v12 =	vadd.f32 v13, v12  }
0x87: {  	v25 =	vld [tilespmem:$0x1750];
	v20 =	vadd.f32 v27, v20;
	v21 =	vadd.f32 v59, v21  }
0x88: {  	v56 =	vld [tilespmem:$0x15E0];
	v10 =	vadd.f32 v44, v10;
	v1 =	vadd.f32 v8, v1  }
0x89: {  	v26 =	vld [tilespmem:$0x1850];
	v11 =	vadd.f32 v42, v11;
	v21 =	vadd.f32 v60, v21  }
0x8a: {  	v41 =	vld [tilespmem:$0x1870];
	v12 =	vadd.f32 v24, v12;
	v20 =	vadd.f32 v28, v20  }
0x8b: {  	v58 =	vld [tilespmem:$0x15F0];
	v57 =	vadd.f32 v48, v43;
	v21 =	vadd.f32 v61, v21  }
0x8c: {  	v10 =	vadd.f32 v45, v10;
	v59 =	vadd.f32 v52, v50;
	v60 =	vld [tilespmem:$0x1660]  }
0x8d: {  	v14 =	vadd.f32 v54, v57;
	v61 =	vld [tilespmem:$0x1670];
	v21 =	vadd.f32 v62, v21  }
0x8e: {  	v20 =	vadd.f32 v29, v20;
	v7 =	vadd.f32 v55, v59;
	v62 =	vld [tilespmem:$0x16E0]  }
0x8f: {  	v14 =	vadd.f32 v56, v14;
	v21 =	vadd.f32 v63, v21;
	v63 =	vld [tilespmem:$0x16F0]  }
0x90: {  	v24 =	vld [tilespmem:$0x1760];
	v1 =	vadd.f32 v33, v1;
	v7 =	vadd.f32 v58, v7  }
0x91: {  	v20 =	vadd.f32 v31, v20;
	v31 =	vld [tilespmem:$0x1770];
	v14 =	vadd.f32 v60, v14  }
0x92: {  	v44 =	vld [tilespmem:$0x1FF10];
	v12 =	vadd.f32 v15, v12;
	v7 =	vadd.f32 v61, v7  }
0x93: {  	v27 =	vld [tilespmem:$0x1950];
	v10 =	vadd.f32 v46, v10;
	v13 =	vadd.f32 v62, v14  }
0x94: {  	v42 =	vld [tilespmem:$0x18E0];
	v12 =	vadd.f32 v25, v12;
	v7 =	vadd.f32 v63, v7  }
0x95: {  	v28 =	vld [tilespmem:$0x1A50];
	v1 =	vadd.f32 v4, v1;
	v40 =	vadd.f32 v24, v13  }
0x96: {  	v45 =	vld [tilespmem:$0x1970];
	v12 =	vadd.f32 v17, v12;
	v7 =	vadd.f32 v31, v7  }
0x97: {  	v43 =	vld [tilespmem:$0x18F0];
	v11 =	vadd.f32 v44, v11;
	v5 =	vadd.f32 v36, v40  }
0x98: {  	v44 =	vld [tilespmem:$0x1960];
	v12 =	vadd.f32 v26, v12;
	v7 =	vadd.f32 v38, v7  }
0x99: {  	v50 =	vld [tilespmem:$0x1AE0];
	v10 =	vadd.f32 v47, v10;
	v5 =	vadd.f32 v39, v5  }
0x9a: {  	v46 =	vld [tilespmem:$0x19E0];
	v12 =	vadd.f32 v19, v12;
	v7 =	vadd.f32 v41, v7  }
0x9b: {  	v47 =	vld [tilespmem:$0x19F0];
	v11 =	vadd.f32 v51, v11;
	v5 =	vadd.f32 v42, v5  }
0x9c: {  	v48 =	vld [tilespmem:$0x1A60];
	v12 =	vadd.f32 v27, v12;
	v6 =	vadd.f32 v43, v7  }
0x9d: {  	v20 =	vadd.f32 v49, v20;
	v49 =	vld [tilespmem:$0x1A70];
	v5 =	vadd.f32 v44, v5  }
0x9e: {  	v52 =	vld [tilespmem:$0x1AF0];
	v12 =	vadd.f32 v32, v12;
	v6 =	vadd.f32 v45, v6  }
0x9f: {  	v29 =	vld [tilespmem:$0x1B50];
	v20 =	vadd.f32 v53, v20;
	v51 =	vadd.f32 v46, v5  }
0xa0: {  	v53 =	vld [tilespmem:$0x1B60];
	v12 =	vadd.f32 v28, v12;
	v6 =	vadd.f32 v47, v6  }
0xa1: {  	v55 =	vld [tilespmem:$0x1B70];
	v1 =	vadd.f32 v3, v1;
	v54 =	vadd.f32 v48, v51  }
0xa2: {  	v57 =	vld [tilespmem:$0x1BE0];
	v56 =	vadd.f32 v34, v12;
	v6 =	vadd.f32 v49, v6  }
0xa3: {  	v59 =	vld [tilespmem:$0x1BF0];
	v1 =	vadd.f32 v2, v1;
	[tilespmem:$0x13A0] =	vst v10;
	v58 =	vadd.f32 v50, v54  }
0xa4: {  	[tilespmem:$0x1380] =	vst v11;
	v7 =	vadd.f32 v29, v56;
	v5 =	vadd.f32 v52, v6  }
0xa5: {  	v0 =	vadd.f32 v0, v1;
	[tilespmem:$0x1390] =	vst v20;
	v60 =	vadd.f32 v53, v58  }
0xa6: {  	[tilespmem:$0x13B0] =	vst v21;
	v61 =	vadd.f32 v35, v7;
	v4 =	vadd.f32 v55, v5  }
0xa7: {  	[tilespmem:$0x13C0] =	vst v0;
	v62 =	vadd.f32 v57, v60  }
0xa8: {  	s21 =	sadd.s32 $0x1, s21;
	[tilespmem:$0x13D0] =	vst v61;
	v63 =	vadd.f32 v59, v4  }
0xa9: {  	p0 =	sne.s32 s21, s10;
	[tilespmem:$0x13E0] =	vst v62  }
.Ltmp1:
0xaa: {  	[tilespmem:$0x13F0] =	vst v63;
	(pc) =	sbr.rel @!p0 .LBB2_12-.Ltmp1, $4  }
0xab: {  	[hbm4b:s9+s3] =	stream.linear.scatter [tilespmem:s20], [sflag:$0x1], $0x80, $0x38;
	[tilespmem:$0x2400] =	vst v63  }
0xac: {  	_ =	swait.ge [sflag:s11], $0x80  }
0xad: {  	[sflag:s11] =	ssyncset.done $0x0  }
0xae: {  	[sflag:s11] =	ssyncadd.s32 $0xFFFFFF80  }
.LBB2_1:
0xaf: {  	[tilespmem:s3], [sflag:$0x1] =	stream.linear.gather [hbm4b:s4+s3], $0x400, $0x38;
	[tilespmem:$0x2400] =	vst v63  }
0xb0: {  	_ =	swait.ge [sflag:s11], $0x400  }
0xb1: {  	[sflag:s11] =	ssyncset.done $0x0  }
0xb2: {  	[sflag:s11] =	ssyncadd.s32 $0xFFFFFC00  }
0xb3: {  	[tilespmem:s12], [sflag:$0x1] =	stream.linear.gather [hbm4b:s5+s3], $0x400, $0x38;
	[tilespmem:$0x2400] =	vst v63  }
0xb4: {  	_ =	swait.ge [sflag:s11], $0x400  }
0xb5: {  	[sflag:s11] =	ssyncset.done $0x0  }
0xb6: {  	[sflag:s11] =	ssyncadd.s32 $0xFFFFFC00  }
0xb7: {  	[tilespmem:s13], [sflag:$0x1] =	stream.linear.gather [hbm4b:s1+s3], $0x200, $0x38;
	[tilespmem:$0x2400] =	vst v63  }
0xb8: {  	_ =	swait.ge [sflag:s11], $0x200  }
0xb9: {  	[sflag:s11] =	ssyncset.done $0x0  }
0xba: {  	[sflag:s11] =	ssyncadd.s32 $0xFFFFFE00  }
0xbb: {  	[tilespmem:s14], [sflag:$0x1] =	stream.linear.gather [hbm4b:s6+s3], $0x80, $0x38;
	[tilespmem:$0x2400] =	vst v63  }
0xbc: {  	_ =	swait.ge [sflag:s11], $0x80  }
0xbd: {  	[sflag:s11] =	ssyncset.done $0x0  }
0xbe: {  	v0 =	vimm.f32 $0.0e+00;
	[sflag:s11] =	ssyncadd.s32 $0xFFFFFF80  }
0xbf: {  	[tilespmem:$0xB80] =	vst v0  }
0xc0: {  	[tilespmem:$0xB90] =	vst v0  }
0xc1: {  	[tilespmem:$0xBA0] =	vst v0  }
0xc2: {  	[tilespmem:$0xBB0] =	vst v0  }
0xc3: {  	[tilespmem:$0xBC0] =	vst v0  }
0xc4: {  	[tilespmem:$0xBD0] =	vst v0  }
0xc5: {  	[tilespmem:$0xBE0] =	vst v0  }
0xc6: {  	[tilespmem:$0xBF0] =	vst v0  }
0xc7: {  	[tilespmem:$0xC00] =	vst v0  }
0xc8: {  	[tilespmem:$0xC10] =	vst v0  }
0xc9: {  	[tilespmem:$0xC20] =	vst v0  }
0xca: {  	[tilespmem:$0xC30] =	vst v0  }
0xcb: {  	[tilespmem:$0xC40] =	vst v0  }
0xcc: {  	[tilespmem:$0xC50] =	vst v0  }
0xcd: {  	[tilespmem:$0xC60] =	vst v0  }
0xce: {  	[tilespmem:$0xC70] =	vst v0  }
0xcf: {  	[tilespmem:$0xC80] =	vst v0  }
0xd0: {  	[tilespmem:$0xC90] =	vst v0  }
0xd1: {  	[tilespmem:$0xCA0] =	vst v0  }
0xd2: {  	[tilespmem:$0xCB0] =	vst v0  }
0xd3: {  	[tilespmem:$0xCC0] =	vst v0  }
0xd4: {  	[tilespmem:$0xCD0] =	vst v0  }
0xd5: {  	[tilespmem:$0xCE0] =	vst v0  }
0xd6: {  	[tilespmem:$0xCF0] =	vst v0  }
0xd7: {  	[tilespmem:$0xD00] =	vst v0  }
0xd8: {  	[tilespmem:$0xD10] =	vst v0  }
0xd9: {  	[tilespmem:$0xD20] =	vst v0  }
0xda: {  	[tilespmem:$0xD30] =	vst v0  }
0xdb: {  	[tilespmem:$0xD40] =	vst v0  }
0xdc: {  	[tilespmem:$0xD50] =	vst v0  }
0xdd: {  	[tilespmem:$0xD60] =	vst v0  }
0xde: {  	[tilespmem:$0xD70] =	vst v0  }
0xdf: {  	[tilespmem:$0xD80] =	vst v0  }
0xe0: {  	[tilespmem:$0xD90] =	vst v0  }
0xe1: {  	[tilespmem:$0xDA0] =	vst v0  }
0xe2: {  	[tilespmem:$0xDB0] =	vst v0  }
0xe3: {  	[tilespmem:$0xDC0] =	vst v0  }
0xe4: {  	[tilespmem:$0xDD0] =	vst v0  }
0xe5: {  	[tilespmem:$0xDE0] =	vst v0  }
0xe6: {  	[tilespmem:$0xDF0] =	vst v0  }
0xe7: {  	[tilespmem:$0xE00] =	vst v0  }
0xe8: {  	[tilespmem:$0xE10] =	vst v0  }
0xe9: {  	[tilespmem:$0xE20] =	vst v0  }
0xea: {  	[tilespmem:$0xE30] =	vst v0  }
0xeb: {  	[tilespmem:$0xE40] =	vst v0  }
0xec: {  	[tilespmem:$0xE50] =	vst v0  }
0xed: {  	[tilespmem:$0xE60] =	vst v0  }
0xee: {  	[tilespmem:$0xE70] =	vst v0  }
0xef: {  	[tilespmem:$0xE80] =	vst v0  }
0xf0: {  	[tilespmem:$0xE90] =	vst v0  }
0xf1: {  	[tilespmem:$0xEA0] =	vst v0  }
0xf2: {  	[tilespmem:$0xEB0] =	vst v0  }
0xf3: {  	[tilespmem:$0xEC0] =	vst v0  }
0xf4: {  	[tilespmem:$0xED0] =	vst v0  }
0xf5: {  	[tilespmem:$0xEE0] =	vst v0  }
0xf6: {  	[tilespmem:$0xEF0] =	vst v0  }
0xf7: {  	[tilespmem:$0xF00] =	vst v0  }
0xf8: {  	[tilespmem:$0xF10] =	vst v0  }
0xf9: {  	[tilespmem:$0xF20] =	vst v0  }
0xfa: {  	[tilespmem:$0xF30] =	vst v0  }
0xfb: {  	[tilespmem:$0xF40] =	vst v0  }
0xfc: {  	[tilespmem:$0xF50] =	vst v0  }
0xfd: {  	[tilespmem:$0xF60] =	vst v0  }
0xfe: {  	[tilespmem:$0xF70] =	vst v0  }
0xff: {  	[tilespmem:$0xF80] =	vst v0  }
0x100: {  	[tilespmem:$0xF90] =	vst v0  }
0x101: {  	[tilespmem:$0xFA0] =	vst v0  }
0x102: {  	[tilespmem:$0xFB0] =	vst v0  }
0x103: {  	[tilespmem:$0xFC0] =	vst v0  }
0x104: {  	[tilespmem:$0xFD0] =	vst v0  }
0x105: {  	[tilespmem:$0xFE0] =	vst v0  }
0x106: {  	[tilespmem:$0xFF0] =	vst v0  }
0x107: {  	[tilespmem:$0x1000] =	vst v0  }
0x108: {  	[tilespmem:$0x1010] =	vst v0  }
0x109: {  	[tilespmem:$0x1020] =	vst v0  }
0x10a: {  	[tilespmem:$0x1030] =	vst v0  }
0x10b: {  	[tilespmem:$0x1040] =	vst v0  }
0x10c: {  	[tilespmem:$0x1050] =	vst v0  }
0x10d: {  	[tilespmem:$0x1060] =	vst v0  }
0x10e: {  	[tilespmem:$0x1070] =	vst v0  }
0x10f: {  	[tilespmem:$0x1080] =	vst v0  }
0x110: {  	[tilespmem:$0x1090] =	vst v0  }
0x111: {  	[tilespmem:$0x10A0] =	vst v0  }
0x112: {  	[tilespmem:$0x10B0] =	vst v0  }
0x113: {  	[tilespmem:$0x10C0] =	vst v0  }
0x114: {  	[tilespmem:$0x10D0] =	vst v0  }
0x115: {  	[tilespmem:$0x10E0] =	vst v0  }
0x116: {  	[tilespmem:$0x10F0] =	vst v0  }
0x117: {  	[tilespmem:$0x1100] =	vst v0  }
0x118: {  	[tilespmem:$0x1110] =	vst v0  }
0x119: {  	[tilespmem:$0x1120] =	vst v0  }
0x11a: {  	[tilespmem:$0x1130] =	vst v0  }
0x11b: {  	[tilespmem:$0x1140] =	vst v0  }
0x11c: {  	[tilespmem:$0x1150] =	vst v0  }
0x11d: {  	[tilespmem:$0x1160] =	vst v0  }
0x11e: {  	[tilespmem:$0x1170] =	vst v0  }
0x11f: {  	[tilespmem:$0x1180] =	vst v0  }
0x120: {  	[tilespmem:$0x1190] =	vst v0  }
0x121: {  	[tilespmem:$0x11A0] =	vst v0  }
0x122: {  	[tilespmem:$0x11B0] =	vst v0  }
0x123: {  	[tilespmem:$0x11C0] =	vst v0  }
0x124: {  	[tilespmem:$0x11D0] =	vst v0  }
0x125: {  	[tilespmem:$0x11E0] =	vst v0  }
0x126: {  	[tilespmem:$0x11F0] =	vst v0  }
0x127: {  	[tilespmem:$0x1200] =	vst v0  }
0x128: {  	[tilespmem:$0x1210] =	vst v0  }
0x129: {  	v1 =	vld [tilespmem:$0x900];
	[tilespmem:$0x1220] =	vst v0  }
0x12a: {  	v2 =	vld [tilespmem:$0x910];
	[tilespmem:$0x1230] =	vst v0  }
0x12b: {  	v63 =	vld [tilespmem:$0x920];
	[tilespmem:$0x1240] =	vst v0  }
0x12c: {  	v3 =	vld [tilespmem:$0x930];
	[tilespmem:$0x1250] =	vst v0  }
0x12d: {  	v4 =	vld [tilespmem:$0x940];
	[tilespmem:$0x1260] =	vst v0  }
0x12e: {  	v5 =	vld [tilespmem:$0x950];
	[tilespmem:$0x1270] =	vst v0  }
0x12f: {  	v6 =	vld [tilespmem:$0x960];
	[tilespmem:$0x1280] =	vst v0  }
0x130: {  	v7 =	vld [tilespmem:$0x970];
	[tilespmem:$0x1290] =	vst v0  }
0x131: {  	v8 =	vld [tilespmem:$0x980];
	[tilespmem:$0x12A0] =	vst v0  }
0x132: {  	v9 =	vld [tilespmem:$0x990];
	[tilespmem:$0x12B0] =	vst v0  }
0x133: {  	v10 =	vld [tilespmem:$0x9A0];
	[tilespmem:$0x12C0] =	vst v0  }
0x134: {  	v11 =	vld [tilespmem:$0x9B0];
	[tilespmem:$0x12D0] =	vst v0  }
0x135: {  	v12 =	vld [tilespmem:$0x9C0];
	[tilespmem:$0x12E0] =	vst v0  }
0x136: {  	v16 =	vld [tilespmem:$0x9D0];
	[tilespmem:$0x12F0] =	vst v0  }
0x137: {  	v13 =	vld [tilespmem:$0x9E0];
	[tilespmem:$0x1300] =	vst v0  }
0x138: {  	v14 =	vld [tilespmem:$0x9F0];
	[tilespmem:$0x1310] =	vst v0  }
0x139: {  	v20 =	vld [tilespmem:$0xA00];
	[tilespmem:$0x1320] =	vst v0  }
0x13a: {  	v62 =	vld [tilespmem:$0xA10];
	[tilespmem:$0x1330] =	vst v0  }
0x13b: {  	v15 =	vld [tilespmem:$0xA20];
	[tilespmem:$0x1340] =	vst v0  }
0x13c: {  	v17 =	vld [tilespmem:$0xA30];
	[tilespmem:$0x1350] =	vst v0  }
0x13d: {  	v18 =	vld [tilespmem:$0xA50];
	[tilespmem:$0x1360] =	vst v0  }
0x13e: {  	v26 =	vld [tilespmem:$0xAE0];
	[tilespmem:$0x1370] =	vst v0  }
0x13f: {  	v23 =	vld [tilespmem:$0xA40];
	[tilespmem:$0x1FF60] =	vst v14  }
0x140: {  	v19 =	vld [tilespmem:$0xA90];
	[tilespmem:$0x1FF70] =	vst v15  }
0x141: {  	v24 =	vld [tilespmem:$0xA60];
	[tilespmem:$0x1FF80] =	vst v17  }
0x142: {  	v27 =	vld [tilespmem:$0xA70];
	[tilespmem:$0x1FF90] =	vst v18  }
0x143: {  	v29 =	vld [tilespmem:$0xA80];
	[tilespmem:$0x1FFA0] =	vst v26  }
.Ltmp2:
0x144: {  	v30 =	vld [tilespmem:$0xAA0];
	[tilespmem:$0x1FFB0] =	vst v7;
	(pc) =	sbr.rel .LBB2_2-.Ltmp2, $4  }
0x145: {  	v21 =	vld [tilespmem:$0xAB0];
	[tilespmem:$0x1FFC0] =	vst v19  }
0x146: {  	v22 =	vld [tilespmem:$0xAC0];
	[tilespmem:$0x1FFD0] =	vst v8  }
0x147: {  	v25 =	vld [tilespmem:$0xAD0];
	[tilespmem:$0x1FFE0] =	vst v10  }
0x148: {  	s22 =	simm.s32 $0x0;
	v31 =	vld [tilespmem:$0xAF0];
	[tilespmem:$0x1FFF0] =	vst v11  }
.LBB2_9:
0x149: {  	v0 =	vmul.f32 $1.442695020e+00, v48  }
0x14a: {  	v1 =	vadd.f32 v53, v49;
	v2 =	vadd.f32 v46, v52;
	(erf) = vpow2.f32 v55  }
0x14b: {  	v3 =	vmul.f32 $1.442695020e+00, v43;
	(erf) = vpow2.f32 v0  }
0x14c: {  	v0 =	vmul.f32 $1.442695020e+00, v1;
	v1 =	vmul.f32 $1.442695020e+00, v2;
	v2 =	vadd.f32 v50, v44  }
0x14d: {  	(erf) = vpow2.f32 v3;
	v3 =	vmul.f32 $1.442695020e+00, v47  }
0x14e: {  	(erf) = vpow2.f32 v0;
	v0 =	vmul.f32 $1.442695020e+00, v2  }
0x14f: {  	v2 =	vmul.f32 $1.442695020e+00, v45;
	(erf) = vpow2.f32 v1  }
0x150: {  	v1 =	vpop (erf);
	(erf) = vpow2.f32 v3  }
0x151: {  	v3 =	vpop (erf);
	(erf) = vpow2.f32 v0  }
0x152: {  	v5 =	vadd.f32 v54, v33;
	v0 =	vpop (erf)  }
0x153: {  	(erf) = vpow2.f32 v2;
	v2 =	vpop (erf)  }
0x154: {  	v6 =	vadd.f32 v42, v36;
	v15 =	vld [tilespmem:$0x1FF70];
	v33 =	vadd.f32 v5, v51;
	v4 =	vpop (erf)  }
0x155: {  	v17 =	vld [tilespmem:$0x1FF80];
	v1 =	vadd.f32 v1, v41;
	v2 =	vadd.f32 v2, v37;
	v59 =	vpop (erf)  }
0x156: {  	v18 =	vld [tilespmem:$0x1FF90];
	v36 =	vadd.f32 v6, v0;
	v5 =	vpop (erf);
	v6 =	vadd.f32 v59, v35  }
0x157: {  	v22 =	vmov v26;
	v26 =	vld [tilespmem:$0x1FFA0];
	v0 =	vpop (erf);
	v5 =	vadd.f32 v5, v38  }
0x158: {  	v38 =	vadd.f32 v2, v4;
	v4 =	vmov v11;
	v11 =	vld [tilespmem:$0x1FFF0];
	v60 =	vpop (erf);
	v0 =	vadd.f32 v0, v34  }
0x159: {  	v3 =	vadd.f32 v3, v40;
	v2 =	vmov v8;
	v8 =	vld [tilespmem:$0x1FFD0];
	v61 =	vpop (erf)  }
0x15a: {  	v34 =	vadd.f32 v6, v39;
	v40 =	vadd.f32 v1, v60;
	v1 =	vmov v7;
	v7 =	vld [tilespmem:$0x1FFB0];
	v6 =	vpop (erf)  }
0x15b: {  	v35 =	vadd.f32 v0, v6;
	v6 =	vmov v13;
	v13 =	vmov v14;
	v14 =	vld [tilespmem:$0x1FF60]  }
0x15c: {  	v37 =	vadd.f32 v5, v61;
	v5 =	vmov v12;
	v12 =	vmov v19;
	v19 =	vld [tilespmem:$0x1FFC0];
	v0 =	vpop (erf)  }
0x15d: {  	v39 =	vadd.f32 v3, v0;
	v3 =	vmov v10;
	v10 =	vld [tilespmem:$0x1FFE0]  }
.LBB2_10:
0x15e: {  	s23 =	sshll.u32 s22, $0x7  }
0x15f: {  	s23 =	sand.u32 $0x3FFFFF80, s23  }
0x160: {  	[tilespmem:s23+$0xB80] =	vst.add.f32.msk $0xffff, v40  }
0x161: {  	s22 =	sadd.s32 $0x1, s22;
	[tilespmem:s23+$0xB90] =	vst.add.f32.msk $0xffff, v39  }
0x162: {  	p0 =	sne.s32 s22, $0x10;
	[tilespmem:s23+$0xBA0] =	vst.add.f32.msk $0xffff, v36  }
.Ltmp3:
0x163: {  	[tilespmem:s23+$0xBB0] =	vst.add.f32.msk $0xffff, v33;
	(pc) =	sbr.rel @!p0 .LBB2_11-.Ltmp3, $4  }
0x164: {  	[tilespmem:s23+$0xBC0] =	vst.add.f32.msk $0xffff, v37  }
0x165: {  	[tilespmem:s23+$0xBD0] =	vst.add.f32.msk $0xffff, v34  }
0x166: {  	[tilespmem:s23+$0xBE0] =	vst.add.f32.msk $0xffff, v38  }
0x167: {  	[tilespmem:s23+$0xBF0] =	vst.add.f32.msk $0xffff, v35  }
.LBB2_2:
0x168: {  	v33 =	vld [tilespmem:s22+$0xB00]  }
0x169: {  	v34 =	vld [tilespmem:s22+$0xB10];
	_ =	sdelay $0x3  }
0x16a: {  	(v2sf) =	vpush v33, $0x0  }
0x16b: {  	(v2sf) =	vpush v34, $0x0;
	_ =	sdelay $0xd  }
0x16c: {  	s24 =	spop (v2sf)  }
0x16d: {  	s23 =	spop (v2sf);
	s25 =	sand.u32 $0x1, s24  }
0x16e: {  	p0 =	seq.s32 s25, $0x1;
	p1 =	sge.s32 s24, s23  }
0x16f: {  	p0 =	por p1, !p0  }
.Ltmp4:
0x170: {  	_ = 	snop;
	(pc) =	sbr.rel @p0 .LBB2_4-.Ltmp4, $1  }
0x171: {  	_ =	sdelay $0x3  }
0x172: {  	v33 =	vld.msk [tilespmem:s24+$0x0 ss:$0x0], $0xffff  }
0x173: {  	v34 =	vld.msk [tilespmem:s24+$0x480 ss:$0x0], $0xffff;
	_ =	sdelay $0x3  }
0x174: {  	v35 =	vsub.f32 v33, v1  }
0x175: {  	v36 =	vsub.f32 v34, v8;
	v37 =	vsub.f32 v33, v2  }
0x176: {  	v38 =	vsub.f32 v34, v9;
	v61 =	vsub.f32 v33, v63  }
0x177: {  	v32 =	vsub.f32 v34, v10;
	v39 =	vsub.f32 v33, v3  }
0x178: {  	v40 =	vsub.f32 v34, v11;
	v45 =	vsub.f32 v33, v4  }
0x179: {  	v47 =	vsub.f32 v34, v12;
	v48 =	vsub.f32 v33, v5  }
0x17a: {  	v49 =	vsub.f32 v34, v16;
	v41 =	vsub.f32 v33, v6  }
0x17b: {  	v42 =	vsub.f32 v34, v13;
	v35 =	vmul.f32 v35, v35;
	v36 =	vmul.f32 v36, v36  }
0x17c: {  	v33 =	vsub.f32 v33, v7;
	v37 =	vmul.f32 v37, v37;
	v38 =	vmul.f32 v38, v38  }
0x17d: {  	v34 =	vsub.f32 v34, v14;
	v39 =	vmul.f32 v39, v39;
	v40 =	vmul.f32 v40, v40  }
0x17e: {  	v41 =	vmul.f32 v41, v41;
	v42 =	vmul.f32 v42, v42  }
0x17f: {  	v33 =	vmul.f32 v33, v33;
	v34 =	vmul.f32 v34, v34  }
0x180: {  	v35 =	vmul.f32 v35, v20;
	v36 =	vmul.f32 v36, v29  }
0x181: {  	v37 =	vmul.f32 v37, v62;
	v38 =	vmul.f32 v38, v19  }
0x182: {  	v39 =	vmul.f32 v39, v17;
	v40 =	vmul.f32 v40, v21  }
0x183: {  	v50 =	vmul.f32 v41, v24;
	v51 =	vmul.f32 v42, v26  }
0x184: {  	v60 =	vadd.f32 v38, v37;
	v37 =	vmul.f32 v61, v61;
	v38 =	vmul.f32 v32, v32  }
0x185: {  	v33 =	vmul.f32 v33, v27;
	v34 =	vmul.f32 v34, v31  }
0x186: {  	v35 =	vadd.f32 v36, v35;
	v37 =	vmul.f32 v37, v15;
	v38 =	vmul.f32 v38, v30  }
0x187: {  	v46 =	vadd.f32 v40, v39;
	v39 =	vmul.f32 v48, v48;
	v40 =	vmul.f32 v49, v49  }
0x188: {  	v44 =	vadd.f32 v38, v37;
	v37 =	vmul.f32 v45, v45;
	v38 =	vmul.f32 v47, v47  }
0x189: {  	v35 =	vmul.f32 $1.442695020e+00, v35;
	v36 =	vmul.f32 $1.442695020e+00, v60  }
0x18a: {  	v37 =	vmul.f32 v37, v23;
	v38 =	vmul.f32 v38, v22  }
0x18b: {  	v39 =	vmul.f32 v39, v18;
	v40 =	vmul.f32 v40, v25  }
0x18c: {  	(erf) = vpow2.f32 v35;
	v35 =	vmul.f32 $1.442695020e+00, v44;
	v37 =	vadd.f32 v38, v37  }
0x18d: {  	v39 =	vadd.f32 v40, v39;
	(erf) = vpow2.f32 v36;
	v36 =	vmul.f32 $1.442695020e+00, v46  }
0x18e: {  	v52 =	vadd.f32 v51, v50;
	(erf) = vpow2.f32 v35;
	v37 =	vmul.f32 $1.442695020e+00, v37  }
0x18f: {  	v33 =	vadd.f32 v34, v33;
	v53 =	vmul.f32 $1.442695020e+00, v39;
	(erf) = vpow2.f32 v36  }
0x190: {  	v35 =	vmul.f32 $1.442695020e+00, v52;
	(erf) = vpow2.f32 v37  }
0x191: {  	v33 =	vmul.f32 $1.442695020e+00, v33;
	(erf) = vpow2.f32 v53  }
0x192: {  	(erf) = vpow2.f32 v35  }
0x193: {  	(erf) = vpow2.f32 v33  }
0x194: {  	s25 =	sshll.u32 s22, $0x7  }
0x195: {  	s25 =	sand.u32 $0x3FFFFF80, s25;
	v54 =	vpop (erf)  }
0x196: {  	v55 =	vpop (erf);
	[tilespmem:s25+$0xB80] =	vst.add.f32.msk $0xffff, v54  }
0x197: {  	[tilespmem:s25+$0xB90] =	vst.add.f32.msk $0xffff, v55;
	v56 =	vpop (erf)  }
0x198: {  	v57 =	vpop (erf);
	[tilespmem:s25+$0xBA0] =	vst.add.f32.msk $0xffff, v56  }
0x199: {  	[tilespmem:s25+$0xBB0] =	vst.add.f32.msk $0xffff, v57;
	v58 =	vpop (erf)  }
0x19a: {  	v59 =	vpop (erf);
	[tilespmem:s25+$0xBC0] =	vst.add.f32.msk $0xffff, v58  }
0x19b: {  	v60 =	vpop (erf);
	[tilespmem:s25+$0xBD0] =	vst.add.f32.msk $0xffff, v59  }
0x19c: {  	[tilespmem:s25+$0xBE0] =	vst.add.f32.msk $0xffff, v60;
	v61 =	vpop (erf)  }
0x19d: {  	[tilespmem:s25+$0xBF0] =	vst.add.f32.msk $0xffff, v61  }
.LBB2_4:
0x19e: {  	s26 =	sand.u32 $0x1, s23;
	s25 =	sadd.s32 $0xFFFFFFFF, s23  }
0x19f: {  	p0 =	seq.s32 s26, $0x1;
	p1 =	slt.s32 s25, s24  }
0x1a0: {  	p0 =	por p1, !p0  }
.Ltmp5:
0x1a1: {  	_ = 	snop;
	(pc) =	sbr.rel @p0 .LBB2_6-.Ltmp5, $1  }
0x1a2: {  	_ =	sdelay $0x3  }
0x1a3: {  	v33 =	vld.msk [tilespmem:s25+$0x0 ss:$0x0], $0xffff  }
0x1a4: {  	v34 =	vld.msk [tilespmem:s25+$0x480 ss:$0x0], $0xffff;
	_ =	sdelay $0x3  }
0x1a5: {  	v35 =	vsub.f32 v33, v1  }
0x1a6: {  	v36 =	vsub.f32 v34, v8;
	v37 =	vsub.f32 v33, v2  }
0x1a7: {  	v38 =	vsub.f32 v34, v9;
	v61 =	vsub.f32 v33, v63  }
0x1a8: {  	v32 =	vsub.f32 v34, v10;
	v39 =	vsub.f32 v33, v3  }
0x1a9: {  	v40 =	vsub.f32 v34, v11;
	v45 =	vsub.f32 v33, v4  }
0x1aa: {  	v47 =	vsub.f32 v34, v12;
	v48 =	vsub.f32 v33, v5  }
0x1ab: {  	v49 =	vsub.f32 v34, v16;
	v41 =	vsub.f32 v33, v6  }
0x1ac: {  	v42 =	vsub.f32 v34, v13;
	v35 =	vmul.f32 v35, v35;
	v36 =	vmul.f32 v36, v36  }
0x1ad: {  	v33 =	vsub.f32 v33, v7;
	v37 =	vmul.f32 v37, v37;
	v38 =	vmul.f32 v38, v38  }
0x1ae: {  	v34 =	vsub.f32 v34, v14;
	v39 =	vmul.f32 v39, v39;
	v40 =	vmul.f32 v40, v40  }
0x1af: {  	v41 =	vmul.f32 v41, v41;
	v42 =	vmul.f32 v42, v42  }
0x1b0: {  	v33 =	vmul.f32 v33, v33;
	v34 =	vmul.f32 v34, v34  }
0x1b1: {  	v35 =	vmul.f32 v35, v20;
	v36 =	vmul.f32 v36, v29  }
0x1b2: {  	v37 =	vmul.f32 v37, v62;
	v38 =	vmul.f32 v38, v19  }
0x1b3: {  	v39 =	vmul.f32 v39, v17;
	v40 =	vmul.f32 v40, v21  }
0x1b4: {  	v50 =	vmul.f32 v41, v24;
	v51 =	vmul.f32 v42, v26  }
0x1b5: {  	v60 =	vadd.f32 v38, v37;
	v37 =	vmul.f32 v61, v61;
	v38 =	vmul.f32 v32, v32  }
0x1b6: {  	v33 =	vmul.f32 v33, v27;
	v34 =	vmul.f32 v34, v31  }
0x1b7: {  	v35 =	vadd.f32 v36, v35;
	v37 =	vmul.f32 v37, v15;
	v38 =	vmul.f32 v38, v30  }
0x1b8: {  	v46 =	vadd.f32 v40, v39;
	v39 =	vmul.f32 v48, v48;
	v40 =	vmul.f32 v49, v49  }
0x1b9: {  	v44 =	vadd.f32 v38, v37;
	v37 =	vmul.f32 v45, v45;
	v38 =	vmul.f32 v47, v47  }
0x1ba: {  	v35 =	vmul.f32 $1.442695020e+00, v35;
	v36 =	vmul.f32 $1.442695020e+00, v60  }
0x1bb: {  	v37 =	vmul.f32 v37, v23;
	v38 =	vmul.f32 v38, v22  }
0x1bc: {  	v39 =	vmul.f32 v39, v18;
	v40 =	vmul.f32 v40, v25  }
0x1bd: {  	(erf) = vpow2.f32 v35;
	v35 =	vmul.f32 $1.442695020e+00, v44;
	v37 =	vadd.f32 v38, v37  }
0x1be: {  	v39 =	vadd.f32 v40, v39;
	(erf) = vpow2.f32 v36;
	v36 =	vmul.f32 $1.442695020e+00, v46  }
0x1bf: {  	v52 =	vadd.f32 v51, v50;
	(erf) = vpow2.f32 v35;
	v37 =	vmul.f32 $1.442695020e+00, v37  }
0x1c0: {  	v33 =	vadd.f32 v34, v33;
	v53 =	vmul.f32 $1.442695020e+00, v39;
	(erf) = vpow2.f32 v36  }
0x1c1: {  	v35 =	vmul.f32 $1.442695020e+00, v52;
	(erf) = vpow2.f32 v37  }
0x1c2: {  	v33 =	vmul.f32 $1.442695020e+00, v33;
	(erf) = vpow2.f32 v53  }
0x1c3: {  	(erf) = vpow2.f32 v35  }
0x1c4: {  	(erf) = vpow2.f32 v33  }
0x1c5: {  	s31 =	sshll.u32 s22, $0x7  }
0x1c6: {  	s25 =	sand.u32 $0x3FFFFF80, s31;
	v54 =	vpop (erf)  }
0x1c7: {  	v55 =	vpop (erf);
	[tilespmem:s25+$0xB80] =	vst.add.f32.msk $0xffff, v54  }
0x1c8: {  	[tilespmem:s25+$0xB90] =	vst.add.f32.msk $0xffff, v55;
	v56 =	vpop (erf)  }
0x1c9: {  	v57 =	vpop (erf);
	[tilespmem:s25+$0xBA0] =	vst.add.f32.msk $0xffff, v56  }
0x1ca: {  	[tilespmem:s25+$0xBB0] =	vst.add.f32.msk $0xffff, v57;
	v58 =	vpop (erf)  }
0x1cb: {  	v59 =	vpop (erf);
	[tilespmem:s25+$0xBC0] =	vst.add.f32.msk $0xffff, v58  }
0x1cc: {  	v60 =	vpop (erf);
	[tilespmem:s25+$0xBD0] =	vst.add.f32.msk $0xffff, v59  }
0x1cd: {  	[tilespmem:s25+$0xBE0] =	vst.add.f32.msk $0xffff, v60;
	v61 =	vpop (erf)  }
0x1ce: {  	[tilespmem:s25+$0xBF0] =	vst.add.f32.msk $0xffff, v61  }
.LBB2_6:
0x1cf: {  	s24 =	sadd.s32 $0x1, s24  }
0x1d0: {  	s23 =	sshrl.u32 s23, $0x1;
	s24 =	sshrl.u32 s24, $0x1  }
0x1d1: {  	p0 =	sle.u32 s23, s24  }
.Ltmp6:
0x1d2: {  	_ = 	snop;
	(pc) =	sbr.rel @p0 .LBB2_10-.Ltmp6, $4  }
0x1d3: {  	_ = 	snop  }
0x1d4: {  	v40 =	vimm.f32 $0.0e+00;
	v39 =	vimm.f32 $0.0e+00  }
0x1d5: {  	v36 =	vimm.f32 $0.0e+00;
	v33 =	vimm.f32 $0.0e+00;
	v37 =	vimm.f32 $0.0e+00  }
0x1d6: {  	v34 =	vimm.f32 $0.0e+00;
	v38 =	vimm.f32 $0.0e+00;
	v35 =	vimm.f32 $0.0e+00  }
0x1d7: {  	s25 =	sshll.u32 s24, $0x3  }
0x1d8: {  	s25 =	sshra.s32 s25, $0x2  }
0x1d9: {  	v34 =	vld [tilespmem:s25+$0x0];
	_ =	sdelay $0x4  }
0x1da: {  	s26 =	sadd.s32 $0x480, s25;
	v36 =	vbroadcast v34, $0x0;
	v34 =	vbroadcast v34, $0x1  }
0x1db: {  	v33 =	vld [tilespmem:s26+$0x0]  }
0x1dc: {  	v44 =	vsub.f32 v34, v4  }
0x1dd: {  	v46 =	vsub.f32 v34, v5;
	v48 =	vsub.f32 v34, v63  }
0x1de: {  	v49 =	vsub.f32 v36, v63;
	v51 =	vsub.f32 v36, v4  }
0x1df: {  	v61 =	vsub.f32 v36, v5;
	v53 =	vsub.f32 v36, v3  }
0x1e0: {  	v35 =	vbroadcast v33, $0x0;
	v55 =	vsub.f32 v34, v3;
	v57 =	vsub.f32 v36, v2  }
0x1e1: {  	v33 =	vbroadcast v33, $0x1;
	v58 =	vsub.f32 v36, v1;
	v59 =	vsub.f32 v36, v6  }
0x1e2: {  	v36 =	vsub.f32 v36, v7;
	v37 =	vsub.f32 v35, v8  }
0x1e3: {  	v38 =	vsub.f32 v35, v9;
	v39 =	vsub.f32 v33, v9  }
0x1e4: {  	v40 =	vsub.f32 v35, v10;
	v41 =	vsub.f32 v35, v11;
	v46 =	vmul.f32 v46, v46  }
0x1e5: {  	v42 =	vsub.f32 v35, v12;
	v51 =	vmul.f32 v51, v51;
	v44 =	vmul.f32 v44, v44  }
0x1e6: {  	v43 =	vsub.f32 v35, v16;
	v48 =	vmul.f32 v48, v48;
	v49 =	vmul.f32 v49, v49  }
0x1e7: {  	v45 =	vsub.f32 v35, v13;
	v53 =	vmul.f32 v53, v53;
	v55 =	vmul.f32 v55, v55  }
0x1e8: {  	v47 =	vsub.f32 v33, v16;
	v57 =	vmul.f32 v57, v57;
	v36 =	vmul.f32 v36, v36  }
0x1e9: {  	v50 =	vsub.f32 v33, v8;
	v38 =	vmul.f32 v38, v38;
	v37 =	vmul.f32 v37, v37  }
0x1ea: {  	v52 =	vsub.f32 v33, v10;
	v40 =	vmul.f32 v40, v40;
	v42 =	vmul.f32 v42, v42  }
0x1eb: {  	v54 =	vsub.f32 v33, v11;
	v43 =	vmul.f32 v43, v43;
	v45 =	vmul.f32 v45, v45  }
0x1ec: {  	v56 =	vsub.f32 v33, v12;
	v47 =	vmul.f32 v47, v47;
	v39 =	vmul.f32 v39, v39  }
0x1ed: {  	v35 =	vsub.f32 v35, v14;
	v50 =	vmul.f32 v50, v50;
	v41 =	vmul.f32 v41, v41  }
0x1ee: {  	v52 =	vmul.f32 v52, v52;
	v54 =	vmul.f32 v54, v54  }
0x1ef: {  	v32 =	vmul.f32 v56, v56;
	v35 =	vmul.f32 v35, v35  }
0x1f0: {  	v46 =	vmul.f32 v46, v18;
	v48 =	vmul.f32 v48, v15  }
0x1f1: {  	v49 =	vmul.f32 v49, v15;
	v53 =	vmul.f32 v53, v17  }
0x1f2: {  	v55 =	vmul.f32 v55, v17;
	v60 =	vmul.f32 v57, v62  }
0x1f3: {  	v56 =	vmul.f32 v44, v23;
	v40 =	vmul.f32 v40, v30  }
0x1f4: {  	v37 =	vmul.f32 v37, v29;
	v43 =	vmul.f32 v43, v25  }
0x1f5: {  	v45 =	vmul.f32 v45, v26;
	v42 =	vmul.f32 v42, v22  }
0x1f6: {  	v47 =	vmul.f32 v47, v25;
	v38 =	vmul.f32 v38, v19  }
0x1f7: {  	v39 =	vmul.f32 v39, v19;
	v41 =	vmul.f32 v41, v21  }
0x1f8: {  	v54 =	vmul.f32 v54, v21;
	v57 =	vmul.f32 v32, v22  }
0x1f9: {  	v52 =	vmul.f32 v52, v30;
	v46 =	vadd.f32 v47, v46;
	v47 =	vmul.f32 v61, v61  }
0x1fa: {  	v41 =	vadd.f32 v41, v53;
	v54 =	vadd.f32 v54, v55;
	v55 =	vmul.f32 v59, v59  }
0x1fb: {  	v40 =	vadd.f32 v40, v49;
	v61 =	vmul.f32 v58, v58;
	v46 =	vmul.f32 $1.442695020e+00, v46  }
0x1fc: {  	v38 =	vadd.f32 v38, v60;
	v47 =	vmul.f32 v47, v18;
	v41 =	vmul.f32 $1.442695020e+00, v41  }
0x1fd: {  	v60 =	vsub.f32 v34, v2;
	v54 =	vmul.f32 $1.442695020e+00, v54;
	v49 =	vmul.f32 v61, v20  }
0x1fe: {  	v0 =	vsub.f32 v33, v13;
	v40 =	vmul.f32 $1.442695020e+00, v40;
	v38 =	vmul.f32 $1.442695020e+00, v38  }
0x1ff: {  	v61 =	vmul.f32 v60, v60;
	v58 =	vmul.f32 v55, v24  }
0x200: {  	v32 =	vsub.f32 v34, v1;
	(erf) = vpow2.f32 v46;
	v46 =	vmul.f32 v0, v0  }
0x201: {  	v37 =	vadd.f32 v37, v49;
	v49 =	vmul.f32 v36, v27;
	v60 =	vmul.f32 v61, v62  }
0x202: {  	v0 =	vsub.f32 v34, v7;
	v61 =	vmul.f32 v51, v23;
	(erf) = vpow2.f32 v40  }
0x203: {  	v33 =	vsub.f32 v33, v14;
	v40 =	vmul.f32 v32, v32;
	v53 =	vmul.f32 v46, v26  }
0x204: {  	v48 =	vadd.f32 v52, v48;
	v44 =	vmul.f32 v0, v0;
	v46 =	vmul.f32 v50, v29  }
0x205: {  	v34 =	vsub.f32 v34, v6;
	v37 =	vmul.f32 $1.442695020e+00, v37;
	(erf) = vpow2.f32 v54  }
0x206: {  	v54 =	vmul.f32 $1.442695020e+00, v48;
	(erf) = vpow2.f32 v41  }
0x207: {  	v8 =	vmovc v2;
	v59 =	vadd.f32 v45, v58;
	v0 =	vmul.f32 v33, v33;
	v34 =	vmul.f32 v34, v34  }
0x208: {  	v10 =	vmovc v3;
	v11 =	vmovc v4;
	v33 =	vimm.f32 $0.0e+00;
	v48 =	vadd.f32 v43, v47;
	(erf) = vpow2.f32 v37  }
0x209: {  	s23 =	ssub.s32 s23, s24;
	v14 =	vmovc v13;
	v13 =	vmovc v6;
	v47 =	vadd.f32 v57, v56;
	v36 =	vmul.f32 $1.442695020e+00, v59;
	v45 =	vadd.f32 v39, v60  }
0x20a: {  	p0 =	sne.s32 s23, $0x1;
	v19 =	vmovc v12;
	v12 =	vmovc v5;
	v43 =	vadd.f32 v42, v61;
	v34 =	vmul.f32 v34, v24;
	(erf) = vpow2.f32 v38  }
.Ltmp7:
0x20b: {  	v7 =	vmovc v1;
	v26 =	vmovc v22;
	v52 =	vmul.f32 v40, v20;
	v41 =	vimm.f32 $0.0e+00;
	v40 =	vimm.f32 $0.0e+00;
	(pc) =	sbr.rel @!p0 .LBB2_9-.Ltmp7, $4  }
0x20c: {  	v44 =	vmul.f32 v44, v27;
	v50 =	vmul.f32 v0, v31;
	v34 =	vadd.f32 v53, v34;
	v39 =	vpop (erf)  }
0x20d: {  	v37 =	vimm.f32 $0.0e+00;
	v38 =	vimm.f32 $0.0e+00;
	(erf) = vpow2.f32 v54;
	v42 =	vpop (erf)  }
0x20e: {  	v53 =	vmul.f32 v35, v31;
	v35 =	vimm.f32 $0.0e+00;
	v55 =	vmul.f32 $1.442695020e+00, v34;
	v51 =	vpop (erf)  }
0x20f: {  	s23 =	sadd.s32 $0xFFFFFFFF, s23;
	s24 =	sadd.s32 $0x2, s25;
	s25 =	sadd.s32 $0x2, s26;
	v34 =	vimm.f32 $0.0e+00;
	(erf) = vpow2.f32 v36;
	v36 =	vimm.f32 $0.0e+00;
	v54 =	vpop (erf)  }
.LBB2_8:
0x210: {  	v46 =	vadd.f32 v46, v52;
	v33 =	vadd.f32 v54, v33  }
0x211: {  	v56 =	vld [tilespmem:s25+$0x0];
	v48 =	vmul.f32 $1.442695020e+00, v48;
	v49 =	vadd.f32 v53, v49;
	v58 =	vpop (erf);
	(erf) = vpow2.f32 v55  }
0x212: {  	v57 =	vld [tilespmem:s24+$0x0];
	v36 =	vadd.f32 v42, v36;
	v59 =	vmul.f32 $1.442695020e+00, v43;
	v47 =	vmul.f32 $1.442695020e+00, v47  }
0x213: {  	v2 =	vadd.f32 v50, v44;
	v0 =	vld [tilespmem:$0x1FFD0];
	v60 =	vpop (erf);
	(erf) = vpow2.f32 v48;
	v61 =	vmul.f32 $1.442695020e+00, v49  }
0x214: {  	v3 =	vld [tilespmem:$0x1FFF0];
	v41 =	vadd.f32 v58, v41;
	v1 =	vmul.f32 $1.442695020e+00, v46;
	(erf) = vpow2.f32 v59  }
0x215: {  	v33 =	vadd.f32 v33, v51;
	v58 =	vmul.f32 $1.442695020e+00, v2;
	(erf) = vpow2.f32 v61  }
0x216: {  	v40 =	vadd.f32 v60, v40;
	v49 =	vbroadcast v56, $0x0;
	v44 =	vbroadcast v56, $0x1;
	v56 =	vpop (erf)  }
0x217: {  	v61 =	vmul.f32 $1.442695020e+00, v45;
	v48 =	vbroadcast v57, $0x0;
	v36 =	vadd.f32 v36, v56  }
0x218: {  	v42 =	vbroadcast v57, $0x1;
	v32 =	vsub.f32 v49, v0;
	v57 =	vsub.f32 v49, v9  }
0x219: {  	(erf) = vpow2.f32 v1;
	v52 =	vsub.f32 v44, v9;
	v51 =	vsub.f32 v49, v3  }
0x21a: {  	v50 =	vpop (erf);
	(erf) = vpow2.f32 v47;
	v60 =	vsub.f32 v49, v19;
	v56 =	vsub.f32 v42, v11  }
0x21b: {  	v1 =	vld [tilespmem:$0x1FFE0];
	v55 =	vsub.f32 v42, v12;
	v37 =	vadd.f32 v50, v37;
	v47 =	vmul.f32 v57, v57  }
0x21c: {  	v0 =	vsub.f32 v44, v0;
	v54 =	vpop (erf);
	(erf) = vpow2.f32 v58;
	v43 =	vmul.f32 v32, v32  }
0x21d: {  	v4 =	vld [tilespmem:$0x1FFC0];
	v3 =	vsub.f32 v44, v3;
	v46 =	vmul.f32 v60, v60;
	v55 =	vmul.f32 v55, v55  }
0x21e: {  	v60 =	vsub.f32 v49, v16;
	v0 =	vmul.f32 v0, v0;
	v52 =	vmul.f32 v52, v52  }
0x21f: {  	v57 =	vsub.f32 v49, v14;
	v56 =	vmul.f32 v56, v56;
	v51 =	vmul.f32 v51, v51  }
0x220: {  	v3 =	vmul.f32 v3, v3;
	v59 =	vsub.f32 v49, v1;
	v37 =	vadd.f32 v37, v54  }
0x221: {  	v18 =	vld [tilespmem:$0x1FFA0];
	v45 =	vpop (erf);
	(erf) = vpow2.f32 v61;
	v2 =	vmul.f32 v57, v57;
	v57 =	vsub.f32 v48, v63  }
0x222: {  	v15 =	vmovc v31;
	v47 =	vmul.f32 v47, v4;
	v54 =	vmul.f32 v52, v4;
	v52 =	vsub.f32 v44, v19  }
0x223: {  	v3 =	vmul.f32 v3, v21;
	v53 =	vmul.f32 v59, v59;
	v35 =	vadd.f32 v45, v35;
	v61 =	vpop (erf)  }
0x224: {  	v31 =	vmovc v29;
	v32 =	vld [tilespmem:$0x1FF90];
	v59 =	vmul.f32 v43, v29;
	v29 =	vmovc v24;
	v24 =	vmov v62;
	v62 =	vsub.f32 v44, v16  }
0x225: {  	v43 =	vmul.f32 v60, v60;
	v38 =	vadd.f32 v61, v38;
	v61 =	vsub.f32 v42, v63  }
0x226: {  	v45 =	vmul.f32 v2, v18;
	v2 =	vsub.f32 v48, v11;
	v53 =	vmul.f32 v53, v30  }
0x227: {  	v58 =	vpop (erf);
	v22 =	vmul.f32 v43, v25;
	v35 =	vadd.f32 v35, v39;
	v39 =	vsub.f32 v44, v1  }
0x228: {  	v6 =	vld [tilespmem:$0x1FF70];
	v43 =	vmul.f32 v46, v26;
	v46 =	vsub.f32 v48, v12;
	v34 =	vadd.f32 v58, v34  }
0x229: {  	v60 =	vpop (erf);
	v1 =	vsub.f32 v48, v10;
	v62 =	vmul.f32 v62, v62;
	v55 =	vmul.f32 v55, v32  }
0x22a: {  	v17 =	vld [tilespmem:$0x1FF80];
	v50 =	vpop (erf);
	v2 =	vmul.f32 v2, v2;
	v41 =	vadd.f32 v41, v60;
	v60 =	vsub.f32 v42, v7  }
0x22b: {  	v61 =	vmul.f32 v61, v61;
	v38 =	vadd.f32 v38, v50;
	v62 =	vmul.f32 v62, v25  }
0x22c: {  	v50 =	vsub.f32 v42, v10;
	v4 =	vmul.f32 v39, v39;
	v39 =	vmul.f32 v46, v46  }
0x22d: {  	v5 =	vld [tilespmem:$0x1FFB0];
	v1 =	vmul.f32 v1, v1;
	v61 =	vmul.f32 v61, v6;
	v55 =	vadd.f32 v62, v55  }
0x22e: {  	v46 =	vsub.f32 v44, v14;
	v2 =	vmul.f32 v2, v23;
	v50 =	vmul.f32 v50, v50  }
0x22f: {  	v58 =	vpop (erf);
	v62 =	vsub.f32 v48, v8;
	v1 =	vmul.f32 v1, v17;
	v55 =	vmul.f32 $1.442695020e+00, v55  }
0x230: {  	v28 =	vld [tilespmem:$0x1FF60];
	v34 =	vadd.f32 v34, v58;
	v58 =	vpop (erf);
	v50 =	vmul.f32 v50, v17;
	v17 =	vmul.f32 v39, v32  }
0x231: {  	v39 =	vmul.f32 v62, v62;
	v40 =	vadd.f32 v40, v58;
	v58 =	vsub.f32 v48, v7  }
0x232: {  	(erf) = vpow2.f32 v55;
	v55 =	vmul.f32 v57, v57;
	v57 =	vsub.f32 v42, v5  }
0x233: {  	v46 =	vmul.f32 v46, v46;
	v5 =	vsub.f32 v48, v5;
	v48 =	vsub.f32 v48, v13;
	v62 =	vmovc v24  }
0x234: {  	v3 =	vadd.f32 v3, v50;
	v32 =	vmul.f32 v39, v62;
	v55 =	vmul.f32 v55, v6  }
0x235: {  	v6 =	vsub.f32 v49, v28;
	v49 =	vmul.f32 v51, v21;
	v50 =	vmul.f32 v48, v48  }
0x236: {  	v3 =	vmul.f32 $1.442695020e+00, v3;
	v5 =	vmul.f32 v5, v5;
	v51 =	vadd.f32 v53, v55  }
0x237: {  	v53 =	vmul.f32 v46, v18;
	v55 =	vsub.f32 v44, v28;
	v44 =	vmul.f32 v52, v52  }
0x238: {  	v1 =	vadd.f32 v49, v1;
	v52 =	vmul.f32 v58, v58;
	v58 =	vmul.f32 v56, v23  }
0x239: {  	v46 =	vadd.f32 v47, v32;
	v32 =	vmul.f32 v57, v57;
	v56 =	vmul.f32 v4, v30  }
0x23a: {  	v57 =	vmul.f32 v60, v60;
	v1 =	vmul.f32 $1.442695020e+00, v1  }
0x23b: {  	v44 =	vmul.f32 v44, v26;
	v51 =	vmul.f32 $1.442695020e+00, v51  }
0x23c: {  	v24 =	vmovc v29;
	v29 =	vmov v31;
	v49 =	vmul.f32 v52, v20;
	v52 =	vmul.f32 $1.442695020e+00, v46  }
0x23d: {  	v60 =	vsub.f32 v42, v13;
	v46 =	vmul.f32 v0, v29;
	v39 =	vpop (erf);
	(erf) = vpow2.f32 v51  }
0x23e: {  	v0 =	vadd.f32 v56, v61;
	v55 =	vmul.f32 v55, v55;
	(erf) = vpow2.f32 v3  }
0x23f: {  	v61 =	vmul.f32 v50, v24;
	v47 =	vadd.f32 v44, v58;
	(erf) = vpow2.f32 v1  }
0x240: {  	v4 =	vadd.f32 v59, v49;
	v44 =	vmul.f32 v32, v27;
	v0 =	vmul.f32 $1.442695020e+00, v0  }
0x241: {  	v58 =	vsub.f32 v42, v8;
	v49 =	vmul.f32 v5, v27;
	v5 =	vmul.f32 v6, v6  }
0x242: {  	v4 =	vmul.f32 $1.442695020e+00, v4;
	v3 =	vmul.f32 v60, v60  }
0x243: {  	p0 =	sne.s32 s23, $0x1;
	v50 =	vmul.f32 v55, v15;
	v59 =	vmul.f32 v58, v58  }
.Ltmp8:
0x244: {  	(erf) = vpow2.f32 v4;
	v4 =	vadd.f32 v45, v61;
	v3 =	vmul.f32 v3, v24;
	(pc) =	sbr.rel @p0 .LBB2_8-.Ltmp8, $4  }
0x245: {  	v43 =	vadd.f32 v43, v2;
	v31 =	vmovc v15;
	v1 =	vmul.f32 v59, v62;
	(erf) = vpow2.f32 v52  }
0x246: {  	v52 =	vmul.f32 v57, v20;
	v4 =	vmul.f32 $1.442695020e+00, v4;
	v3 =	vadd.f32 v53, v3;
	v42 =	vpop (erf)  }
0x247: {  	v48 =	vadd.f32 v22, v17;
	v53 =	vmul.f32 v5, v15;
	(erf) = vpow2.f32 v0;
	v51 =	vpop (erf)  }
0x248: {  	s23 =	sadd.s32 $0xFFFFFFFF, s23;
	s24 =	sadd.s32 $0x2, s24;
	s25 =	sadd.s32 $0x2, s25;
	v45 =	vadd.f32 v54, v1;
	v55 =	vmul.f32 $1.442695020e+00, v3;
	v54 =	vpop (erf);
	(erf) = vpow2.f32 v4  }
.Ltmp9:
0x249: {  	_ = 	snop;
	(pc) =	sbr.rel .LBB2_9-.Ltmp9, $1  }
0x24a: {  	_ =	sdelay $0x3  }
.LBB2_12:
0x24b: {  	_ =	sfence.sel $0x180000  }
0x24c: {  	[bflag:$0x0] =	sbarrier.arrive $0xFFFF  }
0x24d: {  	p0 =	sne.s32 s2, $0x0;
	_ =	strace $0x90000047  }
0x24e: {  	s0 =	sadd.s32 @!p0 $0x100000, s0;
	[bflag:$0x2] =	sbarrier.arrive $0xFFFF  }
0x24f: {  	[sflag:s0] =	ssyncadd.tile.s32 @!p0 $0x1;
	_ =	shalt  }
.Lfunc_end2:
_tile_overlayer_lowered:
.L_overlay_start_2:
0x250: {  	(tag) =	ssettag $0x2  }
0x251: {  	s0 =	rddreg [dreg:$0x0];
	s2 =	stileid.u32  }
0x252: {  	s1 =	rddreg [dreg:$0x1];
	p0 =	sne.s32 s2, $0x0  }
0x253: {  	s3 =	rddreg [dreg:$0x2];
	[bflag:$0x3] =	sbarrier.arrive $0xFFFF;
	s2 =	simm.s32 @!p0 $0x1C01  }
0x254: {  	[timem:s3], [sflag:s2] =	dma.local @!p0 [hbm:s0], s1  }
0x255: {  	s0 =	simm.s32 @!p0 $0x1  }
0x256: {  	_ =	swait.ge @!p0 [sflag:s0], s1  }
0x257: {  	s1 =	ssub.s32 @!p0 $0x0, s1;
	[sflag:s0] =	ssyncset.done @!p0 $0x0  }
0x258: {  	[sflag:s0] =	ssyncadd.s32 @!p0 s1  }
0x259: {  	[bflag:$0x3] =	sbarrier.arrive $0xFFFF  }
0x25a: {  	_ =	shalt  }

</sc_bundles>
